<compile_context>
chip_gen: v7x
topology: tpu7x:2x2x1
jax: 0.10.2.dev20260603
libtpu: 0.0.44.dev20260713+nightly
codegen_flags: <defaults>
</compile_context>

<pallas_src>
import functools

import jax
import jax.numpy as jnp
from jax import lax
from jax.experimental import pallas as pl
from jax.experimental.pallas import tpu as pltpu
from jax.experimental.pallas import tpu_sc as plsc

N = 10000
E = 320000
D = 128

NC = 2
NS = 16
NW = NC * NS
EPW = E // NW
C = 80
NCHUNK = EPW // C
N2 = 10240
RPT = N2 // NS
ZR = 64

_MESH = plsc.VectorSubcoreMesh(
    core_axis_name="c", subcore_axis_name="s", num_cores=NC, num_subcores=NS
)


def _sc_agg_body(h_hbm, src_hbm, dst_hbm, zrows_hbm, agg_out,
                 sidx, didx, rows, agg_sh, sem, rows1, sem1, zbuf):
    cid = lax.axis_index("c")
    sid = lax.axis_index("s")
    wid = cid * NS + sid

    pltpu.sync_copy(src_hbm.at[wid], sidx)
    pltpu.sync_copy(dst_hbm.at[wid], didx)

    H = C // 2

    def gstart(j, buf, gsem):
        pltpu.async_copy(
            h_hbm.at[sidx.at[j, pl.ds(0, H)]], buf.at[pl.ds(0, H)], gsem)
        pltpu.async_copy(
            h_hbm.at[sidx.at[j, pl.ds(H, H)]], buf.at[pl.ds(H, H)], gsem)

    def gwait(buf, gsem):
        pltpu.make_async_copy(h_hbm.at[sidx.at[0]], buf, gsem).wait()

    gstart(0, rows, sem)
    gstart(1, rows1, sem1)

    pltpu.sync_copy(zrows_hbm, zbuf)
    zbase = sid * RPT
    for j in range(RPT // ZR):
        pltpu.sync_copy(zbuf, agg_sh.at[pl.ds(zbase + j * ZR, ZR)])
    plsc.subcore_barrier()

    def eloop(g, carry):
        j = 2 * g
        gwait(rows, sem)
        pltpu.sync_copy(rows, agg_sh.at[didx.at[j]], add=True)
        gstart(j + 2, rows, sem)
        gwait(rows1, sem1)
        pltpu.sync_copy(rows1, agg_sh.at[didx.at[j + 1]], add=True)
        gstart(j + 3, rows1, sem1)
        return carry

    lax.fori_loop(0, NCHUNK // 2 - 1, eloop, 0)
    gwait(rows, sem)
    pltpu.sync_copy(rows, agg_sh.at[didx.at[NCHUNK - 3]], add=True)
    gstart(NCHUNK - 1, rows, sem)
    gwait(rows1, sem1)
    pltpu.sync_copy(rows1, agg_sh.at[didx.at[NCHUNK - 2]], add=True)
    gwait(rows, sem)
    pltpu.sync_copy(rows, agg_sh.at[didx.at[NCHUNK - 1]], add=True)
    plsc.subcore_barrier()

    pltpu.sync_copy(
        agg_sh.at[pl.ds(zbase, RPT)], agg_out.at[cid, pl.ds(zbase, RPT)]
    )


def _sc_deg_body(dst_hbm, zdeg_hbm, ones_hbm, deg_out,
                 didx, ones_v, deg_sh):
    cid = lax.axis_index("c")
    sid = lax.axis_index("s")
    wid = cid * NS + sid

    zbase = sid * RPT
    pltpu.sync_copy(ones_hbm, ones_v)
    pltpu.sync_copy(zdeg_hbm, deg_sh.at[pl.ds(zbase, RPT)])
    plsc.subcore_barrier()

    pltpu.sync_copy(dst_hbm.at[wid], didx)

    def dloop(i, carry):
        pltpu.sync_copy(ones_v, deg_sh.at[didx.at[i]], add=True)
        return carry

    lax.fori_loop(0, NCHUNK, dloop, 0)
    plsc.subcore_barrier()

    pltpu.sync_copy(
        deg_sh.at[pl.ds(zbase, RPT)], deg_out.at[cid, pl.ds(zbase, RPT)]
    )


_sc_agg = pl.kernel(
    _sc_agg_body,
    out_type=jax.ShapeDtypeStruct((NC, N2, D), jnp.float32),
    mesh=_MESH,
    scratch_types=[
        pltpu.VMEM((NCHUNK, C), jnp.int32),
        pltpu.VMEM((NCHUNK, C), jnp.int32),
        pltpu.VMEM((C, D), jnp.float32),
        pltpu.VMEM_SHARED((N2, D), jnp.float32),
        pltpu.SemaphoreType.DMA,
        pltpu.VMEM((C, D), jnp.float32),
        pltpu.SemaphoreType.DMA,
        pltpu.VMEM((ZR, D), jnp.float32),
    ],
    compiler_params=pltpu.CompilerParams(use_tc_tiling_on_sc=False),
)

_sc_deg = pl.kernel(
    _sc_deg_body,
    out_type=jax.ShapeDtypeStruct((NC, N2, 16), jnp.float32),
    mesh=_MESH,
    scratch_types=[
        pltpu.VMEM((NCHUNK, C), jnp.int32),
        pltpu.VMEM((C, 16), jnp.float32),
        pltpu.VMEM_SHARED((N2, 16), jnp.float32),
    ],
    compiler_params=pltpu.CompilerParams(use_tc_tiling_on_sc=False),
)


def _dense_body(relu_norm, h_ref, agg_ref, degt_ref, ws_ref, wn_ref, b_ref,
                o_ref):
    h = h_ref[...]
    agg = agg_ref[0] + agg_ref[1]
    deg = degt_ref[0][:, 0:1] + degt_ref[1][:, 0:1]
    deg = jnp.maximum(deg, 1.0)
    hn = agg / deg
    out = jnp.dot(h, ws_ref[...], preferred_element_type=jnp.float32)
    out = out + jnp.dot(hn, wn_ref[...], preferred_element_type=jnp.float32)
    out = out + b_ref[...]
    if relu_norm:
        out = jnp.maximum(out, 0.0)
        nrm = jnp.sqrt(jnp.sum(out * out, axis=-1, keepdims=True))
        out = out / jnp.maximum(nrm, 1e-12)
    o_ref[...] = out


R = 1000


def _dense(h, aggp, degt, Ws, Wn, b, relu_norm):
    return pl.pallas_call(
        functools.partial(_dense_body, relu_norm),
        grid=(N // R,),
        in_specs=[
            pl.BlockSpec((R, D), lambda i: (i, 0)),
            pl.BlockSpec((NC, R, D), lambda i: (0, i, 0)),
            pl.BlockSpec((NC, R, 16), lambda i: (0, i, 0)),
            pl.BlockSpec((D, D), lambda i: (0, 0)),
            pl.BlockSpec((D, D), lambda i: (0, 0)),
            pl.BlockSpec((1, D), lambda i: (0, 0)),
        ],
        out_specs=pl.BlockSpec((R, D), lambda i: (i, 0)),
        out_shape=jax.ShapeDtypeStruct((N, D), jnp.float32),
    )(h, aggp, degt, Ws, Wn, b.reshape(1, D))


def kernel(x, edge_index, W_self0, W_neigh0, b0, W_self1, W_neigh1, b1,
           W_self2, W_neigh2, b2):
    src = edge_index[0].reshape(NW, NCHUNK, C)
    dst = edge_index[1].reshape(NW, NCHUNK, C)
    zrows = jnp.zeros((ZR, D), jnp.float32)

    zdeg = jnp.zeros((RPT, 16), jnp.float32)
    ones = jnp.ones((C, 16), jnp.float32)

    degt = _sc_deg(dst, zdeg, ones)
    aggp = _sc_agg(x, src, dst, zrows)
    h = _dense(x, aggp, degt, W_self0, W_neigh0, b0, True)
    aggp = _sc_agg(h, src, dst, zrows)
    h = _dense(h, aggp, degt, W_self1, W_neigh1, b1, True)
    aggp = _sc_agg(h, src, dst, zrows)
    return _dense(h, aggp, degt, W_self2, W_neigh2, b2, False)

# --- scband reference (transcript-rebuilt; emitter-appended) ---
"""Pipeline reference for scband-encoder-35656818492018 (READ-ONLY COPY).

The authoritative reference and input builder live on the scoring server;
editing this copy changes nothing except your own understanding.
"""

import jax, jax.numpy as jnp
import numpy as np

N = 10000
E = 320000
D = 128


def setup_inputs(seed: int = 0) -> dict:
    key = jax.random.key(seed)
    ks = jax.random.split(key, 12)
    x = jax.random.normal(ks[0], (N, D), dtype=jnp.float32)
    edge_index = jax.random.randint(ks[1], (2, E), 0, N, dtype=jnp.int32)
    scale = 1.0 / np.sqrt(D)
    inp = {"x": x, "edge_index": edge_index}
    for i in range(3):
        inp[f"W_self{i}"] = jax.random.normal(ks[2 + 3 * i], (D, D), dtype=jnp.float32) * scale
        inp[f"W_neigh{i}"] = jax.random.normal(ks[3 + 3 * i], (D, D), dtype=jnp.float32) * scale
        inp[f"b{i}"] = jnp.zeros((D,), dtype=jnp.float32)
    return inp


def _l2_normalize(h):
    # F.normalize(p=2, dim=-1, eps=1e-12)
    nrm = jnp.linalg.norm(h, axis=-1, keepdims=True)
    return h / jnp.maximum(nrm, 1e-12)


def reference(x, edge_index, W_self0, W_neigh0, b0, W_self1, W_neigh1, b1, W_self2, W_neigh2, b2):
    # Encoder with 3 SAGEConv('mean') layers; dropout is identity at eval time.
    # SAGEConv(mean): h_neigh = mean_{u in N(v)} h_u; out = h_v @ W_self + h_neigh @ W_neigh + b
    # Layers 0..n-2 apply ReLU activation then F.normalize; last layer is plain.
    src = edge_index[0]
    dst = edge_index[1]
    params = [(W_self0, W_neigh0, b0), (W_self1, W_neigh1, b1), (W_self2, W_neigh2, b2)]
    h = x
    deg = jax.ops.segment_sum(jnp.ones((E,), dtype=x.dtype), dst, num_segments=N)
    deg = jnp.maximum(deg, 1.0)[:, None]
    for i, (Ws, Wn, b) in enumerate(params):
        msg = h[src]  # gather: edge-level messages
        agg = jax.ops.segment_sum(msg, dst, num_segments=N)  # scatter-add
        h_neigh = agg / deg
        out = h @ Ws + h_neigh @ Wn + b
        if i < len(params) - 1:
            out = jax.nn.relu(out)
            out = _l2_normalize(out)
        h = out
    return h

if __name__ == "__main__":
    import jax
    _d = setup_inputs()
    print(jax.jit(kernel)(*tuple(_d.values())))

</pallas_src>

<mosaic_0001>
#map = affine_map<(d0, d1) -> (0, 0)>
#map1 = affine_map<(d0, d1) -> (0, 0, 0)>
module attributes {stable_mosaic.version = 14 : i64} {
  func.func @_sc_agg_body(%arg0: i32, %arg1: i32, %arg2: memref<10000x128xf32, #tpu.memory_space<hbm>>, %arg3: memref<32x125x80xi32, #tpu.memory_space<hbm>>, %arg4: memref<32x125x80xi32, #tpu.memory_space<hbm>>, %arg5: memref<64x128xf32, #tpu.memory_space<hbm>>, %arg6: memref<2x10240x128xf32, #tpu.memory_space<hbm>>, %arg7: memref<125x80xi32, #tpu.memory_space<vmem>>, %arg8: memref<125x80xi32, #tpu.memory_space<vmem>>, %arg9: memref<80x128xf32, #tpu.memory_space<vmem>>, %arg10: memref<10240x128xf32, #tpu.memory_space<vmem_shared>>, %arg11: memref<!tpu.dma_semaphore, #tpu.memory_space<semaphore_mem>>, %arg12: memref<80x128xf32, #tpu.memory_space<vmem>>, %arg13: memref<!tpu.dma_semaphore, #tpu.memory_space<semaphore_mem>>, %arg14: memref<64x128xf32, #tpu.memory_space<vmem>>) attributes {dimension_semantics = [#tpu.dimension_semantics<core_parallel>, #tpu.dimension_semantics<subcore_parallel>], iteration_bounds = array<i64: 2, 16>, scalar_prefetch = 0 : i64, scratch_operands = 8 : i64, tpu.core_type = #tpu.core_type<sc_vector_subcore>, window_params = [{transform_indices = #map}, {transform_indices = #map1}, {transform_indices = #map1}, {transform_indices = #map}, {transform_indices = #map1}]} {
    %mul3A = arith.constant 16 : i32
    %mul3A_0 = arith.muli %arg0, %mul3A : i32
    %add3A = arith.addi %mul3A_0, %arg1 : i32
    "tpu.region"() ({
      %run_scoped3A_110 = tpu.sem_alloc : memref<!tpu.dma_semaphore, #tpu.memory_space<semaphore_mem>>
      %dma_start3A_111 = arith.constant 0 : i32
      %dma_start3A_112 = arith.constant 0 : i32
      %dma_start3A_113 = tpu.memref_slice %arg3[%add3A, %dma_start3A_111, %dma_start3A_112] : memref<32x125x80xi32, #tpu.memory_space<hbm>> -> memref<1x125x80xi32, #tpu.memory_space<hbm>>
      %dma_start3A_114 = tpu.memref_squeeze %dma_start3A_113 : memref<1x125x80xi32, #tpu.memory_space<hbm>> -> memref<125x80xi32, #tpu.memory_space<hbm>>
      %dma_start3A_115 = arith.constant 0 : i32
      %dma_start3A_116 = arith.constant 0 : i32
      %dma_start3A_117 = tpu.memref_slice %arg3[%add3A, %dma_start3A_115, %dma_start3A_116] : memref<32x125x80xi32, #tpu.memory_space<hbm>> -> memref<1x125x80xi32, #tpu.memory_space<hbm>>
      %dma_start3A_118 = tpu.memref_squeeze %dma_start3A_117 : memref<1x125x80xi32, #tpu.memory_space<hbm>> -> memref<125x80xi32, #tpu.memory_space<hbm>>
      tpu.enqueue_dma source(%dma_start3A_118 : memref<125x80xi32, #tpu.memory_space<hbm>>) target(%arg7 : memref<125x80xi32, #tpu.memory_space<vmem>>) target_semaphore(%run_scoped3A_110 : memref<!tpu.dma_semaphore, #tpu.memory_space<semaphore_mem>>)
      %dma_wait3A_119 = arith.constant 0 : i32
      %dma_wait3A_120 = arith.constant 0 : i32
      %dma_wait3A_121 = tpu.memref_slice %arg3[%add3A, %dma_wait3A_119, %dma_wait3A_120] : memref<32x125x80xi32, #tpu.memory_space<hbm>> -> memref<1x125x80xi32, #tpu.memory_space<hbm>>
      %dma_wait3A_122 = tpu.memref_squeeze %dma_wait3A_121 : memref<1x125x80xi32, #tpu.memory_space<hbm>> -> memref<125x80xi32, #tpu.memory_space<hbm>>
      %dma_wait3A_123 = arith.constant 0 : i32
      %dma_wait3A_124 = arith.constant 0 : i32
      %dma_wait3A_125 = tpu.memref_slice %arg3[%add3A, %dma_wait3A_123, %dma_wait3A_124] : memref<32x125x80xi32, #tpu.memory_space<hbm>> -> memref<1x125x80xi32, #tpu.memory_space<hbm>>
      %dma_wait3A_126 = tpu.memref_squeeze %dma_wait3A_125 : memref<1x125x80xi32, #tpu.memory_space<hbm>> -> memref<125x80xi32, #tpu.memory_space<hbm>>
      tpu.wait_dma2 semaphore(%run_scoped3A_110 : memref<!tpu.dma_semaphore, #tpu.memory_space<semaphore_mem>>) src(%dma_wait3A_126 : memref<125x80xi32, #tpu.memory_space<hbm>>) dst(%arg7 : memref<125x80xi32, #tpu.memory_space<vmem>>)
      tpu.yield
    }) : () -> ()
    "tpu.region"() ({
      %run_scoped3A_110 = tpu.sem_alloc : memref<!tpu.dma_semaphore, #tpu.memory_space<semaphore_mem>>
      %dma_start3A_111 = arith.constant 0 : i32
      %dma_start3A_112 = arith.constant 0 : i32
      %dma_start3A_113 = tpu.memref_slice %arg4[%add3A, %dma_start3A_111, %dma_start3A_112] : memref<32x125x80xi32, #tpu.memory_space<hbm>> -> memref<1x125x80xi32, #tpu.memory_space<hbm>>
      %dma_start3A_114 = tpu.memref_squeeze %dma_start3A_113 : memref<1x125x80xi32, #tpu.memory_space<hbm>> -> memref<125x80xi32, #tpu.memory_space<hbm>>
      %dma_start3A_115 = arith.constant 0 : i32
      %dma_start3A_116 = arith.constant 0 : i32
      %dma_start3A_117 = tpu.memref_slice %arg4[%add3A, %dma_start3A_115, %dma_start3A_116] : memref<32x125x80xi32, #tpu.memory_space<hbm>> -> memref<1x125x80xi32, #tpu.memory_space<hbm>>
      %dma_start3A_118 = tpu.memref_squeeze %dma_start3A_117 : memref<1x125x80xi32, #tpu.memory_space<hbm>> -> memref<125x80xi32, #tpu.memory_space<hbm>>
      tpu.enqueue_dma source(%dma_start3A_118 : memref<125x80xi32, #tpu.memory_space<hbm>>) target(%arg8 : memref<125x80xi32, #tpu.memory_space<vmem>>) target_semaphore(%run_scoped3A_110 : memref<!tpu.dma_semaphore, #tpu.memory_space<semaphore_mem>>)
      %dma_wait3A_119 = arith.constant 0 : i32
      %dma_wait3A_120 = arith.constant 0 : i32
      %dma_wait3A_121 = tpu.memref_slice %arg4[%add3A, %dma_wait3A_119, %dma_wait3A_120] : memref<32x125x80xi32, #tpu.memory_space<hbm>> -> memref<1x125x80xi32, #tpu.memory_space<hbm>>
      %dma_wait3A_122 = tpu.memref_squeeze %dma_wait3A_121 : memref<1x125x80xi32, #tpu.memory_space<hbm>> -> memref<125x80xi32, #tpu.memory_space<hbm>>
      %dma_wait3A_123 = arith.constant 0 : i32
      %dma_wait3A_124 = arith.constant 0 : i32
      %dma_wait3A_125 = tpu.memref_slice %arg4[%add3A, %dma_wait3A_123, %dma_wait3A_124] : memref<32x125x80xi32, #tpu.memory_space<hbm>> -> memref<1x125x80xi32, #tpu.memory_space<hbm>>
      %dma_wait3A_126 = tpu.memref_squeeze %dma_wait3A_125 : memref<1x125x80xi32, #tpu.memory_space<hbm>> -> memref<125x80xi32, #tpu.memory_space<hbm>>
      tpu.wait_dma2 semaphore(%run_scoped3A_110 : memref<!tpu.dma_semaphore, #tpu.memory_space<semaphore_mem>>) src(%dma_wait3A_126 : memref<125x80xi32, #tpu.memory_space<hbm>>) dst(%arg8 : memref<125x80xi32, #tpu.memory_space<vmem>>)
      tpu.yield
    }) : () -> ()
    %dma_start3A = arith.constant 0 : i32
    %dma_start3A_1 = arith.constant 0 : i32
    %dma_start3A_2 = arith.constant 0 : i32
    %dma_start3A_3 = tpu.memref_slice %arg9[%dma_start3A_1, %dma_start3A_2] : memref<80x128xf32, #tpu.memory_space<vmem>> -> memref<40x128xf32, #tpu.memory_space<vmem>>
    %dma_start3A_4 = arith.constant 0 : i32
    %dma_start3A_5 = tpu.memref_slice %arg7[%dma_start3A, %dma_start3A_4] : memref<125x80xi32, #tpu.memory_space<vmem>> -> memref<1x40xi32, #tpu.memory_space<vmem>>
    %dma_start3A_6 = tpu.memref_squeeze %dma_start3A_5 : memref<1x40xi32, #tpu.memory_space<vmem>> -> memref<40xi32, #tpu.memory_space<vmem>>
    %dma_start3A_7 = arith.constant 0 : i32
    %dma_start3A_8 = arith.constant 0 : i32
    %dma_start3A_9 = tpu.memref_slice %arg2[%dma_start3A_7, %dma_start3A_8] : memref<10000x128xf32, #tpu.memory_space<hbm>> -> memref<10000x128xf32, #tpu.memory_space<hbm>>
    tpu.enqueue_indirect_dma source(%dma_start3A_9 : memref<10000x128xf32, #tpu.memory_space<hbm>>) target(%dma_start3A_3 : memref<40x128xf32, #tpu.memory_space<vmem>>) offsets(%dma_start3A_6 : memref<40xi32, #tpu.memory_space<vmem>>) semaphore(%arg11 : memref<!tpu.dma_semaphore, #tpu.memory_space<semaphore_mem>>)
    %dma_start3A_10 = arith.constant 0 : i32
    %dma_start3A_11 = arith.constant 40 : i32
    %dma_start3A_12 = arith.constant 0 : i32
    %dma_start3A_13 = tpu.memref_slice %arg9[%dma_start3A_11, %dma_start3A_12] : memref<80x128xf32, #tpu.memory_space<vmem>> -> memref<40x128xf32, #tpu.memory_space<vmem>>
    %dma_start3A_14 = arith.constant 40 : i32
    %dma_start3A_15 = tpu.memref_slice %arg7[%dma_start3A_10, %dma_start3A_14] : memref<125x80xi32, #tpu.memory_space<vmem>> -> memref<1x40xi32, #tpu.memory_space<vmem>>
    %dma_start3A_16 = tpu.memref_squeeze %dma_start3A_15 : memref<1x40xi32, #tpu.memory_space<vmem>> -> memref<40xi32, #tpu.memory_space<vmem>>
    %dma_start3A_17 = arith.constant 0 : i32
    %dma_start3A_18 = arith.constant 0 : i32
    %dma_start3A_19 = tpu.memref_slice %arg2[%dma_start3A_17, %dma_start3A_18] : memref<10000x128xf32, #tpu.memory_space<hbm>> -> memref<10000x128xf32, #tpu.memory_space<hbm>>
    tpu.enqueue_indirect_dma source(%dma_start3A_19 : memref<10000x128xf32, #tpu.memory_space<hbm>>) target(%dma_start3A_13 : memref<40x128xf32, #tpu.memory_space<vmem>>) offsets(%dma_start3A_16 : memref<40xi32, #tpu.memory_space<vmem>>) semaphore(%arg11 : memref<!tpu.dma_semaphore, #tpu.memory_space<semaphore_mem>>)
    %dma_start3A_20 = arith.constant 1 : i32
    %dma_start3A_21 = arith.constant 0 : i32
    %dma_start3A_22 = arith.constant 0 : i32
    %dma_start3A_23 = tpu.memref_slice %arg12[%dma_start3A_21, %dma_start3A_22] : memref<80x128xf32, #tpu.memory_space<vmem>> -> memref<40x128xf32, #tpu.memory_space<vmem>>
    %dma_start3A_24 = arith.constant 0 : i32
    %dma_start3A_25 = tpu.memref_slice %arg7[%dma_start3A_20, %dma_start3A_24] : memref<125x80xi32, #tpu.memory_space<vmem>> -> memref<1x40xi32, #tpu.memory_space<vmem>>
    %dma_start3A_26 = tpu.memref_squeeze %dma_start3A_25 : memref<1x40xi32, #tpu.memory_space<vmem>> -> memref<40xi32, #tpu.memory_space<vmem>>
    %dma_start3A_27 = arith.constant 0 : i32
    %dma_start3A_28 = arith.constant 0 : i32
    %dma_start3A_29 = tpu.memref_slice %arg2[%dma_start3A_27, %dma_start3A_28] : memref<10000x128xf32, #tpu.memory_space<hbm>> -> memref<10000x128xf32, #tpu.memory_space<hbm>>
    tpu.enqueue_indirect_dma source(%dma_start3A_29 : memref<10000x128xf32, #tpu.memory_space<hbm>>) target(%dma_start3A_23 : memref<40x128xf32, #tpu.memory_space<vmem>>) offsets(%dma_start3A_26 : memref<40xi32, #tpu.memory_space<vmem>>) semaphore(%arg13 : memref<!tpu.dma_semaphore, #tpu.memory_space<semaphore_mem>>)
    %dma_start3A_30 = arith.constant 1 : i32
    %dma_start3A_31 = arith.constant 40 : i32
    %dma_start3A_32 = arith.constant 0 : i32
    %dma_start3A_33 = tpu.memref_slice %arg12[%dma_start3A_31, %dma_start3A_32] : memref<80x128xf32, #tpu.memory_space<vmem>> -> memref<40x128xf32, #tpu.memory_space<vmem>>
    %dma_start3A_34 = arith.constant 40 : i32
    %dma_start3A_35 = tpu.memref_slice %arg7[%dma_start3A_30, %dma_start3A_34] : memref<125x80xi32, #tpu.memory_space<vmem>> -> memref<1x40xi32, #tpu.memory_space<vmem>>
    %dma_start3A_36 = tpu.memref_squeeze %dma_start3A_35 : memref<1x40xi32, #tpu.memory_space<vmem>> -> memref<40xi32, #tpu.memory_space<vmem>>
    %dma_start3A_37 = arith.constant 0 : i32
    %dma_start3A_38 = arith.constant 0 : i32
    %dma_start3A_39 = tpu.memref_slice %arg2[%dma_start3A_37, %dma_start3A_38] : memref<10000x128xf32, #tpu.memory_space<hbm>> -> memref<10000x128xf32, #tpu.memory_space<hbm>>
    tpu.enqueue_indirect_dma source(%dma_start3A_39 : memref<10000x128xf32, #tpu.memory_space<hbm>>) target(%dma_start3A_33 : memref<40x128xf32, #tpu.memory_space<vmem>>) offsets(%dma_start3A_36 : memref<40xi32, #tpu.memory_space<vmem>>) semaphore(%arg13 : memref<!tpu.dma_semaphore, #tpu.memory_space<semaphore_mem>>)
    "tpu.region"() ({
      %run_scoped3A_110 = tpu.sem_alloc : memref<!tpu.dma_semaphore, #tpu.memory_space<semaphore_mem>>
      tpu.enqueue_dma source(%arg5 : memref<64x128xf32, #tpu.memory_space<hbm>>) target(%arg14 : memref<64x128xf32, #tpu.memory_space<vmem>>) target_semaphore(%run_scoped3A_110 : memref<!tpu.dma_semaphore, #tpu.memory_space<semaphore_mem>>)
      tpu.wait_dma2 semaphore(%run_scoped3A_110 : memref<!tpu.dma_semaphore, #tpu.memory_space<semaphore_mem>>) src(%arg5 : memref<64x128xf32, #tpu.memory_space<hbm>>) dst(%arg14 : memref<64x128xf32, #tpu.memory_space<vmem>>)
      tpu.yield
    }) : () -> ()
    %mul3A_40 = arith.constant 640 : i32
    %mul3A_41 = arith.muli %arg1, %mul3A_40 : i32
    %add3A_42 = arith.constant 0 : i32
    %add3A_43 = arith.addi %mul3A_41, %add3A_42 : i32
    "tpu.region"() ({
      %run_scoped3A_110 = tpu.sem_alloc : memref<!tpu.dma_semaphore, #tpu.memory_space<semaphore_mem>>
      %dma_start3A_111 = arith.constant 0 : i32
      %dma_start3A_112 = tpu.memref_slice %arg10[%add3A_43, %dma_start3A_111] : memref<10240x128xf32, #tpu.memory_space<vmem_shared>> -> memref<64x128xf32, #tpu.memory_space<vmem_shared>>
      %dma_start3A_113 = arith.constant 0 : i32
      %dma_start3A_114 = tpu.memref_slice %arg10[%add3A_43, %dma_start3A_113] : memref<10240x128xf32, #tpu.memory_space<vmem_shared>> -> memref<64x128xf32, #tpu.memory_space<vmem_shared>>
      tpu.enqueue_dma source(%arg14 : memref<64x128xf32, #tpu.memory_space<vmem>>) target(%dma_start3A_114 : memref<64x128xf32, #tpu.memory_space<vmem_shared>>) target_semaphore(%run_scoped3A_110 : memref<!tpu.dma_semaphore, #tpu.memory_space<semaphore_mem>>)
      %dma_wait3A_115 = arith.constant 0 : i32
      %dma_wait3A_116 = tpu.memref_slice %arg10[%add3A_43, %dma_wait3A_115] : memref<10240x128xf32, #tpu.memory_space<vmem_shared>> -> memref<64x128xf32, #tpu.memory_space<vmem_shared>>
      %dma_wait3A_117 = arith.constant 0 : i32
      %dma_wait3A_118 = tpu.memref_slice %arg10[%add3A_43, %dma_wait3A_117] : memref<10240x128xf32, #tpu.memory_space<vmem_shared>> -> memref<64x128xf32, #tpu.memory_space<vmem_shared>>
      tpu.wait_dma2 semaphore(%run_scoped3A_110 : memref<!tpu.dma_semaphore, #tpu.memory_space<semaphore_mem>>) src(%arg14 : memref<64x128xf32, #tpu.memory_space<vmem>>) dst(%dma_wait3A_118 : memref<64x128xf32, #tpu.memory_space<vmem_shared>>)
      tpu.yield
    }) : () -> ()
    %add3A_44 = arith.constant 64 : i32
    %add3A_45 = arith.addi %mul3A_41, %add3A_44 : i32
    "tpu.region"() ({
      %run_scoped3A_110 = tpu.sem_alloc : memref<!tpu.dma_semaphore, #tpu.memory_space<semaphore_mem>>
      %dma_start3A_111 = arith.constant 0 : i32
      %dma_start3A_112 = tpu.memref_slice %arg10[%add3A_45, %dma_start3A_111] : memref<10240x128xf32, #tpu.memory_space<vmem_shared>> -> memref<64x128xf32, #tpu.memory_space<vmem_shared>>
      %dma_start3A_113 = arith.constant 0 : i32
      %dma_start3A_114 = tpu.memref_slice %arg10[%add3A_45, %dma_start3A_113] : memref<10240x128xf32, #tpu.memory_space<vmem_shared>> -> memref<64x128xf32, #tpu.memory_space<vmem_shared>>
      tpu.enqueue_dma source(%arg14 : memref<64x128xf32, #tpu.memory_space<vmem>>) target(%dma_start3A_114 : memref<64x128xf32, #tpu.memory_space<vmem_shared>>) target_semaphore(%run_scoped3A_110 : memref<!tpu.dma_semaphore, #tpu.memory_space<semaphore_mem>>)
      %dma_wait3A_115 = arith.constant 0 : i32
      %dma_wait3A_116 = tpu.memref_slice %arg10[%add3A_45, %dma_wait3A_115] : memref<10240x128xf32, #tpu.memory_space<vmem_shared>> -> memref<64x128xf32, #tpu.memory_space<vmem_shared>>
      %dma_wait3A_117 = arith.constant 0 : i32
      %dma_wait3A_118 = tpu.memref_slice %arg10[%add3A_45, %dma_wait3A_117] : memref<10240x128xf32, #tpu.memory_space<vmem_shared>> -> memref<64x128xf32, #tpu.memory_space<vmem_shared>>
      tpu.wait_dma2 semaphore(%run_scoped3A_110 : memref<!tpu.dma_semaphore, #tpu.memory_space<semaphore_mem>>) src(%arg14 : memref<64x128xf32, #tpu.memory_space<vmem>>) dst(%dma_wait3A_118 : memref<64x128xf32, #tpu.memory_space<vmem_shared>>)
      tpu.yield
    }) : () -> ()
    %add3A_46 = arith.constant 128 : i32
    %add3A_47 = arith.addi %mul3A_41, %add3A_46 : i32
    "tpu.region"() ({
      %run_scoped3A_110 = tpu.sem_alloc : memref<!tpu.dma_semaphore, #tpu.memory_space<semaphore_mem>>
      %dma_start3A_111 = arith.constant 0 : i32
      %dma_start3A_112 = tpu.memref_slice %arg10[%add3A_47, %dma_start3A_111] : memref<10240x128xf32, #tpu.memory_space<vmem_shared>> -> memref<64x128xf32, #tpu.memory_space<vmem_shared>>
      %dma_start3A_113 = arith.constant 0 : i32
      %dma_start3A_114 = tpu.memref_slice %arg10[%add3A_47, %dma_start3A_113] : memref<10240x128xf32, #tpu.memory_space<vmem_shared>> -> memref<64x128xf32, #tpu.memory_space<vmem_shared>>
      tpu.enqueue_dma source(%arg14 : memref<64x128xf32, #tpu.memory_space<vmem>>) target(%dma_start3A_114 : memref<64x128xf32, #tpu.memory_space<vmem_shared>>) target_semaphore(%run_scoped3A_110 : memref<!tpu.dma_semaphore, #tpu.memory_space<semaphore_mem>>)
      %dma_wait3A_115 = arith.constant 0 : i32
      %dma_wait3A_116 = tpu.memref_slice %arg10[%add3A_47, %dma_wait3A_115] : memref<10240x128xf32, #tpu.memory_space<vmem_shared>> -> memref<64x128xf32, #tpu.memory_space<vmem_shared>>
      %dma_wait3A_117 = arith.constant 0 : i32
      %dma_wait3A_118 = tpu.memref_slice %arg10[%add3A_47, %dma_wait3A_117] : memref<10240x128xf32, #tpu.memory_space<vmem_shared>> -> memref<64x128xf32, #tpu.memory_space<vmem_shared>>
      tpu.wait_dma2 semaphore(%run_scoped3A_110 : memref<!tpu.dma_semaphore, #tpu.memory_space<semaphore_mem>>) src(%arg14 : memref<64x128xf32, #tpu.memory_space<vmem>>) dst(%dma_wait3A_118 : memref<64x128xf32, #tpu.memory_space<vmem_shared>>)
      tpu.yield
    }) : () -> ()
    %add3A_48 = arith.constant 192 : i32
    %add3A_49 = arith.addi %mul3A_41, %add3A_48 : i32
    "tpu.region"() ({
      %run_scoped3A_110 = tpu.sem_alloc : memref<!tpu.dma_semaphore, #tpu.memory_space<semaphore_mem>>
      %dma_start3A_111 = arith.constant 0 : i32
      %dma_start3A_112 = tpu.memref_slice %arg10[%add3A_49, %dma_start3A_111] : memref<10240x128xf32, #tpu.memory_space<vmem_shared>> -> memref<64x128xf32, #tpu.memory_space<vmem_shared>>
      %dma_start3A_113 = arith.constant 0 : i32
      %dma_start3A_114 = tpu.memref_slice %arg10[%add3A_49, %dma_start3A_113] : memref<10240x128xf32, #tpu.memory_space<vmem_shared>> -> memref<64x128xf32, #tpu.memory_space<vmem_shared>>
      tpu.enqueue_dma source(%arg14 : memref<64x128xf32, #tpu.memory_space<vmem>>) target(%dma_start3A_114 : memref<64x128xf32, #tpu.memory_space<vmem_shared>>) target_semaphore(%run_scoped3A_110 : memref<!tpu.dma_semaphore, #tpu.memory_space<semaphore_mem>>)
      %dma_wait3A_115 = arith.constant 0 : i32
      %dma_wait3A_116 = tpu.memref_slice %arg10[%add3A_49, %dma_wait3A_115] : memref<10240x128xf32, #tpu.memory_space<vmem_shared>> -> memref<64x128xf32, #tpu.memory_space<vmem_shared>>
      %dma_wait3A_117 = arith.constant 0 : i32
      %dma_wait3A_118 = tpu.memref_slice %arg10[%add3A_49, %dma_wait3A_117] : memref<10240x128xf32, #tpu.memory_space<vmem_shared>> -> memref<64x128xf32, #tpu.memory_space<vmem_shared>>
      tpu.wait_dma2 semaphore(%run_scoped3A_110 : memref<!tpu.dma_semaphore, #tpu.memory_space<semaphore_mem>>) src(%arg14 : memref<64x128xf32, #tpu.memory_space<vmem>>) dst(%dma_wait3A_118 : memref<64x128xf32, #tpu.memory_space<vmem_shared>>)
      tpu.yield
    }) : () -> ()
    %add3A_50 = arith.constant 256 : i32
    %add3A_51 = arith.addi %mul3A_41, %add3A_50 : i32
    "tpu.region"() ({
      %run_scoped3A_110 = tpu.sem_alloc : memref<!tpu.dma_semaphore, #tpu.memory_space<semaphore_mem>>
      %dma_start3A_111 = arith.constant 0 : i32
      %dma_start3A_112 = tpu.memref_slice %arg10[%add3A_51, %dma_start3A_111] : memref<10240x128xf32, #tpu.memory_space<vmem_shared>> -> memref<64x128xf32, #tpu.memory_space<vmem_shared>>
      %dma_start3A_113 = arith.constant 0 : i32
      %dma_start3A_114 = tpu.memref_slice %arg10[%add3A_51, %dma_start3A_113] : memref<10240x128xf32, #tpu.memory_space<vmem_shared>> -> memref<64x128xf32, #tpu.memory_space<vmem_shared>>
      tpu.enqueue_dma source(%arg14 : memref<64x128xf32, #tpu.memory_space<vmem>>) target(%dma_start3A_114 : memref<64x128xf32, #tpu.memory_space<vmem_shared>>) target_semaphore(%run_scoped3A_110 : memref<!tpu.dma_semaphore, #tpu.memory_space<semaphore_mem>>)
      %dma_wait3A_115 = arith.constant 0 : i32
      %dma_wait3A_116 = tpu.memref_slice %arg10[%add3A_51, %dma_wait3A_115] : memref<10240x128xf32, #tpu.memory_space<vmem_shared>> -> memref<64x128xf32, #tpu.memory_space<vmem_shared>>
      %dma_wait3A_117 = arith.constant 0 : i32
      %dma_wait3A_118 = tpu.memref_slice %arg10[%add3A_51, %dma_wait3A_117] : memref<10240x128xf32, #tpu.memory_space<vmem_shared>> -> memref<64x128xf32, #tpu.memory_space<vmem_shared>>
      tpu.wait_dma2 semaphore(%run_scoped3A_110 : memref<!tpu.dma_semaphore, #tpu.memory_space<semaphore_mem>>) src(%arg14 : memref<64x128xf32, #tpu.memory_space<vmem>>) dst(%dma_wait3A_118 : memref<64x128xf32, #tpu.memory_space<vmem_shared>>)
      tpu.yield
    }) : () -> ()
    %add3A_52 = arith.constant 320 : i32
    %add3A_53 = arith.addi %mul3A_41, %add3A_52 : i32
    "tpu.region"() ({
      %run_scoped3A_110 = tpu.sem_alloc : memref<!tpu.dma_semaphore, #tpu.memory_space<semaphore_mem>>
      %dma_start3A_111 = arith.constant 0 : i32
      %dma_start3A_112 = tpu.memref_slice %arg10[%add3A_53, %dma_start3A_111] : memref<10240x128xf32, #tpu.memory_space<vmem_shared>> -> memref<64x128xf32, #tpu.memory_space<vmem_shared>>
      %dma_start3A_113 = arith.constant 0 : i32
      %dma_start3A_114 = tpu.memref_slice %arg10[%add3A_53, %dma_start3A_113] : memref<10240x128xf32, #tpu.memory_space<vmem_shared>> -> memref<64x128xf32, #tpu.memory_space<vmem_shared>>
      tpu.enqueue_dma source(%arg14 : memref<64x128xf32, #tpu.memory_space<vmem>>) target(%dma_start3A_114 : memref<64x128xf32, #tpu.memory_space<vmem_shared>>) target_semaphore(%run_scoped3A_110 : memref<!tpu.dma_semaphore, #tpu.memory_space<semaphore_mem>>)
      %dma_wait3A_115 = arith.constant 0 : i32
      %dma_wait3A_116 = tpu.memref_slice %arg10[%add3A_53, %dma_wait3A_115] : memref<10240x128xf32, #tpu.memory_space<vmem_shared>> -> memref<64x128xf32, #tpu.memory_space<vmem_shared>>
      %dma_wait3A_117 = arith.constant 0 : i32
      %dma_wait3A_118 = tpu.memref_slice %arg10[%add3A_53, %dma_wait3A_117] : memref<10240x128xf32, #tpu.memory_space<vmem_shared>> -> memref<64x128xf32, #tpu.memory_space<vmem_shared>>
      tpu.wait_dma2 semaphore(%run_scoped3A_110 : memref<!tpu.dma_semaphore, #tpu.memory_space<semaphore_mem>>) src(%arg14 : memref<64x128xf32, #tpu.memory_space<vmem>>) dst(%dma_wait3A_118 : memref<64x128xf32, #tpu.memory_space<vmem_shared>>)
      tpu.yield
    }) : () -> ()
    %add3A_54 = arith.constant 384 : i32
    %add3A_55 = arith.addi %mul3A_41, %add3A_54 : i32
    "tpu.region"() ({
      %run_scoped3A_110 = tpu.sem_alloc : memref<!tpu.dma_semaphore, #tpu.memory_space<semaphore_mem>>
      %dma_start3A_111 = arith.constant 0 : i32
      %dma_start3A_112 = tpu.memref_slice %arg10[%add3A_55, %dma_start3A_111] : memref<10240x128xf32, #tpu.memory_space<vmem_shared>> -> memref<64x128xf32, #tpu.memory_space<vmem_shared>>
      %dma_start3A_113 = arith.constant 0 : i32
      %dma_start3A_114 = tpu.memref_slice %arg10[%add3A_55, %dma_start3A_113] : memref<10240x128xf32, #tpu.memory_space<vmem_shared>> -> memref<64x128xf32, #tpu.memory_space<vmem_shared>>
      tpu.enqueue_dma source(%arg14 : memref<64x128xf32, #tpu.memory_space<vmem>>) target(%dma_start3A_114 : memref<64x128xf32, #tpu.memory_space<vmem_shared>>) target_semaphore(%run_scoped3A_110 : memref<!tpu.dma_semaphore, #tpu.memory_space<semaphore_mem>>)
      %dma_wait3A_115 = arith.constant 0 : i32
      %dma_wait3A_116 = tpu.memref_slice %arg10[%add3A_55, %dma_wait3A_115] : memref<10240x128xf32, #tpu.memory_space<vmem_shared>> -> memref<64x128xf32, #tpu.memory_space<vmem_shared>>
      %dma_wait3A_117 = arith.constant 0 : i32
      %dma_wait3A_118 = tpu.memref_slice %arg10[%add3A_55, %dma_wait3A_117] : memref<10240x128xf32, #tpu.memory_space<vmem_shared>> -> memref<64x128xf32, #tpu.memory_space<vmem_shared>>
      tpu.wait_dma2 semaphore(%run_scoped3A_110 : memref<!tpu.dma_semaphore, #tpu.memory_space<semaphore_mem>>) src(%arg14 : memref<64x128xf32, #tpu.memory_space<vmem>>) dst(%dma_wait3A_118 : memref<64x128xf32, #tpu.memory_space<vmem_shared>>)
      tpu.yield
    }) : () -> ()
    %add3A_56 = arith.constant 448 : i32
    %add3A_57 = arith.addi %mul3A_41, %add3A_56 : i32
    "tpu.region"() ({
      %run_scoped3A_110 = tpu.sem_alloc : memref<!tpu.dma_semaphore, #tpu.memory_space<semaphore_mem>>
      %dma_start3A_111 = arith.constant 0 : i32
      %dma_start3A_112 = tpu.memref_slice %arg10[%add3A_57, %dma_start3A_111] : memref<10240x128xf32, #tpu.memory_space<vmem_shared>> -> memref<64x128xf32, #tpu.memory_space<vmem_shared>>
      %dma_start3A_113 = arith.constant 0 : i32
      %dma_start3A_114 = tpu.memref_slice %arg10[%add3A_57, %dma_start3A_113] : memref<10240x128xf32, #tpu.memory_space<vmem_shared>> -> memref<64x128xf32, #tpu.memory_space<vmem_shared>>
      tpu.enqueue_dma source(%arg14 : memref<64x128xf32, #tpu.memory_space<vmem>>) target(%dma_start3A_114 : memref<64x128xf32, #tpu.memory_space<vmem_shared>>) target_semaphore(%run_scoped3A_110 : memref<!tpu.dma_semaphore, #tpu.memory_space<semaphore_mem>>)
      %dma_wait3A_115 = arith.constant 0 : i32
      %dma_wait3A_116 = tpu.memref_slice %arg10[%add3A_57, %dma_wait3A_115] : memref<10240x128xf32, #tpu.memory_space<vmem_shared>> -> memref<64x128xf32, #tpu.memory_space<vmem_shared>>
      %dma_wait3A_117 = arith.constant 0 : i32
      %dma_wait3A_118 = tpu.memref_slice %arg10[%add3A_57, %dma_wait3A_117] : memref<10240x128xf32, #tpu.memory_space<vmem_shared>> -> memref<64x128xf32, #tpu.memory_space<vmem_shared>>
      tpu.wait_dma2 semaphore(%run_scoped3A_110 : memref<!tpu.dma_semaphore, #tpu.memory_space<semaphore_mem>>) src(%arg14 : memref<64x128xf32, #tpu.memory_space<vmem>>) dst(%dma_wait3A_118 : memref<64x128xf32, #tpu.memory_space<vmem_shared>>)
      tpu.yield
    }) : () -> ()
    %add3A_58 = arith.constant 512 : i32
    %add3A_59 = arith.addi %mul3A_41, %add3A_58 : i32
    "tpu.region"() ({
      %run_scoped3A_110 = tpu.sem_alloc : memref<!tpu.dma_semaphore, #tpu.memory_space<semaphore_mem>>
      %dma_start3A_111 = arith.constant 0 : i32
      %dma_start3A_112 = tpu.memref_slice %arg10[%add3A_59, %dma_start3A_111] : memref<10240x128xf32, #tpu.memory_space<vmem_shared>> -> memref<64x128xf32, #tpu.memory_space<vmem_shared>>
      %dma_start3A_113 = arith.constant 0 : i32
      %dma_start3A_114 = tpu.memref_slice %arg10[%add3A_59, %dma_start3A_113] : memref<10240x128xf32, #tpu.memory_space<vmem_shared>> -> memref<64x128xf32, #tpu.memory_space<vmem_shared>>
      tpu.enqueue_dma source(%arg14 : memref<64x128xf32, #tpu.memory_space<vmem>>) target(%dma_start3A_114 : memref<64x128xf32, #tpu.memory_space<vmem_shared>>) target_semaphore(%run_scoped3A_110 : memref<!tpu.dma_semaphore, #tpu.memory_space<semaphore_mem>>)
      %dma_wait3A_115 = arith.constant 0 : i32
      %dma_wait3A_116 = tpu.memref_slice %arg10[%add3A_59, %dma_wait3A_115] : memref<10240x128xf32, #tpu.memory_space<vmem_shared>> -> memref<64x128xf32, #tpu.memory_space<vmem_shared>>
      %dma_wait3A_117 = arith.constant 0 : i32
      %dma_wait3A_118 = tpu.memref_slice %arg10[%add3A_59, %dma_wait3A_117] : memref<10240x128xf32, #tpu.memory_space<vmem_shared>> -> memref<64x128xf32, #tpu.memory_space<vmem_shared>>
      tpu.wait_dma2 semaphore(%run_scoped3A_110 : memref<!tpu.dma_semaphore, #tpu.memory_space<semaphore_mem>>) src(%arg14 : memref<64x128xf32, #tpu.memory_space<vmem>>) dst(%dma_wait3A_118 : memref<64x128xf32, #tpu.memory_space<vmem_shared>>)
      tpu.yield
    }) : () -> ()
    %add3A_60 = arith.constant 576 : i32
    %add3A_61 = arith.addi %mul3A_41, %add3A_60 : i32
    "tpu.region"() ({
      %run_scoped3A_110 = tpu.sem_alloc : memref<!tpu.dma_semaphore, #tpu.memory_space<semaphore_mem>>
      %dma_start3A_111 = arith.constant 0 : i32
      %dma_start3A_112 = tpu.memref_slice %arg10[%add3A_61, %dma_start3A_111] : memref<10240x128xf32, #tpu.memory_space<vmem_shared>> -> memref<64x128xf32, #tpu.memory_space<vmem_shared>>
      %dma_start3A_113 = arith.constant 0 : i32
      %dma_start3A_114 = tpu.memref_slice %arg10[%add3A_61, %dma_start3A_113] : memref<10240x128xf32, #tpu.memory_space<vmem_shared>> -> memref<64x128xf32, #tpu.memory_space<vmem_shared>>
      tpu.enqueue_dma source(%arg14 : memref<64x128xf32, #tpu.memory_space<vmem>>) target(%dma_start3A_114 : memref<64x128xf32, #tpu.memory_space<vmem_shared>>) target_semaphore(%run_scoped3A_110 : memref<!tpu.dma_semaphore, #tpu.memory_space<semaphore_mem>>)
      %dma_wait3A_115 = arith.constant 0 : i32
      %dma_wait3A_116 = tpu.memref_slice %arg10[%add3A_61, %dma_wait3A_115] : memref<10240x128xf32, #tpu.memory_space<vmem_shared>> -> memref<64x128xf32, #tpu.memory_space<vmem_shared>>
      %dma_wait3A_117 = arith.constant 0 : i32
      %dma_wait3A_118 = tpu.memref_slice %arg10[%add3A_61, %dma_wait3A_117] : memref<10240x128xf32, #tpu.memory_space<vmem_shared>> -> memref<64x128xf32, #tpu.memory_space<vmem_shared>>
      tpu.wait_dma2 semaphore(%run_scoped3A_110 : memref<!tpu.dma_semaphore, #tpu.memory_space<semaphore_mem>>) src(%arg14 : memref<64x128xf32, #tpu.memory_space<vmem>>) dst(%dma_wait3A_118 : memref<64x128xf32, #tpu.memory_space<vmem_shared>>)
      tpu.yield
    }) : () -> ()
    %barrier3A = arith.constant 0 : index
    tpu.barrier barrier_id(%barrier3A)
    %scan3A = arith.constant 0 : i32
    %scan3A_62 = arith.constant 0 : i32
    %scan3A_63 = arith.constant 61 : i32
    %scan3A_64 = arith.addi %scan3A_62, %scan3A_63 : i32
    %scan3A_65 = arith.constant 1 : i32
    scf.for %scan3A_110 = %scan3A_62 to %scan3A_64 step %scan3A_65  : i32 {
      %mul3A_111 = arith.constant 2 : i32
      %mul3A_112 = arith.muli %mul3A_111, %scan3A_110 : i32
      %dma_wait3A_113 = arith.constant 0 : i32
      %dma_wait3A_114 = arith.constant 0 : i32
      %dma_wait3A_115 = tpu.memref_slice %arg7[%dma_wait3A_113, %dma_wait3A_114] : memref<125x80xi32, #tpu.memory_space<vmem>> -> memref<1x80xi32, #tpu.memory_space<vmem>>
      %dma_wait3A_116 = tpu.memref_squeeze %dma_wait3A_115 : memref<1x80xi32, #tpu.memory_space<vmem>> -> memref<80xi32, #tpu.memory_space<vmem>>
      %dma_wait3A_117 = arith.constant 0 : i32
      %dma_wait3A_118 = arith.constant 0 : i32
      %dma_wait3A_119 = tpu.memref_slice %arg2[%dma_wait3A_117, %dma_wait3A_118] : memref<10000x128xf32, #tpu.memory_space<hbm>> -> memref<10000x128xf32, #tpu.memory_space<hbm>>
      tpu.wait_indirect_dma semaphore(%arg11 : memref<!tpu.dma_semaphore, #tpu.memory_space<semaphore_mem>>) src(%dma_wait3A_119 : memref<10000x128xf32, #tpu.memory_space<hbm>>) dst(%arg9 : memref<80x128xf32, #tpu.memory_space<vmem>>)
      "tpu.region"() ({
        %run_scoped3A_169 = tpu.sem_alloc : memref<!tpu.dma_semaphore, #tpu.memory_space<semaphore_mem>>
        %dma_start3A_170 = arith.constant 0 : i32
        %dma_start3A_171 = tpu.memref_slice %arg8[%mul3A_112, %dma_start3A_170] : memref<125x80xi32, #tpu.memory_space<vmem>> -> memref<1x80xi32, #tpu.memory_space<vmem>>
        %dma_start3A_172 = tpu.memref_squeeze %dma_start3A_171 : memref<1x80xi32, #tpu.memory_space<vmem>> -> memref<80xi32, #tpu.memory_space<vmem>>
        %dma_start3A_173 = arith.constant 0 : i32
        %dma_start3A_174 = arith.constant 0 : i32
        %dma_start3A_175 = tpu.memref_slice %arg10[%dma_start3A_173, %dma_start3A_174] : memref<10240x128xf32, #tpu.memory_space<vmem_shared>> -> memref<10240x128xf32, #tpu.memory_space<vmem_shared>>
        tpu.enqueue_indirect_dma source(%arg9 : memref<80x128xf32, #tpu.memory_space<vmem>>) target(%dma_start3A_175 : memref<10240x128xf32, #tpu.memory_space<vmem_shared>>) offsets(%dma_start3A_172 : memref<80xi32, #tpu.memory_space<vmem>>) semaphore(%run_scoped3A_169 : memref<!tpu.dma_semaphore, #tpu.memory_space<semaphore_mem>>) {add = true}
        %dma_wait3A_176 = arith.constant 0 : i32
        %dma_wait3A_177 = tpu.memref_slice %arg8[%mul3A_112, %dma_wait3A_176] : memref<125x80xi32, #tpu.memory_space<vmem>> -> memref<1x80xi32, #tpu.memory_space<vmem>>
        %dma_wait3A_178 = tpu.memref_squeeze %dma_wait3A_177 : memref<1x80xi32, #tpu.memory_space<vmem>> -> memref<80xi32, #tpu.memory_space<vmem>>
        %dma_wait3A_179 = arith.constant 0 : i32
        %dma_wait3A_180 = arith.constant 0 : i32
        %dma_wait3A_181 = tpu.memref_slice %arg10[%dma_wait3A_179, %dma_wait3A_180] : memref<10240x128xf32, #tpu.memory_space<vmem_shared>> -> memref<10240x128xf32, #tpu.memory_space<vmem_shared>>
        tpu.wait_indirect_dma semaphore(%run_scoped3A_169 : memref<!tpu.dma_semaphore, #tpu.memory_space<semaphore_mem>>) src(%arg9 : memref<80x128xf32, #tpu.memory_space<vmem>>) dst(%dma_wait3A_181 : memref<10240x128xf32, #tpu.memory_space<vmem_shared>>)
        tpu.yield
      }) : () -> ()
      %add3A_120 = arith.constant 2 : i32
      %add3A_121 = arith.addi %mul3A_112, %add3A_120 : i32
      %dma_start3A_122 = arith.constant 0 : i32
      %dma_start3A_123 = arith.constant 0 : i32
      %dma_start3A_124 = tpu.memref_slice %arg9[%dma_start3A_122, %dma_start3A_123] : memref<80x128xf32, #tpu.memory_space<vmem>> -> memref<40x128xf32, #tpu.memory_space<vmem>>
      %dma_start3A_125 = arith.constant 0 : i32
      %dma_start3A_126 = tpu.memref_slice %arg7[%add3A_121, %dma_start3A_125] : memref<125x80xi32, #tpu.memory_space<vmem>> -> memref<1x40xi32, #tpu.memory_space<vmem>>
      %dma_start3A_127 = tpu.memref_squeeze %dma_start3A_126 : memref<1x40xi32, #tpu.memory_space<vmem>> -> memref<40xi32, #tpu.memory_space<vmem>>
      %dma_start3A_128 = arith.constant 0 : i32
      %dma_start3A_129 = arith.constant 0 : i32
      %dma_start3A_130 = tpu.memref_slice %arg2[%dma_start3A_128, %dma_start3A_129] : memref<10000x128xf32, #tpu.memory_space<hbm>> -> memref<10000x128xf32, #tpu.memory_space<hbm>>
      tpu.enqueue_indirect_dma source(%dma_start3A_130 : memref<10000x128xf32, #tpu.memory_space<hbm>>) target(%dma_start3A_124 : memref<40x128xf32, #tpu.memory_space<vmem>>) offsets(%dma_start3A_127 : memref<40xi32, #tpu.memory_space<vmem>>) semaphore(%arg11 : memref<!tpu.dma_semaphore, #tpu.memory_space<semaphore_mem>>)
      %dma_start3A_131 = arith.constant 40 : i32
      %dma_start3A_132 = arith.constant 0 : i32
      %dma_start3A_133 = tpu.memref_slice %arg9[%dma_start3A_131, %dma_start3A_132] : memref<80x128xf32, #tpu.memory_space<vmem>> -> memref<40x128xf32, #tpu.memory_space<vmem>>
      %dma_start3A_134 = arith.constant 40 : i32
      %dma_start3A_135 = tpu.memref_slice %arg7[%add3A_121, %dma_start3A_134] : memref<125x80xi32, #tpu.memory_space<vmem>> -> memref<1x40xi32, #tpu.memory_space<vmem>>
      %dma_start3A_136 = tpu.memref_squeeze %dma_start3A_135 : memref<1x40xi32, #tpu.memory_space<vmem>> -> memref<40xi32, #tpu.memory_space<vmem>>
      %dma_start3A_137 = arith.constant 0 : i32
      %dma_start3A_138 = arith.constant 0 : i32
      %dma_start3A_139 = tpu.memref_slice %arg2[%dma_start3A_137, %dma_start3A_138] : memref<10000x128xf32, #tpu.memory_space<hbm>> -> memref<10000x128xf32, #tpu.memory_space<hbm>>
      tpu.enqueue_indirect_dma source(%dma_start3A_139 : memref<10000x128xf32, #tpu.memory_space<hbm>>) target(%dma_start3A_133 : memref<40x128xf32, #tpu.memory_space<vmem>>) offsets(%dma_start3A_136 : memref<40xi32, #tpu.memory_space<vmem>>) semaphore(%arg11 : memref<!tpu.dma_semaphore, #tpu.memory_space<semaphore_mem>>)
      %dma_wait3A_140 = arith.constant 0 : i32
      %dma_wait3A_141 = arith.constant 0 : i32
      %dma_wait3A_142 = tpu.memref_slice %arg7[%dma_wait3A_140, %dma_wait3A_141] : memref<125x80xi32, #tpu.memory_space<vmem>> -> memref<1x80xi32, #tpu.memory_space<vmem>>
      %dma_wait3A_143 = tpu.memref_squeeze %dma_wait3A_142 : memref<1x80xi32, #tpu.memory_space<vmem>> -> memref<80xi32, #tpu.memory_space<vmem>>
      %dma_wait3A_144 = arith.constant 0 : i32
      %dma_wait3A_145 = arith.constant 0 : i32
      %dma_wait3A_146 = tpu.memref_slice %arg2[%dma_wait3A_144, %dma_wait3A_145] : memref<10000x128xf32, #tpu.memory_space<hbm>> -> memref<10000x128xf32, #tpu.memory_space<hbm>>
      tpu.wait_indirect_dma semaphore(%arg13 : memref<!tpu.dma_semaphore, #tpu.memory_space<semaphore_mem>>) src(%dma_wait3A_146 : memref<10000x128xf32, #tpu.memory_space<hbm>>) dst(%arg12 : memref<80x128xf32, #tpu.memory_space<vmem>>)
      %add3A_147 = arith.constant 1 : i32
      %add3A_148 = arith.addi %mul3A_112, %add3A_147 : i32
      "tpu.region"() ({
        %run_scoped3A_169 = tpu.sem_alloc : memref<!tpu.dma_semaphore, #tpu.memory_space<semaphore_mem>>
        %dma_start3A_170 = arith.constant 0 : i32
        %dma_start3A_171 = tpu.memref_slice %arg8[%add3A_148, %dma_start3A_170] : memref<125x80xi32, #tpu.memory_space<vmem>> -> memref<1x80xi32, #tpu.memory_space<vmem>>
        %dma_start3A_172 = tpu.memref_squeeze %dma_start3A_171 : memref<1x80xi32, #tpu.memory_space<vmem>> -> memref<80xi32, #tpu.memory_space<vmem>>
        %dma_start3A_173 = arith.constant 0 : i32
        %dma_start3A_174 = arith.constant 0 : i32
        %dma_start3A_175 = tpu.memref_slice %arg10[%dma_start3A_173, %dma_start3A_174] : memref<10240x128xf32, #tpu.memory_space<vmem_shared>> -> memref<10240x128xf32, #tpu.memory_space<vmem_shared>>
        tpu.enqueue_indirect_dma source(%arg12 : memref<80x128xf32, #tpu.memory_space<vmem>>) target(%dma_start3A_175 : memref<10240x128xf32, #tpu.memory_space<vmem_shared>>) offsets(%dma_start3A_172 : memref<80xi32, #tpu.memory_space<vmem>>) semaphore(%run_scoped3A_169 : memref<!tpu.dma_semaphore, #tpu.memory_space<semaphore_mem>>) {add = true}
        %dma_wait3A_176 = arith.constant 0 : i32
        %dma_wait3A_177 = tpu.memref_slice %arg8[%add3A_148, %dma_wait3A_176] : memref<125x80xi32, #tpu.memory_space<vmem>> -> memref<1x80xi32, #tpu.memory_space<vmem>>
        %dma_wait3A_178 = tpu.memref_squeeze %dma_wait3A_177 : memref<1x80xi32, #tpu.memory_space<vmem>> -> memref<80xi32, #tpu.memory_space<vmem>>
        %dma_wait3A_179 = arith.constant 0 : i32
        %dma_wait3A_180 = arith.constant 0 : i32
        %dma_wait3A_181 = tpu.memref_slice %arg10[%dma_wait3A_179, %dma_wait3A_180] : memref<10240x128xf32, #tpu.memory_space<vmem_shared>> -> memref<10240x128xf32, #tpu.memory_space<vmem_shared>>
        tpu.wait_indirect_dma semaphore(%run_scoped3A_169 : memref<!tpu.dma_semaphore, #tpu.memory_space<semaphore_mem>>) src(%arg12 : memref<80x128xf32, #tpu.memory_space<vmem>>) dst(%dma_wait3A_181 : memref<10240x128xf32, #tpu.memory_space<vmem_shared>>)
        tpu.yield
      }) : () -> ()
      %add3A_149 = arith.constant 3 : i32
      %add3A_150 = arith.addi %mul3A_112, %add3A_149 : i32
      %dma_start3A_151 = arith.constant 0 : i32
      %dma_start3A_152 = arith.constant 0 : i32
      %dma_start3A_153 = tpu.memref_slice %arg12[%dma_start3A_151, %dma_start3A_152] : memref<80x128xf32, #tpu.memory_space<vmem>> -> memref<40x128xf32, #tpu.memory_space<vmem>>
      %dma_start3A_154 = arith.constant 0 : i32
      %dma_start3A_155 = tpu.memref_slice %arg7[%add3A_150, %dma_start3A_154] : memref<125x80xi32, #tpu.memory_space<vmem>> -> memref<1x40xi32, #tpu.memory_space<vmem>>
      %dma_start3A_156 = tpu.memref_squeeze %dma_start3A_155 : memref<1x40xi32, #tpu.memory_space<vmem>> -> memref<40xi32, #tpu.memory_space<vmem>>
      %dma_start3A_157 = arith.constant 0 : i32
      %dma_start3A_158 = arith.constant 0 : i32
      %dma_start3A_159 = tpu.memref_slice %arg2[%dma_start3A_157, %dma_start3A_158] : memref<10000x128xf32, #tpu.memory_space<hbm>> -> memref<10000x128xf32, #tpu.memory_space<hbm>>
      tpu.enqueue_indirect_dma source(%dma_start3A_159 : memref<10000x128xf32, #tpu.memory_space<hbm>>) target(%dma_start3A_153 : memref<40x128xf32, #tpu.memory_space<vmem>>) offsets(%dma_start3A_156 : memref<40xi32, #tpu.memory_space<vmem>>) semaphore(%arg13 : memref<!tpu.dma_semaphore, #tpu.memory_space<semaphore_mem>>)
      %dma_start3A_160 = arith.constant 40 : i32
      %dma_start3A_161 = arith.constant 0 : i32
      %dma_start3A_162 = tpu.memref_slice %arg12[%dma_start3A_160, %dma_start3A_161] : memref<80x128xf32, #tpu.memory_space<vmem>> -> memref<40x128xf32, #tpu.memory_space<vmem>>
      %dma_start3A_163 = arith.constant 40 : i32
      %dma_start3A_164 = tpu.memref_slice %arg7[%add3A_150, %dma_start3A_163] : memref<125x80xi32, #tpu.memory_space<vmem>> -> memref<1x40xi32, #tpu.memory_space<vmem>>
      %dma_start3A_165 = tpu.memref_squeeze %dma_start3A_164 : memref<1x40xi32, #tpu.memory_space<vmem>> -> memref<40xi32, #tpu.memory_space<vmem>>
      %dma_start3A_166 = arith.constant 0 : i32
      %dma_start3A_167 = arith.constant 0 : i32
      %dma_start3A_168 = tpu.memref_slice %arg2[%dma_start3A_166, %dma_start3A_167] : memref<10000x128xf32, #tpu.memory_space<hbm>> -> memref<10000x128xf32, #tpu.memory_space<hbm>>
      tpu.enqueue_indirect_dma source(%dma_start3A_168 : memref<10000x128xf32, #tpu.memory_space<hbm>>) target(%dma_start3A_162 : memref<40x128xf32, #tpu.memory_space<vmem>>) offsets(%dma_start3A_165 : memref<40xi32, #tpu.memory_space<vmem>>) semaphore(%arg13 : memref<!tpu.dma_semaphore, #tpu.memory_space<semaphore_mem>>)
    }
    %scan3A_66 = arith.constant 61 : i32
    %dma_wait3A = arith.constant 0 : i32
    %dma_wait3A_67 = arith.constant 0 : i32
    %dma_wait3A_68 = tpu.memref_slice %arg7[%dma_wait3A, %dma_wait3A_67] : memref<125x80xi32, #tpu.memory_space<vmem>> -> memref<1x80xi32, #tpu.memory_space<vmem>>
    %dma_wait3A_69 = tpu.memref_squeeze %dma_wait3A_68 : memref<1x80xi32, #tpu.memory_space<vmem>> -> memref<80xi32, #tpu.memory_space<vmem>>
    %dma_wait3A_70 = arith.constant 0 : i32
    %dma_wait3A_71 = arith.constant 0 : i32
    %dma_wait3A_72 = tpu.memref_slice %arg2[%dma_wait3A_70, %dma_wait3A_71] : memref<10000x128xf32, #tpu.memory_space<hbm>> -> memref<10000x128xf32, #tpu.memory_space<hbm>>
    tpu.wait_indirect_dma semaphore(%arg11 : memref<!tpu.dma_semaphore, #tpu.memory_space<semaphore_mem>>) src(%dma_wait3A_72 : memref<10000x128xf32, #tpu.memory_space<hbm>>) dst(%arg9 : memref<80x128xf32, #tpu.memory_space<vmem>>)
    %run_scoped3A = arith.constant 122 : i32
    "tpu.region"() ({
      %run_scoped3A_110 = tpu.sem_alloc : memref<!tpu.dma_semaphore, #tpu.memory_space<semaphore_mem>>
      %dma_start3A_111 = arith.constant 0 : i32
      %dma_start3A_112 = tpu.memref_slice %arg8[%run_scoped3A, %dma_start3A_111] : memref<125x80xi32, #tpu.memory_space<vmem>> -> memref<1x80xi32, #tpu.memory_space<vmem>>
      %dma_start3A_113 = tpu.memref_squeeze %dma_start3A_112 : memref<1x80xi32, #tpu.memory_space<vmem>> -> memref<80xi32, #tpu.memory_space<vmem>>
      %dma_start3A_114 = arith.constant 0 : i32
      %dma_start3A_115 = arith.constant 0 : i32
      %dma_start3A_116 = tpu.memref_slice %arg10[%dma_start3A_114, %dma_start3A_115] : memref<10240x128xf32, #tpu.memory_space<vmem_shared>> -> memref<10240x128xf32, #tpu.memory_space<vmem_shared>>
      tpu.enqueue_indirect_dma source(%arg9 : memref<80x128xf32, #tpu.memory_space<vmem>>) target(%dma_start3A_116 : memref<10240x128xf32, #tpu.memory_space<vmem_shared>>) offsets(%dma_start3A_113 : memref<80xi32, #tpu.memory_space<vmem>>) semaphore(%run_scoped3A_110 : memref<!tpu.dma_semaphore, #tpu.memory_space<semaphore_mem>>) {add = true}
      %dma_wait3A_117 = arith.constant 0 : i32
      %dma_wait3A_118 = tpu.memref_slice %arg8[%run_scoped3A, %dma_wait3A_117] : memref<125x80xi32, #tpu.memory_space<vmem>> -> memref<1x80xi32, #tpu.memory_space<vmem>>
      %dma_wait3A_119 = tpu.memref_squeeze %dma_wait3A_118 : memref<1x80xi32, #tpu.memory_space<vmem>> -> memref<80xi32, #tpu.memory_space<vmem>>
      %dma_wait3A_120 = arith.constant 0 : i32
      %dma_wait3A_121 = arith.constant 0 : i32
      %dma_wait3A_122 = tpu.memref_slice %arg10[%dma_wait3A_120, %dma_wait3A_121] : memref<10240x128xf32, #tpu.memory_space<vmem_shared>> -> memref<10240x128xf32, #tpu.memory_space<vmem_shared>>
      tpu.wait_indirect_dma semaphore(%run_scoped3A_110 : memref<!tpu.dma_semaphore, #tpu.memory_space<semaphore_mem>>) src(%arg9 : memref<80x128xf32, #tpu.memory_space<vmem>>) dst(%dma_wait3A_122 : memref<10240x128xf32, #tpu.memory_space<vmem_shared>>)
      tpu.yield
    }) : () -> ()
    %dma_start3A_73 = arith.constant 124 : i32
    %dma_start3A_74 = arith.constant 0 : i32
    %dma_start3A_75 = arith.constant 0 : i32
    %dma_start3A_76 = tpu.memref_slice %arg9[%dma_start3A_74, %dma_start3A_75] : memref<80x128xf32, #tpu.memory_space<vmem>> -> memref<40x128xf32, #tpu.memory_space<vmem>>
    %dma_start3A_77 = arith.constant 0 : i32
    %dma_start3A_78 = tpu.memref_slice %arg7[%dma_start3A_73, %dma_start3A_77] : memref<125x80xi32, #tpu.memory_space<vmem>> -> memref<1x40xi32, #tpu.memory_space<vmem>>
    %dma_start3A_79 = tpu.memref_squeeze %dma_start3A_78 : memref<1x40xi32, #tpu.memory_space<vmem>> -> memref<40xi32, #tpu.memory_space<vmem>>
    %dma_start3A_80 = arith.constant 0 : i32
    %dma_start3A_81 = arith.constant 0 : i32
    %dma_start3A_82 = tpu.memref_slice %arg2[%dma_start3A_80, %dma_start3A_81] : memref<10000x128xf32, #tpu.memory_space<hbm>> -> memref<10000x128xf32, #tpu.memory_space<hbm>>
    tpu.enqueue_indirect_dma source(%dma_start3A_82 : memref<10000x128xf32, #tpu.memory_space<hbm>>) target(%dma_start3A_76 : memref<40x128xf32, #tpu.memory_space<vmem>>) offsets(%dma_start3A_79 : memref<40xi32, #tpu.memory_space<vmem>>) semaphore(%arg11 : memref<!tpu.dma_semaphore, #tpu.memory_space<semaphore_mem>>)
    %dma_start3A_83 = arith.constant 124 : i32
    %dma_start3A_84 = arith.constant 40 : i32
    %dma_start3A_85 = arith.constant 0 : i32
    %dma_start3A_86 = tpu.memref_slice %arg9[%dma_start3A_84, %dma_start3A_85] : memref<80x128xf32, #tpu.memory_space<vmem>> -> memref<40x128xf32, #tpu.memory_space<vmem>>
    %dma_start3A_87 = arith.constant 40 : i32
    %dma_start3A_88 = tpu.memref_slice %arg7[%dma_start3A_83, %dma_start3A_87] : memref<125x80xi32, #tpu.memory_space<vmem>> -> memref<1x40xi32, #tpu.memory_space<vmem>>
    %dma_start3A_89 = tpu.memref_squeeze %dma_start3A_88 : memref<1x40xi32, #tpu.memory_space<vmem>> -> memref<40xi32, #tpu.memory_space<vmem>>
    %dma_start3A_90 = arith.constant 0 : i32
    %dma_start3A_91 = arith.constant 0 : i32
    %dma_start3A_92 = tpu.memref_slice %arg2[%dma_start3A_90, %dma_start3A_91] : memref<10000x128xf32, #tpu.memory_space<hbm>> -> memref<10000x128xf32, #tpu.memory_space<hbm>>
    tpu.enqueue_indirect_dma source(%dma_start3A_92 : memref<10000x128xf32, #tpu.memory_space<hbm>>) target(%dma_start3A_86 : memref<40x128xf32, #tpu.memory_space<vmem>>) offsets(%dma_start3A_89 : memref<40xi32, #tpu.memory_space<vmem>>) semaphore(%arg11 : memref<!tpu.dma_semaphore, #tpu.memory_space<semaphore_mem>>)
    %dma_wait3A_93 = arith.constant 0 : i32
    %dma_wait3A_94 = arith.constant 0 : i32
    %dma_wait3A_95 = tpu.memref_slice %arg7[%dma_wait3A_93, %dma_wait3A_94] : memref<125x80xi32, #tpu.memory_space<vmem>> -> memref<1x80xi32, #tpu.memory_space<vmem>>
    %dma_wait3A_96 = tpu.memref_squeeze %dma_wait3A_95 : memref<1x80xi32, #tpu.memory_space<vmem>> -> memref<80xi32, #tpu.memory_space<vmem>>
    %dma_wait3A_97 = arith.constant 0 : i32
    %dma_wait3A_98 = arith.constant 0 : i32
    %dma_wait3A_99 = tpu.memref_slice %arg2[%dma_wait3A_97, %dma_wait3A_98] : memref<10000x128xf32, #tpu.memory_space<hbm>> -> memref<10000x128xf32, #tpu.memory_space<hbm>>
    tpu.wait_indirect_dma semaphore(%arg13 : memref<!tpu.dma_semaphore, #tpu.memory_space<semaphore_mem>>) src(%dma_wait3A_99 : memref<10000x128xf32, #tpu.memory_space<hbm>>) dst(%arg12 : memref<80x128xf32, #tpu.memory_space<vmem>>)
    %run_scoped3A_100 = arith.constant 123 : i32
    "tpu.region"() ({
      %run_scoped3A_110 = tpu.sem_alloc : memref<!tpu.dma_semaphore, #tpu.memory_space<semaphore_mem>>
      %dma_start3A_111 = arith.constant 0 : i32
      %dma_start3A_112 = tpu.memref_slice %arg8[%run_scoped3A_100, %dma_start3A_111] : memref<125x80xi32, #tpu.memory_space<vmem>> -> memref<1x80xi32, #tpu.memory_space<vmem>>
      %dma_start3A_113 = tpu.memref_squeeze %dma_start3A_112 : memref<1x80xi32, #tpu.memory_space<vmem>> -> memref<80xi32, #tpu.memory_space<vmem>>
      %dma_start3A_114 = arith.constant 0 : i32
      %dma_start3A_115 = arith.constant 0 : i32
      %dma_start3A_116 = tpu.memref_slice %arg10[%dma_start3A_114, %dma_start3A_115] : memref<10240x128xf32, #tpu.memory_space<vmem_shared>> -> memref<10240x128xf32, #tpu.memory_space<vmem_shared>>
      tpu.enqueue_indirect_dma source(%arg12 : memref<80x128xf32, #tpu.memory_space<vmem>>) target(%dma_start3A_116 : memref<10240x128xf32, #tpu.memory_space<vmem_shared>>) offsets(%dma_start3A_113 : memref<80xi32, #tpu.memory_space<vmem>>) semaphore(%run_scoped3A_110 : memref<!tpu.dma_semaphore, #tpu.memory_space<semaphore_mem>>) {add = true}
      %dma_wait3A_117 = arith.constant 0 : i32
      %dma_wait3A_118 = tpu.memref_slice %arg8[%run_scoped3A_100, %dma_wait3A_117] : memref<125x80xi32, #tpu.memory_space<vmem>> -> memref<1x80xi32, #tpu.memory_space<vmem>>
      %dma_wait3A_119 = tpu.memref_squeeze %dma_wait3A_118 : memref<1x80xi32, #tpu.memory_space<vmem>> -> memref<80xi32, #tpu.memory_space<vmem>>
      %dma_wait3A_120 = arith.constant 0 : i32
      %dma_wait3A_121 = arith.constant 0 : i32
      %dma_wait3A_122 = tpu.memref_slice %arg10[%dma_wait3A_120, %dma_wait3A_121] : memref<10240x128xf32, #tpu.memory_space<vmem_shared>> -> memref<10240x128xf32, #tpu.memory_space<vmem_shared>>
      tpu.wait_indirect_dma semaphore(%run_scoped3A_110 : memref<!tpu.dma_semaphore, #tpu.memory_space<semaphore_mem>>) src(%arg12 : memref<80x128xf32, #tpu.memory_space<vmem>>) dst(%dma_wait3A_122 : memref<10240x128xf32, #tpu.memory_space<vmem_shared>>)
      tpu.yield
    }) : () -> ()
    %dma_wait3A_101 = arith.constant 0 : i32
    %dma_wait3A_102 = arith.constant 0 : i32
    %dma_wait3A_103 = tpu.memref_slice %arg7[%dma_wait3A_101, %dma_wait3A_102] : memref<125x80xi32, #tpu.memory_space<vmem>> -> memref<1x80xi32, #tpu.memory_space<vmem>>
    %dma_wait3A_104 = tpu.memref_squeeze %dma_wait3A_103 : memref<1x80xi32, #tpu.memory_space<vmem>> -> memref<80xi32, #tpu.memory_space<vmem>>
    %dma_wait3A_105 = arith.constant 0 : i32
    %dma_wait3A_106 = arith.constant 0 : i32
    %dma_wait3A_107 = tpu.memref_slice %arg2[%dma_wait3A_105, %dma_wait3A_106] : memref<10000x128xf32, #tpu.memory_space<hbm>> -> memref<10000x128xf32, #tpu.memory_space<hbm>>
    tpu.wait_indirect_dma semaphore(%arg11 : memref<!tpu.dma_semaphore, #tpu.memory_space<semaphore_mem>>) src(%dma_wait3A_107 : memref<10000x128xf32, #tpu.memory_space<hbm>>) dst(%arg9 : memref<80x128xf32, #tpu.memory_space<vmem>>)
    %run_scoped3A_108 = arith.constant 124 : i32
    "tpu.region"() ({
      %run_scoped3A_110 = tpu.sem_alloc : memref<!tpu.dma_semaphore, #tpu.memory_space<semaphore_mem>>
      %dma_start3A_111 = arith.constant 0 : i32
      %dma_start3A_112 = tpu.memref_slice %arg8[%run_scoped3A_108, %dma_start3A_111] : memref<125x80xi32, #tpu.memory_space<vmem>> -> memref<1x80xi32, #tpu.memory_space<vmem>>
      %dma_start3A_113 = tpu.memref_squeeze %dma_start3A_112 : memref<1x80xi32, #tpu.memory_space<vmem>> -> memref<80xi32, #tpu.memory_space<vmem>>
      %dma_start3A_114 = arith.constant 0 : i32
      %dma_start3A_115 = arith.constant 0 : i32
      %dma_start3A_116 = tpu.memref_slice %arg10[%dma_start3A_114, %dma_start3A_115] : memref<10240x128xf32, #tpu.memory_space<vmem_shared>> -> memref<10240x128xf32, #tpu.memory_space<vmem_shared>>
      tpu.enqueue_indirect_dma source(%arg9 : memref<80x128xf32, #tpu.memory_space<vmem>>) target(%dma_start3A_116 : memref<10240x128xf32, #tpu.memory_space<vmem_shared>>) offsets(%dma_start3A_113 : memref<80xi32, #tpu.memory_space<vmem>>) semaphore(%run_scoped3A_110 : memref<!tpu.dma_semaphore, #tpu.memory_space<semaphore_mem>>) {add = true}
      %dma_wait3A_117 = arith.constant 0 : i32
      %dma_wait3A_118 = tpu.memref_slice %arg8[%run_scoped3A_108, %dma_wait3A_117] : memref<125x80xi32, #tpu.memory_space<vmem>> -> memref<1x80xi32, #tpu.memory_space<vmem>>
      %dma_wait3A_119 = tpu.memref_squeeze %dma_wait3A_118 : memref<1x80xi32, #tpu.memory_space<vmem>> -> memref<80xi32, #tpu.memory_space<vmem>>
      %dma_wait3A_120 = arith.constant 0 : i32
      %dma_wait3A_121 = arith.constant 0 : i32
      %dma_wait3A_122 = tpu.memref_slice %arg10[%dma_wait3A_120, %dma_wait3A_121] : memref<10240x128xf32, #tpu.memory_space<vmem_shared>> -> memref<10240x128xf32, #tpu.memory_space<vmem_shared>>
      tpu.wait_indirect_dma semaphore(%run_scoped3A_110 : memref<!tpu.dma_semaphore, #tpu.memory_space<semaphore_mem>>) src(%arg9 : memref<80x128xf32, #tpu.memory_space<vmem>>) dst(%dma_wait3A_122 : memref<10240x128xf32, #tpu.memory_space<vmem_shared>>)
      tpu.yield
    }) : () -> ()
    %barrier3A_109 = arith.constant 0 : index
    tpu.barrier barrier_id(%barrier3A_109)
    "tpu.region"() ({
      %run_scoped3A_110 = tpu.sem_alloc : memref<!tpu.dma_semaphore, #tpu.memory_space<semaphore_mem>>
      %dma_start3A_111 = arith.constant 0 : i32
      %dma_start3A_112 = tpu.memref_slice %arg6[%arg0, %mul3A_41, %dma_start3A_111] : memref<2x10240x128xf32, #tpu.memory_space<hbm>> -> memref<1x640x128xf32, #tpu.memory_space<hbm>>
      %dma_start3A_113 = tpu.memref_squeeze %dma_start3A_112 : memref<1x640x128xf32, #tpu.memory_space<hbm>> -> memref<640x128xf32, #tpu.memory_space<hbm>>
      %dma_start3A_114 = arith.constant 0 : i32
      %dma_start3A_115 = tpu.memref_slice %arg10[%mul3A_41, %dma_start3A_114] : memref<10240x128xf32, #tpu.memory_space<vmem_shared>> -> memref<640x128xf32, #tpu.memory_space<vmem_shared>>
      tpu.enqueue_dma source(%dma_start3A_115 : memref<640x128xf32, #tpu.memory_space<vmem_shared>>) target(%dma_start3A_113 : memref<640x128xf32, #tpu.memory_space<hbm>>) target_semaphore(%run_scoped3A_110 : memref<!tpu.dma_semaphore, #tpu.memory_space<semaphore_mem>>)
      %dma_wait3A_116 = arith.constant 0 : i32
      %dma_wait3A_117 = tpu.memref_slice %arg6[%arg0, %mul3A_41, %dma_wait3A_116] : memref<2x10240x128xf32, #tpu.memory_space<hbm>> -> memref<1x640x128xf32, #tpu.memory_space<hbm>>
      %dma_wait3A_118 = tpu.memref_squeeze %dma_wait3A_117 : memref<1x640x128xf32, #tpu.memory_space<hbm>> -> memref<640x128xf32, #tpu.memory_space<hbm>>
      %dma_wait3A_119 = arith.constant 0 : i32
      %dma_wait3A_120 = tpu.memref_slice %arg10[%mul3A_41, %dma_wait3A_119] : memref<10240x128xf32, #tpu.memory_space<vmem_shared>> -> memref<640x128xf32, #tpu.memory_space<vmem_shared>>
      tpu.wait_dma2 semaphore(%run_scoped3A_110 : memref<!tpu.dma_semaphore, #tpu.memory_space<semaphore_mem>>) src(%dma_wait3A_120 : memref<640x128xf32, #tpu.memory_space<vmem_shared>>) dst(%dma_wait3A_118 : memref<640x128xf32, #tpu.memory_space<hbm>>)
      tpu.yield
    }) : () -> ()
    return
  }
}

#map = affine_map<(d0, d1) -> (0, 0)>
#map1 = affine_map<(d0, d1) -> (0, 0, 0)>
module attributes {stable_mosaic.version = 14 : i64} {
  func.func @_sc_agg_body(%arg0: i32, %arg1: i32, %arg2: memref<10000x128xf32, #tpu.memory_space<hbm>>, %arg3: memref<32x125x80xi32, #tpu.memory_space<hbm>>, %arg4: memref<32x125x80xi32, #tpu.memory_space<hbm>>, %arg5: memref<64x128xf32, #tpu.memory_space<hbm>>, %arg6: memref<2x10240x128xf32, #tpu.memory_space<hbm>>, %arg7: memref<125x80xi32, #tpu.memory_space<vmem>>, %arg8: memref<125x80xi32, #tpu.memory_space<vmem>>, %arg9: memref<80x128xf32, #tpu.memory_space<vmem>>, %arg10: memref<10240x128xf32, #tpu.memory_space<vmem_shared>>, %arg11: memref<!tpu.dma_semaphore, #tpu.memory_space<semaphore_mem>>, %arg12: memref<80x128xf32, #tpu.memory_space<vmem>>, %arg13: memref<!tpu.dma_semaphore, #tpu.memory_space<semaphore_mem>>, %arg14: memref<64x128xf32, #tpu.memory_space<vmem>>) attributes {dimension_semantics = [#tpu.dimension_semantics<core_parallel>, #tpu.dimension_semantics<subcore_parallel>], iteration_bounds = array<i64: 2, 16>, scalar_prefetch = 0 : i64, scratch_operands = 8 : i64, tpu.core_type = #tpu.core_type<sc_vector_subcore>, window_params = [{transform_indices = #map}, {transform_indices = #map1}, {transform_indices = #map1}, {transform_indices = #map}, {transform_indices = #map1}]} {
    %mul3A = arith.constant 16 : i32
    %mul3A_0 = arith.muli %arg0, %mul3A : i32
    %add3A = arith.addi %mul3A_0, %arg1 : i32
    "tpu.region"() ({
      %run_scoped3A_110 = tpu.sem_alloc : memref<!tpu.dma_semaphore, #tpu.memory_space<semaphore_mem>>
      %dma_start3A_111 = arith.constant 0 : i32
      %dma_start3A_112 = arith.constant 0 : i32
      %dma_start3A_113 = tpu.memref_slice %arg3[%add3A, %dma_start3A_111, %dma_start3A_112] : memref<32x125x80xi32, #tpu.memory_space<hbm>> -> memref<1x125x80xi32, #tpu.memory_space<hbm>>
      %dma_start3A_114 = tpu.memref_squeeze %dma_start3A_113 : memref<1x125x80xi32, #tpu.memory_space<hbm>> -> memref<125x80xi32, #tpu.memory_space<hbm>>
      %dma_start3A_115 = arith.constant 0 : i32
      %dma_start3A_116 = arith.constant 0 : i32
      %dma_start3A_117 = tpu.memref_slice %arg3[%add3A, %dma_start3A_115, %dma_start3A_116] : memref<32x125x80xi32, #tpu.memory_space<hbm>> -> memref<1x125x80xi32, #tpu.memory_space<hbm>>
      %dma_start3A_118 = tpu.memref_squeeze %dma_start3A_117 : memref<1x125x80xi32, #tpu.memory_space<hbm>> -> memref<125x80xi32, #tpu.memory_space<hbm>>
      tpu.enqueue_dma source(%dma_start3A_118 : memref<125x80xi32, #tpu.memory_space<hbm>>) target(%arg7 : memref<125x80xi32, #tpu.memory_space<vmem>>) target_semaphore(%run_scoped3A_110 : memref<!tpu.dma_semaphore, #tpu.memory_space<semaphore_mem>>)
      %dma_wait3A_119 = arith.constant 0 : i32
      %dma_wait3A_120 = arith.constant 0 : i32
      %dma_wait3A_121 = tpu.memref_slice %arg3[%add3A, %dma_wait3A_119, %dma_wait3A_120] : memref<32x125x80xi32, #tpu.memory_space<hbm>> -> memref<1x125x80xi32, #tpu.memory_space<hbm>>
      %dma_wait3A_122 = tpu.memref_squeeze %dma_wait3A_121 : memref<1x125x80xi32, #tpu.memory_space<hbm>> -> memref<125x80xi32, #tpu.memory_space<hbm>>
      %dma_wait3A_123 = arith.constant 0 : i32
      %dma_wait3A_124 = arith.constant 0 : i32
      %dma_wait3A_125 = tpu.memref_slice %arg3[%add3A, %dma_wait3A_123, %dma_wait3A_124] : memref<32x125x80xi32, #tpu.memory_space<hbm>> -> memref<1x125x80xi32, #tpu.memory_space<hbm>>
      %dma_wait3A_126 = tpu.memref_squeeze %dma_wait3A_125 : memref<1x125x80xi32, #tpu.memory_space<hbm>> -> memref<125x80xi32, #tpu.memory_space<hbm>>
      tpu.wait_dma2 semaphore(%run_scoped3A_110 : memref<!tpu.dma_semaphore, #tpu.memory_space<semaphore_mem>>) src(%dma_wait3A_126 : memref<125x80xi32, #tpu.memory_space<hbm>>) dst(%arg7 : memref<125x80xi32, #tpu.memory_space<vmem>>)
      tpu.yield
    }) : () -> ()
    "tpu.region"() ({
      %run_scoped3A_110 = tpu.sem_alloc : memref<!tpu.dma_semaphore, #tpu.memory_space<semaphore_mem>>
      %dma_start3A_111 = arith.constant 0 : i32
      %dma_start3A_112 = arith.constant 0 : i32
      %dma_start3A_113 = tpu.memref_slice %arg4[%add3A, %dma_start3A_111, %dma_start3A_112] : memref<32x125x80xi32, #tpu.memory_space<hbm>> -> memref<1x125x80xi32, #tpu.memory_space<hbm>>
      %dma_start3A_114 = tpu.memref_squeeze %dma_start3A_113 : memref<1x125x80xi32, #tpu.memory_space<hbm>> -> memref<125x80xi32, #tpu.memory_space<hbm>>
      %dma_start3A_115 = arith.constant 0 : i32
      %dma_start3A_116 = arith.constant 0 : i32
      %dma_start3A_117 = tpu.memref_slice %arg4[%add3A, %dma_start3A_115, %dma_start3A_116] : memref<32x125x80xi32, #tpu.memory_space<hbm>> -> memref<1x125x80xi32, #tpu.memory_space<hbm>>
      %dma_start3A_118 = tpu.memref_squeeze %dma_start3A_117 : memref<1x125x80xi32, #tpu.memory_space<hbm>> -> memref<125x80xi32, #tpu.memory_space<hbm>>
      tpu.enqueue_dma source(%dma_start3A_118 : memref<125x80xi32, #tpu.memory_space<hbm>>) target(%arg8 : memref<125x80xi32, #tpu.memory_space<vmem>>) target_semaphore(%run_scoped3A_110 : memref<!tpu.dma_semaphore, #tpu.memory_space<semaphore_mem>>)
      %dma_wait3A_119 = arith.constant 0 : i32
      %dma_wait3A_120 = arith.constant 0 : i32
      %dma_wait3A_121 = tpu.memref_slice %arg4[%add3A, %dma_wait3A_119, %dma_wait3A_120] : memref<32x125x80xi32, #tpu.memory_space<hbm>> -> memref<1x125x80xi32, #tpu.memory_space<hbm>>
      %dma_wait3A_122 = tpu.memref_squeeze %dma_wait3A_121 : memref<1x125x80xi32, #tpu.memory_space<hbm>> -> memref<125x80xi32, #tpu.memory_space<hbm>>
      %dma_wait3A_123 = arith.constant 0 : i32
      %dma_wait3A_124 = arith.constant 0 : i32
      %dma_wait3A_125 = tpu.memref_slice %arg4[%add3A, %dma_wait3A_123, %dma_wait3A_124] : memref<32x125x80xi32, #tpu.memory_space<hbm>> -> memref<1x125x80xi32, #tpu.memory_space<hbm>>
      %dma_wait3A_126 = tpu.memref_squeeze %dma_wait3A_125 : memref<1x125x80xi32, #tpu.memory_space<hbm>> -> memref<125x80xi32, #tpu.memory_space<hbm>>
      tpu.wait_dma2 semaphore(%run_scoped3A_110 : memref<!tpu.dma_semaphore, #tpu.memory_space<semaphore_mem>>) src(%dma_wait3A_126 : memref<125x80xi32, #tpu.memory_space<hbm>>) dst(%arg8 : memref<125x80xi32, #tpu.memory_space<vmem>>)
      tpu.yield
    }) : () -> ()
    %dma_start3A = arith.constant 0 : i32
    %dma_start3A_1 = arith.constant 0 : i32
    %dma_start3A_2 = arith.constant 0 : i32
    %dma_start3A_3 = tpu.memref_slice %arg9[%dma_start3A_1, %dma_start3A_2] : memref<80x128xf32, #tpu.memory_space<vmem>> -> memref<40x128xf32, #tpu.memory_space<vmem>>
    %dma_start3A_4 = arith.constant 0 : i32
    %dma_start3A_5 = tpu.memref_slice %arg7[%dma_start3A, %dma_start3A_4] : memref<125x80xi32, #tpu.memory_space<vmem>> -> memref<1x40xi32, #tpu.memory_space<vmem>>
    %dma_start3A_6 = tpu.memref_squeeze %dma_start3A_5 : memref<1x40xi32, #tpu.memory_space<vmem>> -> memref<40xi32, #tpu.memory_space<vmem>>
    %dma_start3A_7 = arith.constant 0 : i32
    %dma_start3A_8 = arith.constant 0 : i32
    %dma_start3A_9 = tpu.memref_slice %arg2[%dma_start3A_7, %dma_start3A_8] : memref<10000x128xf32, #tpu.memory_space<hbm>> -> memref<10000x128xf32, #tpu.memory_space<hbm>>
    tpu.enqueue_indirect_dma source(%dma_start3A_9 : memref<10000x128xf32, #tpu.memory_space<hbm>>) target(%dma_start3A_3 : memref<40x128xf32, #tpu.memory_space<vmem>>) offsets(%dma_start3A_6 : memref<40xi32, #tpu.memory_space<vmem>>) semaphore(%arg11 : memref<!tpu.dma_semaphore, #tpu.memory_space<semaphore_mem>>)
    %dma_start3A_10 = arith.constant 0 : i32
    %dma_start3A_11 = arith.constant 40 : i32
    %dma_start3A_12 = arith.constant 0 : i32
    %dma_start3A_13 = tpu.memref_slice %arg9[%dma_start3A_11, %dma_start3A_12] : memref<80x128xf32, #tpu.memory_space<vmem>> -> memref<40x128xf32, #tpu.memory_space<vmem>>
    %dma_start3A_14 = arith.constant 40 : i32
    %dma_start3A_15 = tpu.memref_slice %arg7[%dma_start3A_10, %dma_start3A_14] : memref<125x80xi32, #tpu.memory_space<vmem>> -> memref<1x40xi32, #tpu.memory_space<vmem>>
    %dma_start3A_16 = tpu.memref_squeeze %dma_start3A_15 : memref<1x40xi32, #tpu.memory_space<vmem>> -> memref<40xi32, #tpu.memory_space<vmem>>
    %dma_start3A_17 = arith.constant 0 : i32
    %dma_start3A_18 = arith.constant 0 : i32
    %dma_start3A_19 = tpu.memref_slice %arg2[%dma_start3A_17, %dma_start3A_18] : memref<10000x128xf32, #tpu.memory_space<hbm>> -> memref<10000x128xf32, #tpu.memory_space<hbm>>
    tpu.enqueue_indirect_dma source(%dma_start3A_19 : memref<10000x128xf32, #tpu.memory_space<hbm>>) target(%dma_start3A_13 : memref<40x128xf32, #tpu.memory_space<vmem>>) offsets(%dma_start3A_16 : memref<40xi32, #tpu.memory_space<vmem>>) semaphore(%arg11 : memref<!tpu.dma_semaphore, #tpu.memory_space<semaphore_mem>>)
    %dma_start3A_20 = arith.constant 1 : i32
    %dma_start3A_21 = arith.constant 0 : i32
    %dma_start3A_22 = arith.constant 0 : i32
    %dma_start3A_23 = tpu.memref_slice %arg12[%dma_start3A_21, %dma_start3A_22] : memref<80x128xf32, #tpu.memory_space<vmem>> -> memref<40x128xf32, #tpu.memory_space<vmem>>
    %dma_start3A_24 = arith.constant 0 : i32
    %dma_start3A_25 = tpu.memref_slice %arg7[%dma_start3A_20, %dma_start3A_24] : memref<125x80xi32, #tpu.memory_space<vmem>> -> memref<1x40xi32, #tpu.memory_space<vmem>>
    %dma_start3A_26 = tpu.memref_squeeze %dma_start3A_25 : memref<1x40xi32, #tpu.memory_space<vmem>> -> memref<40xi32, #tpu.memory_space<vmem>>
    %dma_start3A_27 = arith.constant 0 : i32
    %dma_start3A_28 = arith.constant 0 : i32
    %dma_start3A_29 = tpu.memref_slice %arg2[%dma_start3A_27, %dma_start3A_28] : memref<10000x128xf32, #tpu.memory_space<hbm>> -> memref<10000x128xf32, #tpu.memory_space<hbm>>
    tpu.enqueue_indirect_dma source(%dma_start3A_29 : memref<10000x128xf32, #tpu.memory_space<hbm>>) target(%dma_start3A_23 : memref<40x128xf32, #tpu.memory_space<vmem>>) offsets(%dma_start3A_26 : memref<40xi32, #tpu.memory_space<vmem>>) semaphore(%arg13 : memref<!tpu.dma_semaphore, #tpu.memory_space<semaphore_mem>>)
    %dma_start3A_30 = arith.constant 1 : i32
    %dma_start3A_31 = arith.constant 40 : i32
    %dma_start3A_32 = arith.constant 0 : i32
    %dma_start3A_33 = tpu.memref_slice %arg12[%dma_start3A_31, %dma_start3A_32] : memref<80x128xf32, #tpu.memory_space<vmem>> -> memref<40x128xf32, #tpu.memory_space<vmem>>
    %dma_start3A_34 = arith.constant 40 : i32
    %dma_start3A_35 = tpu.memref_slice %arg7[%dma_start3A_30, %dma_start3A_34] : memref<125x80xi32, #tpu.memory_space<vmem>> -> memref<1x40xi32, #tpu.memory_space<vmem>>
    %dma_start3A_36 = tpu.memref_squeeze %dma_start3A_35 : memref<1x40xi32, #tpu.memory_space<vmem>> -> memref<40xi32, #tpu.memory_space<vmem>>
    %dma_start3A_37 = arith.constant 0 : i32
    %dma_start3A_38 = arith.constant 0 : i32
    %dma_start3A_39 = tpu.memref_slice %arg2[%dma_start3A_37, %dma_start3A_38] : memref<10000x128xf32, #tpu.memory_space<hbm>> -> memref<10000x128xf32, #tpu.memory_space<hbm>>
    tpu.enqueue_indirect_dma source(%dma_start3A_39 : memref<10000x128xf32, #tpu.memory_space<hbm>>) target(%dma_start3A_33 : memref<40x128xf32, #tpu.memory_space<vmem>>) offsets(%dma_start3A_36 : memref<40xi32, #tpu.memory_space<vmem>>) semaphore(%arg13 : memref<!tpu.dma_semaphore, #tpu.memory_space<semaphore_mem>>)
    "tpu.region"() ({
      %run_scoped3A_110 = tpu.sem_alloc : memref<!tpu.dma_semaphore, #tpu.memory_space<semaphore_mem>>
      tpu.enqueue_dma source(%arg5 : memref<64x128xf32, #tpu.memory_space<hbm>>) target(%arg14 : memref<64x128xf32, #tpu.memory_space<vmem>>) target_semaphore(%run_scoped3A_110 : memref<!tpu.dma_semaphore, #tpu.memory_space<semaphore_mem>>)
      tpu.wait_dma2 semaphore(%run_scoped3A_110 : memref<!tpu.dma_semaphore, #tpu.memory_space<semaphore_mem>>) src(%arg5 : memref<64x128xf32, #tpu.memory_space<hbm>>) dst(%arg14 : memref<64x128xf32, #tpu.memory_space<vmem>>)
      tpu.yield
    }) : () -> ()
    %mul3A_40 = arith.constant 640 : i32
    %mul3A_41 = arith.muli %arg1, %mul3A_40 : i32
    %add3A_42 = arith.constant 0 : i32
    %add3A_43 = arith.addi %mul3A_41, %add3A_42 : i32
    "tpu.region"() ({
      %run_scoped3A_110 = tpu.sem_alloc : memref<!tpu.dma_semaphore, #tpu.memory_space<semaphore_mem>>
      %dma_start3A_111 = arith.constant 0 : i32
      %dma_start3A_112 = tpu.memref_slice %arg10[%add3A_43, %dma_start3A_111] : memref<10240x128xf32, #tpu.memory_space<vmem_shared>> -> memref<64x128xf32, #tpu.memory_space<vmem_shared>>
      %dma_start3A_113 = arith.constant 0 : i32
      %dma_start3A_114 = tpu.memref_slice %arg10[%add3A_43, %dma_start3A_113] : memref<10240x128xf32, #tpu.memory_space<vmem_shared>> -> memref<64x128xf32, #tpu.memory_space<vmem_shared>>
      tpu.enqueue_dma source(%arg14 : memref<64x128xf32, #tpu.memory_space<vmem>>) target(%dma_start3A_114 : memref<64x128xf32, #tpu.memory_space<vmem_shared>>) target_semaphore(%run_scoped3A_110 : memref<!tpu.dma_semaphore, #tpu.memory_space<semaphore_mem>>)
      %dma_wait3A_115 = arith.constant 0 : i32
      %dma_wait3A_116 = tpu.memref_slice %arg10[%add3A_43, %dma_wait3A_115] : memref<10240x128xf32, #tpu.memory_space<vmem_shared>> -> memref<64x128xf32, #tpu.memory_space<vmem_shared>>
      %dma_wait3A_117 = arith.constant 0 : i32
      %dma_wait3A_118 = tpu.memref_slice %arg10[%add3A_43, %dma_wait3A_117] : memref<10240x128xf32, #tpu.memory_space<vmem_shared>> -> memref<64x128xf32, #tpu.memory_space<vmem_shared>>
      tpu.wait_dma2 semaphore(%run_scoped3A_110 : memref<!tpu.dma_semaphore, #tpu.memory_space<semaphore_mem>>) src(%arg14 : memref<64x128xf32, #tpu.memory_space<vmem>>) dst(%dma_wait3A_118 : memref<64x128xf32, #tpu.memory_space<vmem_shared>>)
      tpu.yield
    }) : () -> ()
    %add3A_44 = arith.constant 64 : i32
    %add3A_45 = arith.addi %mul3A_41, %add3A_44 : i32
    "tpu.region"() ({
      %run_scoped3A_110 = tpu.sem_alloc : memref<!tpu.dma_semaphore, #tpu.memory_space<semaphore_mem>>
      %dma_start3A_111 = arith.constant 0 : i32
      %dma_start3A_112 = tpu.memref_slice %arg10[%add3A_45, %dma_start3A_111] : memref<10240x128xf32, #tpu.memory_space<vmem_shared>> -> memref<64x128xf32, #tpu.memory_space<vmem_shared>>
      %dma_start3A_113 = arith.constant 0 : i32
      %dma_start3A_114 = tpu.memref_slice %arg10[%add3A_45, %dma_start3A_113] : memref<10240x128xf32, #tpu.memory_space<vmem_shared>> -> memref<64x128xf32, #tpu.memory_space<vmem_shared>>
      tpu.enqueue_dma source(%arg14 : memref<64x128xf32, #tpu.memory_space<vmem>>) target(%dma_start3A_114 : memref<64x128xf32, #tpu.memory_space<vmem_shared>>) target_semaphore(%run_scoped3A_110 : memref<!tpu.dma_semaphore, #tpu.memory_space<semaphore_mem>>)
      %dma_wait3A_115 = arith.constant 0 : i32
      %dma_wait3A_116 = tpu.memref_slice %arg10[%add3A_45, %dma_wait3A_115] : memref<10240x128xf32, #tpu.memory_space<vmem_shared>> -> memref<64x128xf32, #tpu.memory_space<vmem_shared>>
      %dma_wait3A_117 = arith.constant 0 : i32
      %dma_wait3A_118 = tpu.memref_slice %arg10[%add3A_45, %dma_wait3A_117] : memref<10240x128xf32, #tpu.memory_space<vmem_shared>> -> memref<64x128xf32, #tpu.memory_space<vmem_shared>>
      tpu.wait_dma2 semaphore(%run_scoped3A_110 : memref<!tpu.dma_semaphore, #tpu.memory_space<semaphore_mem>>) src(%arg14 : memref<64x128xf32, #tpu.memory_space<vmem>>) dst(%dma_wait3A_118 : memref<64x128xf32, #tpu.memory_space<vmem_shared>>)
      tpu.yield
    }) : () -> ()
    %add3A_46 = arith.constant 128 : i32
    %add3A_47 = arith.addi %mul3A_41, %add3A_46 : i32
    "tpu.region"() ({
      %run_scoped3A_110 = tpu.sem_alloc : memref<!tpu.dma_semaphore, #tpu.memory_space<semaphore_mem>>
      %dma_start3A_111 = arith.constant 0 : i32
      %dma_start3A_112 = tpu.memref_slice %arg10[%add3A_47, %dma_start3A_111] : memref<10240x128xf32, #tpu.memory_space<vmem_shared>> -> memref<64x128xf32, #tpu.memory_space<vmem_shared>>
      %dma_start3A_113 = arith.constant 0 : i32
      %dma_start3A_114 = tpu.memref_slice %arg10[%add3A_47, %dma_start3A_113] : memref<10240x128xf32, #tpu.memory_space<vmem_shared>> -> memref<64x128xf32, #tpu.memory_space<vmem_shared>>
      tpu.enqueue_dma source(%arg14 : memref<64x128xf32, #tpu.memory_space<vmem>>) target(%dma_start3A_114 : memref<64x128xf32, #tpu.memory_space<vmem_shared>>) target_semaphore(%run_scoped3A_110 : memref<!tpu.dma_semaphore, #tpu.memory_space<semaphore_mem>>)
      %dma_wait3A_115 = arith.constant 0 : i32
      %dma_wait3A_116 = tpu.memref_slice %arg10[%add3A_47, %dma_wait3A_115] : memref<10240x128xf32, #tpu.memory_space<vmem_shared>> -> memref<64x128xf32, #tpu.memory_space<vmem_shared>>
      %dma_wait3A_117 = arith.constant 0 : i32
      %dma_wait3A_118 = tpu.memref_slice %arg10[%add3A_47, %dma_wait3A_117] : memref<10240x128xf32, #tpu.memory_space<vmem_shared>> -> memref<64x128xf32, #tpu.memory_space<vmem_shared>>
      tpu.wait_dma2 semaphore(%run_scoped3A_110 : memref<!tpu.dma_semaphore, #tpu.memory_space<semaphore_mem>>) src(%arg14 : memref<64x128xf32, #tpu.memory_space<vmem>>) dst(%dma_wait3A_118 : memref<64x128xf32, #tpu.memory_space<vmem_shared>>)
      tpu.yield
    }) : () -> ()
    %add3A_48 = arith.constant 192 : i32
    %add3A_49 = arith.addi %mul3A_41, %add3A_48 : i32
    "tpu.region"() ({
      %run_scoped3A_110 = tpu.sem_alloc : memref<!tpu.dma_semaphore, #tpu.memory_space<semaphore_mem>>
      %dma_start3A_111 = arith.constant 0 : i32
      %dma_start3A_112 = tpu.memref_slice %arg10[%add3A_49, %dma_start3A_111] : memref<10240x128xf32, #tpu.memory_space<vmem_shared>> -> memref<64x128xf32, #tpu.memory_space<vmem_shared>>
      %dma_start3A_113 = arith.constant 0 : i32
      %dma_start3A_114 = tpu.memref_slice %arg10[%add3A_49, %dma_start3A_113] : memref<10240x128xf32, #tpu.memory_space<vmem_shared>> -> memref<64x128xf32, #tpu.memory_space<vmem_shared>>
      tpu.enqueue_dma source(%arg14 : memref<64x128xf32, #tpu.memory_space<vmem>>) target(%dma_start3A_114 : memref<64x128xf32, #tpu.memory_space<vmem_shared>>) target_semaphore(%run_scoped3A_110 : memref<!tpu.dma_semaphore, #tpu.memory_space<semaphore_mem>>)
      %dma_wait3A_115 = arith.constant 0 : i32
      %dma_wait3A_116 = tpu.memref_slice %arg10[%add3A_49, %dma_wait3A_115] : memref<10240x128xf32, #tpu.memory_space<vmem_shared>> -> memref<64x128xf32, #tpu.memory_space<vmem_shared>>
      %dma_wait3A_117 = arith.constant 0 : i32
      %dma_wait3A_118 = tpu.memref_slice %arg10[%add3A_49, %dma_wait3A_117] : memref<10240x128xf32, #tpu.memory_space<vmem_shared>> -> memref<64x128xf32, #tpu.memory_space<vmem_shared>>
      tpu.wait_dma2 semaphore(%run_scoped3A_110 : memref<!tpu.dma_semaphore, #tpu.memory_space<semaphore_mem>>) src(%arg14 : memref<64x128xf32, #tpu.memory_space<vmem>>) dst(%dma_wait3A_118 : memref<64x128xf32, #tpu.memory_space<vmem_shared>>)
      tpu.yield
    }) : () -> ()
    %add3A_50 = arith.constant 256 : i32
    %add3A_51 = arith.addi %mul3A_41, %add3A_50 : i32
    "tpu.region"() ({
      %run_scoped3A_110 = tpu.sem_alloc : memref<!tpu.dma_semaphore, #tpu.memory_space<semaphore_mem>>
      %dma_start3A_111 = arith.constant 0 : i32
      %dma_start3A_112 = tpu.memref_slice %arg10[%add3A_51, %dma_start3A_111] : memref<10240x128xf32, #tpu.memory_space<vmem_shared>> -> memref<64x128xf32, #tpu.memory_space<vmem_shared>>
      %dma_start3A_113 = arith.constant 0 : i32
      %dma_start3A_114 = tpu.memref_slice %arg10[%add3A_51, %dma_start3A_113] : memref<10240x128xf32, #tpu.memory_space<vmem_shared>> -> memref<64x128xf32, #tpu.memory_space<vmem_shared>>
      tpu.enqueue_dma source(%arg14 : memref<64x128xf32, #tpu.memory_space<vmem>>) target(%dma_start3A_114 : memref<64x128xf32, #tpu.memory_space<vmem_shared>>) target_semaphore(%run_scoped3A_110 : memref<!tpu.dma_semaphore, #tpu.memory_space<semaphore_mem>>)
      %dma_wait3A_115 = arith.constant 0 : i32
      %dma_wait3A_116 = tpu.memref_slice %arg10[%add3A_51, %dma_wait3A_115] : memref<10240x128xf32, #tpu.memory_space<vmem_shared>> -> memref<64x128xf32, #tpu.memory_space<vmem_shared>>
      %dma_wait3A_117 = arith.constant 0 : i32
      %dma_wait3A_118 = tpu.memref_slice %arg10[%add3A_51, %dma_wait3A_117] : memref<10240x128xf32, #tpu.memory_space<vmem_shared>> -> memref<64x128xf32, #tpu.memory_space<vmem_shared>>
      tpu.wait_dma2 semaphore(%run_scoped3A_110 : memref<!tpu.dma_semaphore, #tpu.memory_space<semaphore_mem>>) src(%arg14 : memref<64x128xf32, #tpu.memory_space<vmem>>) dst(%dma_wait3A_118 : memref<64x128xf32, #tpu.memory_space<vmem_shared>>)
      tpu.yield
    }) : () -> ()
    %add3A_52 = arith.constant 320 : i32
    %add3A_53 = arith.addi %mul3A_41, %add3A_52 : i32
    "tpu.region"() ({
      %run_scoped3A_110 = tpu.sem_alloc : memref<!tpu.dma_semaphore, #tpu.memory_space<semaphore_mem>>
      %dma_start3A_111 = arith.constant 0 : i32
      %dma_start3A_112 = tpu.memref_slice %arg10[%add3A_53, %dma_start3A_111] : memref<10240x128xf32, #tpu.memory_space<vmem_shared>> -> memref<64x128xf32, #tpu.memory_space<vmem_shared>>
      %dma_start3A_113 = arith.constant 0 : i32
      %dma_start3A_114 = tpu.memref_slice %arg10[%add3A_53, %dma_start3A_113] : memref<10240x128xf32, #tpu.memory_space<vmem_shared>> -> memref<64x128xf32, #tpu.memory_space<vmem_shared>>
      tpu.enqueue_dma source(%arg14 : memref<64x128xf32, #tpu.memory_space<vmem>>) target(%dma_start3A_114 : memref<64x128xf32, #tpu.memory_space<vmem_shared>>) target_semaphore(%run_scoped3A_110 : memref<!tpu.dma_semaphore, #tpu.memory_space<semaphore_mem>>)
      %dma_wait3A_115 = arith.constant 0 : i32
      %dma_wait3A_116 = tpu.memref_slice %arg10[%add3A_53, %dma_wait3A_115] : memref<10240x128xf32, #tpu.memory_space<vmem_shared>> -> memref<64x128xf32, #tpu.memory_space<vmem_shared>>
      %dma_wait3A_117 = arith.constant 0 : i32
      %dma_wait3A_118 = tpu.memref_slice %arg10[%add3A_53, %dma_wait3A_117] : memref<10240x128xf32, #tpu.memory_space<vmem_shared>> -> memref<64x128xf32, #tpu.memory_space<vmem_shared>>
      tpu.wait_dma2 semaphore(%run_scoped3A_110 : memref<!tpu.dma_semaphore, #tpu.memory_space<semaphore_mem>>) src(%arg14 : memref<64x128xf32, #tpu.memory_space<vmem>>) dst(%dma_wait3A_118 : memref<64x128xf32, #tpu.memory_space<vmem_shared>>)
      tpu.yield
    }) : () -> ()
    %add3A_54 = arith.constant 384 : i32
    %add3A_55 = arith.addi %mul3A_41, %add3A_54 : i32
    "tpu.region"() ({
      %run_scoped3A_110 = tpu.sem_alloc : memref<!tpu.dma_semaphore, #tpu.memory_space<semaphore_mem>>
      %dma_start3A_111 = arith.constant 0 : i32
      %dma_start3A_112 = tpu.memref_slice %arg10[%add3A_55, %dma_start3A_111] : memref<10240x128xf32, #tpu.memory_space<vmem_shared>> -> memref<64x128xf32, #tpu.memory_space<vmem_shared>>
      %dma_start3A_113 = arith.constant 0 : i32
      %dma_start3A_114 = tpu.memref_slice %arg10[%add3A_55, %dma_start3A_113] : memref<10240x128xf32, #tpu.memory_space<vmem_shared>> -> memref<64x128xf32, #tpu.memory_space<vmem_shared>>
      tpu.enqueue_dma source(%arg14 : memref<64x128xf32, #tpu.memory_space<vmem>>) target(%dma_start3A_114 : memref<64x128xf32, #tpu.memory_space<vmem_shared>>) target_semaphore(%run_scoped3A_110 : memref<!tpu.dma_semaphore, #tpu.memory_space<semaphore_mem>>)
      %dma_wait3A_115 = arith.constant 0 : i32
      %dma_wait3A_116 = tpu.memref_slice %arg10[%add3A_55, %dma_wait3A_115] : memref<10240x128xf32, #tpu.memory_space<vmem_shared>> -> memref<64x128xf32, #tpu.memory_space<vmem_shared>>
      %dma_wait3A_117 = arith.constant 0 : i32
      %dma_wait3A_118 = tpu.memref_slice %arg10[%add3A_55, %dma_wait3A_117] : memref<10240x128xf32, #tpu.memory_space<vmem_shared>> -> memref<64x128xf32, #tpu.memory_space<vmem_shared>>
      tpu.wait_dma2 semaphore(%run_scoped3A_110 : memref<!tpu.dma_semaphore, #tpu.memory_space<semaphore_mem>>) src(%arg14 : memref<64x128xf32, #tpu.memory_space<vmem>>) dst(%dma_wait3A_118 : memref<64x128xf32, #tpu.memory_space<vmem_shared>>)
      tpu.yield
    }) : () -> ()
    %add3A_56 = arith.constant 448 : i32
    %add3A_57 = arith.addi %mul3A_41, %add3A_56 : i32
    "tpu.region"() ({
      %run_scoped3A_110 = tpu.sem_alloc : memref<!tpu.dma_semaphore, #tpu.memory_space<semaphore_mem>>
      %dma_start3A_111 = arith.constant 0 : i32
      %dma_start3A_112 = tpu.memref_slice %arg10[%add3A_57, %dma_start3A_111] : memref<10240x128xf32, #tpu.memory_space<vmem_shared>> -> memref<64x128xf32, #tpu.memory_space<vmem_shared>>
      %dma_start3A_113 = arith.constant 0 : i32
      %dma_start3A_114 = tpu.memref_slice %arg10[%add3A_57, %dma_start3A_113] : memref<10240x128xf32, #tpu.memory_space<vmem_shared>> -> memref<64x128xf32, #tpu.memory_space<vmem_shared>>
      tpu.enqueue_dma source(%arg14 : memref<64x128xf32, #tpu.memory_space<vmem>>) target(%dma_start3A_114 : memref<64x128xf32, #tpu.memory_space<vmem_shared>>) target_semaphore(%run_scoped3A_110 : memref<!tpu.dma_semaphore, #tpu.memory_space<semaphore_mem>>)
      %dma_wait3A_115 = arith.constant 0 : i32
      %dma_wait3A_116 = tpu.memref_slice %arg10[%add3A_57, %dma_wait3A_115] : memref<10240x128xf32, #tpu.memory_space<vmem_shared>> -> memref<64x128xf32, #tpu.memory_space<vmem_shared>>
      %dma_wait3A_117 = arith.constant 0 : i32
      %dma_wait3A_118 = tpu.memref_slice %arg10[%add3A_57, %dma_wait3A_117] : memref<10240x128xf32, #tpu.memory_space<vmem_shared>> -> memref<64x128xf32, #tpu.memory_space<vmem_shared>>
      tpu.wait_dma2 semaphore(%run_scoped3A_110 : memref<!tpu.dma_semaphore, #tpu.memory_space<semaphore_mem>>) src(%arg14 : memref<64x128xf32, #tpu.memory_space<vmem>>) dst(%dma_wait3A_118 : memref<64x128xf32, #tpu.memory_space<vmem_shared>>)
      tpu.yield
    }) : () -> ()
    %add3A_58 = arith.constant 512 : i32
    %add3A_59 = arith.addi %mul3A_41, %add3A_58 : i32
    "tpu.region"() ({
      %run_scoped3A_110 = tpu.sem_alloc : memref<!tpu.dma_semaphore, #tpu.memory_space<semaphore_mem>>
      %dma_start3A_111 = arith.constant 0 : i32
      %dma_start3A_112 = tpu.memref_slice %arg10[%add3A_59, %dma_start3A_111] : memref<10240x128xf32, #tpu.memory_space<vmem_shared>> -> memref<64x128xf32, #tpu.memory_space<vmem_shared>>
      %dma_start3A_113 = arith.constant 0 : i32
      %dma_start3A_114 = tpu.memref_slice %arg10[%add3A_59, %dma_start3A_113] : memref<10240x128xf32, #tpu.memory_space<vmem_shared>> -> memref<64x128xf32, #tpu.memory_space<vmem_shared>>
      tpu.enqueue_dma source(%arg14 : memref<64x128xf32, #tpu.memory_space<vmem>>) target(%dma_start3A_114 : memref<64x128xf32, #tpu.memory_space<vmem_shared>>) target_semaphore(%run_scoped3A_110 : memref<!tpu.dma_semaphore, #tpu.memory_space<semaphore_mem>>)
      %dma_wait3A_115 = arith.constant 0 : i32
      %dma_wait3A_116 = tpu.memref_slice %arg10[%add3A_59, %dma_wait3A_115] : memref<10240x128xf32, #tpu.memory_space<vmem_shared>> -> memref<64x128xf32, #tpu.memory_space<vmem_shared>>
      %dma_wait3A_117 = arith.constant 0 : i32
      %dma_wait3A_118 = tpu.memref_slice %arg10[%add3A_59, %dma_wait3A_117] : memref<10240x128xf32, #tpu.memory_space<vmem_shared>> -> memref<64x128xf32, #tpu.memory_space<vmem_shared>>
      tpu.wait_dma2 semaphore(%run_scoped3A_110 : memref<!tpu.dma_semaphore, #tpu.memory_space<semaphore_mem>>) src(%arg14 : memref<64x128xf32, #tpu.memory_space<vmem>>) dst(%dma_wait3A_118 : memref<64x128xf32, #tpu.memory_space<vmem_shared>>)
      tpu.yield
    }) : () -> ()
    %add3A_60 = arith.constant 576 : i32
    %add3A_61 = arith.addi %mul3A_41, %add3A_60 : i32
    "tpu.region"() ({
      %run_scoped3A_110 = tpu.sem_alloc : memref<!tpu.dma_semaphore, #tpu.memory_space<semaphore_mem>>
      %dma_start3A_111 = arith.constant 0 : i32
      %dma_start3A_112 = tpu.memref_slice %arg10[%add3A_61, %dma_start3A_111] : memref<10240x128xf32, #tpu.memory_space<vmem_shared>> -> memref<64x128xf32, #tpu.memory_space<vmem_shared>>
      %dma_start3A_113 = arith.constant 0 : i32
      %dma_start3A_114 = tpu.memref_slice %arg10[%add3A_61, %dma_start3A_113] : memref<10240x128xf32, #tpu.memory_space<vmem_shared>> -> memref<64x128xf32, #tpu.memory_space<vmem_shared>>
      tpu.enqueue_dma source(%arg14 : memref<64x128xf32, #tpu.memory_space<vmem>>) target(%dma_start3A_114 : memref<64x128xf32, #tpu.memory_space<vmem_shared>>) target_semaphore(%run_scoped3A_110 : memref<!tpu.dma_semaphore, #tpu.memory_space<semaphore_mem>>)
      %dma_wait3A_115 = arith.constant 0 : i32
      %dma_wait3A_116 = tpu.memref_slice %arg10[%add3A_61, %dma_wait3A_115] : memref<10240x128xf32, #tpu.memory_space<vmem_shared>> -> memref<64x128xf32, #tpu.memory_space<vmem_shared>>
      %dma_wait3A_117 = arith.constant 0 : i32
      %dma_wait3A_118 = tpu.memref_slice %arg10[%add3A_61, %dma_wait3A_117] : memref<10240x128xf32, #tpu.memory_space<vmem_shared>> -> memref<64x128xf32, #tpu.memory_space<vmem_shared>>
      tpu.wait_dma2 semaphore(%run_scoped3A_110 : memref<!tpu.dma_semaphore, #tpu.memory_space<semaphore_mem>>) src(%arg14 : memref<64x128xf32, #tpu.memory_space<vmem>>) dst(%dma_wait3A_118 : memref<64x128xf32, #tpu.memory_space<vmem_shared>>)
      tpu.yield
    }) : () -> ()
    %barrier3A = arith.constant 0 : index
    tpu.barrier barrier_id(%barrier3A)
    %scan3A = arith.constant 0 : i32
    %scan3A_62 = arith.constant 0 : i32
    %scan3A_63 = arith.constant 61 : i32
    %scan3A_64 = arith.addi %scan3A_62, %scan3A_63 : i32
    %scan3A_65 = arith.constant 1 : i32
    scf.for %scan3A_110 = %scan3A_62 to %scan3A_64 step %scan3A_65  : i32 {
      %mul3A_111 = arith.constant 2 : i32
      %mul3A_112 = arith.muli %mul3A_111, %scan3A_110 : i32
      %dma_wait3A_113 = arith.constant 0 : i32
      %dma_wait3A_114 = arith.constant 0 : i32
      %dma_wait3A_115 = tpu.memref_slice %arg7[%dma_wait3A_113, %dma_wait3A_114] : memref<125x80xi32, #tpu.memory_space<vmem>> -> memref<1x80xi32, #tpu.memory_space<vmem>>
      %dma_wait3A_116 = tpu.memref_squeeze %dma_wait3A_115 : memref<1x80xi32, #tpu.memory_space<vmem>> -> memref<80xi32, #tpu.memory_space<vmem>>
      %dma_wait3A_117 = arith.constant 0 : i32
      %dma_wait3A_118 = arith.constant 0 : i32
      %dma_wait3A_119 = tpu.memref_slice %arg2[%dma_wait3A_117, %dma_wait3A_118] : memref<10000x128xf32, #tpu.memory_space<hbm>> -> memref<10000x128xf32, #tpu.memory_space<hbm>>
      tpu.wait_indirect_dma semaphore(%arg11 : memref<!tpu.dma_semaphore, #tpu.memory_space<semaphore_mem>>) src(%dma_wait3A_119 : memref<10000x128xf32, #tpu.memory_space<hbm>>) dst(%arg9 : memref<80x128xf32, #tpu.memory_space<vmem>>)
      "tpu.region"() ({
        %run_scoped3A_169 = tpu.sem_alloc : memref<!tpu.dma_semaphore, #tpu.memory_space<semaphore_mem>>
        %dma_start3A_170 = arith.constant 0 : i32
        %dma_start3A_171 = tpu.memref_slice %arg8[%mul3A_112, %dma_start3A_170] : memref<125x80xi32, #tpu.memory_space<vmem>> -> memref<1x80xi32, #tpu.memory_space<vmem>>
        %dma_start3A_172 = tpu.memref_squeeze %dma_start3A_171 : memref<1x80xi32, #tpu.memory_space<vmem>> -> memref<80xi32, #tpu.memory_space<vmem>>
        %dma_start3A_173 = arith.constant 0 : i32
        %dma_start3A_174 = arith.constant 0 : i32
        %dma_start3A_175 = tpu.memref_slice %arg10[%dma_start3A_173, %dma_start3A_174] : memref<10240x128xf32, #tpu.memory_space<vmem_shared>> -> memref<10240x128xf32, #tpu.memory_space<vmem_shared>>
        tpu.enqueue_indirect_dma source(%arg9 : memref<80x128xf32, #tpu.memory_space<vmem>>) target(%dma_start3A_175 : memref<10240x128xf32, #tpu.memory_space<vmem_shared>>) offsets(%dma_start3A_172 : memref<80xi32, #tpu.memory_space<vmem>>) semaphore(%run_scoped3A_169 : memref<!tpu.dma_semaphore, #tpu.memory_space<semaphore_mem>>) {add = true}
        %dma_wait3A_176 = arith.constant 0 : i32
        %dma_wait3A_177 = tpu.memref_slice %arg8[%mul3A_112, %dma_wait3A_176] : memref<125x80xi32, #tpu.memory_space<vmem>> -> memref<1x80xi32, #tpu.memory_space<vmem>>
        %dma_wait3A_178 = tpu.memref_squeeze %dma_wait3A_177 : memref<1x80xi32, #tpu.memory_space<vmem>> -> memref<80xi32, #tpu.memory_space<vmem>>
        %dma_wait3A_179 = arith.constant 0 : i32
        %dma_wait3A_180 = arith.constant 0 : i32
        %dma_wait3A_181 = tpu.memref_slice %arg10[%dma_wait3A_179, %dma_wait3A_180] : memref<10240x128xf32, #tpu.memory_space<vmem_shared>> -> memref<10240x128xf32, #tpu.memory_space<vmem_shared>>
        tpu.wait_indirect_dma semaphore(%run_scoped3A_169 : memref<!tpu.dma_semaphore, #tpu.memory_space<semaphore_mem>>) src(%arg9 : memref<80x128xf32, #tpu.memory_space<vmem>>) dst(%dma_wait3A_181 : memref<10240x128xf32, #tpu.memory_space<vmem_shared>>)
        tpu.yield
      }) : () -> ()
      %add3A_120 = arith.constant 2 : i32
      %add3A_121 = arith.addi %mul3A_112, %add3A_120 : i32
      %dma_start3A_122 = arith.constant 0 : i32
      %dma_start3A_123 = arith.constant 0 : i32
      %dma_start3A_124 = tpu.memref_slice %arg9[%dma_start3A_122, %dma_start3A_123] : memref<80x128xf32, #tpu.memory_space<vmem>> -> memref<40x128xf32, #tpu.memory_space<vmem>>
      %dma_start3A_125 = arith.constant 0 : i32
      %dma_start3A_126 = tpu.memref_slice %arg7[%add3A_121, %dma_start3A_125] : memref<125x80xi32, #tpu.memory_space<vmem>> -> memref<1x40xi32, #tpu.memory_space<vmem>>
      %dma_start3A_127 = tpu.memref_squeeze %dma_start3A_126 : memref<1x40xi32, #tpu.memory_space<vmem>> -> memref<40xi32, #tpu.memory_space<vmem>>
      %dma_start3A_128 = arith.constant 0 : i32
      %dma_start3A_129 = arith.constant 0 : i32
      %dma_start3A_130 = tpu.memref_slice %arg2[%dma_start3A_128, %dma_start3A_129] : memref<10000x128xf32, #tpu.memory_space<hbm>> -> memref<10000x128xf32, #tpu.memory_space<hbm>>
      tpu.enqueue_indirect_dma source(%dma_start3A_130 : memref<10000x128xf32, #tpu.memory_space<hbm>>) target(%dma_start3A_124 : memref<40x128xf32, #tpu.memory_space<vmem>>) offsets(%dma_start3A_127 : memref<40xi32, #tpu.memory_space<vmem>>) semaphore(%arg11 : memref<!tpu.dma_semaphore, #tpu.memory_space<semaphore_mem>>)
      %dma_start3A_131 = arith.constant 40 : i32
      %dma_start3A_132 = arith.constant 0 : i32
      %dma_start3A_133 = tpu.memref_slice %arg9[%dma_start3A_131, %dma_start3A_132] : memref<80x128xf32, #tpu.memory_space<vmem>> -> memref<40x128xf32, #tpu.memory_space<vmem>>
      %dma_start3A_134 = arith.constant 40 : i32
      %dma_start3A_135 = tpu.memref_slice %arg7[%add3A_121, %dma_start3A_134] : memref<125x80xi32, #tpu.memory_space<vmem>> -> memref<1x40xi32, #tpu.memory_space<vmem>>
      %dma_start3A_136 = tpu.memref_squeeze %dma_start3A_135 : memref<1x40xi32, #tpu.memory_space<vmem>> -> memref<40xi32, #tpu.memory_space<vmem>>
      %dma_start3A_137 = arith.constant 0 : i32
      %dma_start3A_138 = arith.constant 0 : i32
      %dma_start3A_139 = tpu.memref_slice %arg2[%dma_start3A_137, %dma_start3A_138] : memref<10000x128xf32, #tpu.memory_space<hbm>> -> memref<10000x128xf32, #tpu.memory_space<hbm>>
      tpu.enqueue_indirect_dma source(%dma_start3A_139 : memref<10000x128xf32, #tpu.memory_space<hbm>>) target(%dma_start3A_133 : memref<40x128xf32, #tpu.memory_space<vmem>>) offsets(%dma_start3A_136 : memref<40xi32, #tpu.memory_space<vmem>>) semaphore(%arg11 : memref<!tpu.dma_semaphore, #tpu.memory_space<semaphore_mem>>)
      %dma_wait3A_140 = arith.constant 0 : i32
      %dma_wait3A_141 = arith.constant 0 : i32
      %dma_wait3A_142 = tpu.memref_slice %arg7[%dma_wait3A_140, %dma_wait3A_141] : memref<125x80xi32, #tpu.memory_space<vmem>> -> memref<1x80xi32, #tpu.memory_space<vmem>>
      %dma_wait3A_143 = tpu.memref_squeeze %dma_wait3A_142 : memref<1x80xi32, #tpu.memory_space<vmem>> -> memref<80xi32, #tpu.memory_space<vmem>>
      %dma_wait3A_144 = arith.constant 0 : i32
      %dma_wait3A_145 = arith.constant 0 : i32
      %dma_wait3A_146 = tpu.memref_slice %arg2[%dma_wait3A_144, %dma_wait3A_145] : memref<10000x128xf32, #tpu.memory_space<hbm>> -> memref<10000x128xf32, #tpu.memory_space<hbm>>
      tpu.wait_indirect_dma semaphore(%arg13 : memref<!tpu.dma_semaphore, #tpu.memory_space<semaphore_mem>>) src(%dma_wait3A_146 : memref<10000x128xf32, #tpu.memory_space<hbm>>) dst(%arg12 : memref<80x128xf32, #tpu.memory_space<vmem>>)
      %add3A_147 = arith.constant 1 : i32
      %add3A_148 = arith.addi %mul3A_112, %add3A_147 : i32
      "tpu.region"() ({
        %run_scoped3A_169 = tpu.sem_alloc : memref<!tpu.dma_semaphore, #tpu.memory_space<semaphore_mem>>
        %dma_start3A_170 = arith.constant 0 : i32
        %dma_start3A_171 = tpu.memref_slice %arg8[%add3A_148, %dma_start3A_170] : memref<125x80xi32, #tpu.memory_space<vmem>> -> memref<1x80xi32, #tpu.memory_space<vmem>>
        %dma_start3A_172 = tpu.memref_squeeze %dma_start3A_171 : memref<1x80xi32, #tpu.memory_space<vmem>> -> memref<80xi32, #tpu.memory_space<vmem>>
        %dma_start3A_173 = arith.constant 0 : i32
        %dma_start3A_174 = arith.constant 0 : i32
        %dma_start3A_175 = tpu.memref_slice %arg10[%dma_start3A_173, %dma_start3A_174] : memref<10240x128xf32, #tpu.memory_space<vmem_shared>> -> memref<10240x128xf32, #tpu.memory_space<vmem_shared>>
        tpu.enqueue_indirect_dma source(%arg12 : memref<80x128xf32, #tpu.memory_space<vmem>>) target(%dma_start3A_175 : memref<10240x128xf32, #tpu.memory_space<vmem_shared>>) offsets(%dma_start3A_172 : memref<80xi32, #tpu.memory_space<vmem>>) semaphore(%run_scoped3A_169 : memref<!tpu.dma_semaphore, #tpu.memory_space<semaphore_mem>>) {add = true}
        %dma_wait3A_176 = arith.constant 0 : i32
        %dma_wait3A_177 = tpu.memref_slice %arg8[%add3A_148, %dma_wait3A_176] : memref<125x80xi32, #tpu.memory_space<vmem>> -> memref<1x80xi32, #tpu.memory_space<vmem>>
        %dma_wait3A_178 = tpu.memref_squeeze %dma_wait3A_177 : memref<1x80xi32, #tpu.memory_space<vmem>> -> memref<80xi32, #tpu.memory_space<vmem>>
        %dma_wait3A_179 = arith.constant 0 : i32
        %dma_wait3A_180 = arith.constant 0 : i32
        %dma_wait3A_181 = tpu.memref_slice %arg10[%dma_wait3A_179, %dma_wait3A_180] : memref<10240x128xf32, #tpu.memory_space<vmem_shared>> -> memref<10240x128xf32, #tpu.memory_space<vmem_shared>>
        tpu.wait_indirect_dma semaphore(%run_scoped3A_169 : memref<!tpu.dma_semaphore, #tpu.memory_space<semaphore_mem>>) src(%arg12 : memref<80x128xf32, #tpu.memory_space<vmem>>) dst(%dma_wait3A_181 : memref<10240x128xf32, #tpu.memory_space<vmem_shared>>)
        tpu.yield
      }) : () -> ()
      %add3A_149 = arith.constant 3 : i32
      %add3A_150 = arith.addi %mul3A_112, %add3A_149 : i32
      %dma_start3A_151 = arith.constant 0 : i32
      %dma_start3A_152 = arith.constant 0 : i32
      %dma_start3A_153 = tpu.memref_slice %arg12[%dma_start3A_151, %dma_start3A_152] : memref<80x128xf32, #tpu.memory_space<vmem>> -> memref<40x128xf32, #tpu.memory_space<vmem>>
      %dma_start3A_154 = arith.constant 0 : i32
      %dma_start3A_155 = tpu.memref_slice %arg7[%add3A_150, %dma_start3A_154] : memref<125x80xi32, #tpu.memory_space<vmem>> -> memref<1x40xi32, #tpu.memory_space<vmem>>
      %dma_start3A_156 = tpu.memref_squeeze %dma_start3A_155 : memref<1x40xi32, #tpu.memory_space<vmem>> -> memref<40xi32, #tpu.memory_space<vmem>>
      %dma_start3A_157 = arith.constant 0 : i32
      %dma_start3A_158 = arith.constant 0 : i32
      %dma_start3A_159 = tpu.memref_slice %arg2[%dma_start3A_157, %dma_start3A_158] : memref<10000x128xf32, #tpu.memory_space<hbm>> -> memref<10000x128xf32, #tpu.memory_space<hbm>>
      tpu.enqueue_indirect_dma source(%dma_start3A_159 : memref<10000x128xf32, #tpu.memory_space<hbm>>) target(%dma_start3A_153 : memref<40x128xf32, #tpu.memory_space<vmem>>) offsets(%dma_start3A_156 : memref<40xi32, #tpu.memory_space<vmem>>) semaphore(%arg13 : memref<!tpu.dma_semaphore, #tpu.memory_space<semaphore_mem>>)
      %dma_start3A_160 = arith.constant 40 : i32
      %dma_start3A_161 = arith.constant 0 : i32
      %dma_start3A_162 = tpu.memref_slice %arg12[%dma_start3A_160, %dma_start3A_161] : memref<80x128xf32, #tpu.memory_space<vmem>> -> memref<40x128xf32, #tpu.memory_space<vmem>>
      %dma_start3A_163 = arith.constant 40 : i32
      %dma_start3A_164 = tpu.memref_slice %arg7[%add3A_150, %dma_start3A_163] : memref<125x80xi32, #tpu.memory_space<vmem>> -> memref<1x40xi32, #tpu.memory_space<vmem>>
      %dma_start3A_165 = tpu.memref_squeeze %dma_start3A_164 : memref<1x40xi32, #tpu.memory_space<vmem>> -> memref<40xi32, #tpu.memory_space<vmem>>
      %dma_start3A_166 = arith.constant 0 : i32
      %dma_start3A_167 = arith.constant 0 : i32
      %dma_start3A_168 = tpu.memref_slice %arg2[%dma_start3A_166, %dma_start3A_167] : memref<10000x128xf32, #tpu.memory_space<hbm>> -> memref<10000x128xf32, #tpu.memory_space<hbm>>
      tpu.enqueue_indirect_dma source(%dma_start3A_168 : memref<10000x128xf32, #tpu.memory_space<hbm>>) target(%dma_start3A_162 : memref<40x128xf32, #tpu.memory_space<vmem>>) offsets(%dma_start3A_165 : memref<40xi32, #tpu.memory_space<vmem>>) semaphore(%arg13 : memref<!tpu.dma_semaphore, #tpu.memory_space<semaphore_mem>>)
    }
    %scan3A_66 = arith.constant 61 : i32
    %dma_wait3A = arith.constant 0 : i32
    %dma_wait3A_67 = arith.constant 0 : i32
    %dma_wait3A_68 = tpu.memref_slice %arg7[%dma_wait3A, %dma_wait3A_67] : memref<125x80xi32, #tpu.memory_space<vmem>> -> memref<1x80xi32, #tpu.memory_space<vmem>>
    %dma_wait3A_69 = tpu.memref_squeeze %dma_wait3A_68 : memref<1x80xi32, #tpu.memory_space<vmem>> -> memref<80xi32, #tpu.memory_space<vmem>>
    %dma_wait3A_70 = arith.constant 0 : i32
    %dma_wait3A_71 = arith.constant 0 : i32
    %dma_wait3A_72 = tpu.memref_slice %arg2[%dma_wait3A_70, %dma_wait3A_71] : memref<10000x128xf32, #tpu.memory_space<hbm>> -> memref<10000x128xf32, #tpu.memory_space<hbm>>
    tpu.wait_indirect_dma semaphore(%arg11 : memref<!tpu.dma_semaphore, #tpu.memory_space<semaphore_mem>>) src(%dma_wait3A_72 : memref<10000x128xf32, #tpu.memory_space<hbm>>) dst(%arg9 : memref<80x128xf32, #tpu.memory_space<vmem>>)
    %run_scoped3A = arith.constant 122 : i32
    "tpu.region"() ({
      %run_scoped3A_110 = tpu.sem_alloc : memref<!tpu.dma_semaphore, #tpu.memory_space<semaphore_mem>>
      %dma_start3A_111 = arith.constant 0 : i32
      %dma_start3A_112 = tpu.memref_slice %arg8[%run_scoped3A, %dma_start3A_111] : memref<125x80xi32, #tpu.memory_space<vmem>> -> memref<1x80xi32, #tpu.memory_space<vmem>>
      %dma_start3A_113 = tpu.memref_squeeze %dma_start3A_112 : memref<1x80xi32, #tpu.memory_space<vmem>> -> memref<80xi32, #tpu.memory_space<vmem>>
      %dma_start3A_114 = arith.constant 0 : i32
      %dma_start3A_115 = arith.constant 0 : i32
      %dma_start3A_116 = tpu.memref_slice %arg10[%dma_start3A_114, %dma_start3A_115] : memref<10240x128xf32, #tpu.memory_space<vmem_shared>> -> memref<10240x128xf32, #tpu.memory_space<vmem_shared>>
      tpu.enqueue_indirect_dma source(%arg9 : memref<80x128xf32, #tpu.memory_space<vmem>>) target(%dma_start3A_116 : memref<10240x128xf32, #tpu.memory_space<vmem_shared>>) offsets(%dma_start3A_113 : memref<80xi32, #tpu.memory_space<vmem>>) semaphore(%run_scoped3A_110 : memref<!tpu.dma_semaphore, #tpu.memory_space<semaphore_mem>>) {add = true}
      %dma_wait3A_117 = arith.constant 0 : i32
      %dma_wait3A_118 = tpu.memref_slice %arg8[%run_scoped3A, %dma_wait3A_117] : memref<125x80xi32, #tpu.memory_space<vmem>> -> memref<1x80xi32, #tpu.memory_space<vmem>>
      %dma_wait3A_119 = tpu.memref_squeeze %dma_wait3A_118 : memref<1x80xi32, #tpu.memory_space<vmem>> -> memref<80xi32, #tpu.memory_space<vmem>>
      %dma_wait3A_120 = arith.constant 0 : i32
      %dma_wait3A_121 = arith.constant 0 : i32
      %dma_wait3A_122 = tpu.memref_slice %arg10[%dma_wait3A_120, %dma_wait3A_121] : memref<10240x128xf32, #tpu.memory_space<vmem_shared>> -> memref<10240x128xf32, #tpu.memory_space<vmem_shared>>
      tpu.wait_indirect_dma semaphore(%run_scoped3A_110 : memref<!tpu.dma_semaphore, #tpu.memory_space<semaphore_mem>>) src(%arg9 : memref<80x128xf32, #tpu.memory_space<vmem>>) dst(%dma_wait3A_122 : memref<10240x128xf32, #tpu.memory_space<vmem_shared>>)
      tpu.yield
    }) : () -> ()
    %dma_start3A_73 = arith.constant 124 : i32
    %dma_start3A_74 = arith.constant 0 : i32
    %dma_start3A_75 = arith.constant 0 : i32
    %dma_start3A_76 = tpu.memref_slice %arg9[%dma_start3A_74, %dma_start3A_75] : memref<80x128xf32, #tpu.memory_space<vmem>> -> memref<40x128xf32, #tpu.memory_space<vmem>>
    %dma_start3A_77 = arith.constant 0 : i32
    %dma_start3A_78 = tpu.memref_slice %arg7[%dma_start3A_73, %dma_start3A_77] : memref<125x80xi32, #tpu.memory_space<vmem>> -> memref<1x40xi32, #tpu.memory_space<vmem>>
    %dma_start3A_79 = tpu.memref_squeeze %dma_start3A_78 : memref<1x40xi32, #tpu.memory_space<vmem>> -> memref<40xi32, #tpu.memory_space<vmem>>
    %dma_start3A_80 = arith.constant 0 : i32
    %dma_start3A_81 = arith.constant 0 : i32
    %dma_start3A_82 = tpu.memref_slice %arg2[%dma_start3A_80, %dma_start3A_81] : memref<10000x128xf32, #tpu.memory_space<hbm>> -> memref<10000x128xf32, #tpu.memory_space<hbm>>
    tpu.enqueue_indirect_dma source(%dma_start3A_82 : memref<10000x128xf32, #tpu.memory_space<hbm>>) target(%dma_start3A_76 : memref<40x128xf32, #tpu.memory_space<vmem>>) offsets(%dma_start3A_79 : memref<40xi32, #tpu.memory_space<vmem>>) semaphore(%arg11 : memref<!tpu.dma_semaphore, #tpu.memory_space<semaphore_mem>>)
    %dma_start3A_83 = arith.constant 124 : i32
    %dma_start3A_84 = arith.constant 40 : i32
    %dma_start3A_85 = arith.constant 0 : i32
    %dma_start3A_86 = tpu.memref_slice %arg9[%dma_start3A_84, %dma_start3A_85] : memref<80x128xf32, #tpu.memory_space<vmem>> -> memref<40x128xf32, #tpu.memory_space<vmem>>
    %dma_start3A_87 = arith.constant 40 : i32
    %dma_start3A_88 = tpu.memref_slice %arg7[%dma_start3A_83, %dma_start3A_87] : memref<125x80xi32, #tpu.memory_space<vmem>> -> memref<1x40xi32, #tpu.memory_space<vmem>>
    %dma_start3A_89 = tpu.memref_squeeze %dma_start3A_88 : memref<1x40xi32, #tpu.memory_space<vmem>> -> memref<40xi32, #tpu.memory_space<vmem>>
    %dma_start3A_90 = arith.constant 0 : i32
    %dma_start3A_91 = arith.constant 0 : i32
    %dma_start3A_92 = tpu.memref_slice %arg2[%dma_start3A_90, %dma_start3A_91] : memref<10000x128xf32, #tpu.memory_space<hbm>> -> memref<10000x128xf32, #tpu.memory_space<hbm>>
    tpu.enqueue_indirect_dma source(%dma_start3A_92 : memref<10000x128xf32, #tpu.memory_space<hbm>>) target(%dma_start3A_86 : memref<40x128xf32, #tpu.memory_space<vmem>>) offsets(%dma_start3A_89 : memref<40xi32, #tpu.memory_space<vmem>>) semaphore(%arg11 : memref<!tpu.dma_semaphore, #tpu.memory_space<semaphore_mem>>)
    %dma_wait3A_93 = arith.constant 0 : i32
    %dma_wait3A_94 = arith.constant 0 : i32
    %dma_wait3A_95 = tpu.memref_slice %arg7[%dma_wait3A_93, %dma_wait3A_94] : memref<125x80xi32, #tpu.memory_space<vmem>> -> memref<1x80xi32, #tpu.memory_space<vmem>>
    %dma_wait3A_96 = tpu.memref_squeeze %dma_wait3A_95 : memref<1x80xi32, #tpu.memory_space<vmem>> -> memref<80xi32, #tpu.memory_space<vmem>>
    %dma_wait3A_97 = arith.constant 0 : i32
    %dma_wait3A_98 = arith.constant 0 : i32
    %dma_wait3A_99 = tpu.memref_slice %arg2[%dma_wait3A_97, %dma_wait3A_98] : memref<10000x128xf32, #tpu.memory_space<hbm>> -> memref<10000x128xf32, #tpu.memory_space<hbm>>
    tpu.wait_indirect_dma semaphore(%arg13 : memref<!tpu.dma_semaphore, #tpu.memory_space<semaphore_mem>>) src(%dma_wait3A_99 : memref<10000x128xf32, #tpu.memory_space<hbm>>) dst(%arg12 : memref<80x128xf32, #tpu.memory_space<vmem>>)
    %run_scoped3A_100 = arith.constant 123 : i32
    "tpu.region"() ({
      %run_scoped3A_110 = tpu.sem_alloc : memref<!tpu.dma_semaphore, #tpu.memory_space<semaphore_mem>>
      %dma_start3A_111 = arith.constant 0 : i32
      %dma_start3A_112 = tpu.memref_slice %arg8[%run_scoped3A_100, %dma_start3A_111] : memref<125x80xi32, #tpu.memory_space<vmem>> -> memref<1x80xi32, #tpu.memory_space<vmem>>
      %dma_start3A_113 = tpu.memref_squeeze %dma_start3A_112 : memref<1x80xi32, #tpu.memory_space<vmem>> -> memref<80xi32, #tpu.memory_space<vmem>>
      %dma_start3A_114 = arith.constant 0 : i32
      %dma_start3A_115 = arith.constant 0 : i32
      %dma_start3A_116 = tpu.memref_slice %arg10[%dma_start3A_114, %dma_start3A_115] : memref<10240x128xf32, #tpu.memory_space<vmem_shared>> -> memref<10240x128xf32, #tpu.memory_space<vmem_shared>>
      tpu.enqueue_indirect_dma source(%arg12 : memref<80x128xf32, #tpu.memory_space<vmem>>) target(%dma_start3A_116 : memref<10240x128xf32, #tpu.memory_space<vmem_shared>>) offsets(%dma_start3A_113 : memref<80xi32, #tpu.memory_space<vmem>>) semaphore(%run_scoped3A_110 : memref<!tpu.dma_semaphore, #tpu.memory_space<semaphore_mem>>) {add = true}
      %dma_wait3A_117 = arith.constant 0 : i32
      %dma_wait3A_118 = tpu.memref_slice %arg8[%run_scoped3A_100, %dma_wait3A_117] : memref<125x80xi32, #tpu.memory_space<vmem>> -> memref<1x80xi32, #tpu.memory_space<vmem>>
      %dma_wait3A_119 = tpu.memref_squeeze %dma_wait3A_118 : memref<1x80xi32, #tpu.memory_space<vmem>> -> memref<80xi32, #tpu.memory_space<vmem>>
      %dma_wait3A_120 = arith.constant 0 : i32
      %dma_wait3A_121 = arith.constant 0 : i32
      %dma_wait3A_122 = tpu.memref_slice %arg10[%dma_wait3A_120, %dma_wait3A_121] : memref<10240x128xf32, #tpu.memory_space<vmem_shared>> -> memref<10240x128xf32, #tpu.memory_space<vmem_shared>>
      tpu.wait_indirect_dma semaphore(%run_scoped3A_110 : memref<!tpu.dma_semaphore, #tpu.memory_space<semaphore_mem>>) src(%arg12 : memref<80x128xf32, #tpu.memory_space<vmem>>) dst(%dma_wait3A_122 : memref<10240x128xf32, #tpu.memory_space<vmem_shared>>)
      tpu.yield
    }) : () -> ()
    %dma_wait3A_101 = arith.constant 0 : i32
    %dma_wait3A_102 = arith.constant 0 : i32
    %dma_wait3A_103 = tpu.memref_slice %arg7[%dma_wait3A_101, %dma_wait3A_102] : memref<125x80xi32, #tpu.memory_space<vmem>> -> memref<1x80xi32, #tpu.memory_space<vmem>>
    %dma_wait3A_104 = tpu.memref_squeeze %dma_wait3A_103 : memref<1x80xi32, #tpu.memory_space<vmem>> -> memref<80xi32, #tpu.memory_space<vmem>>
    %dma_wait3A_105 = arith.constant 0 : i32
    %dma_wait3A_106 = arith.constant 0 : i32
    %dma_wait3A_107 = tpu.memref_slice %arg2[%dma_wait3A_105, %dma_wait3A_106] : memref<10000x128xf32, #tpu.memory_space<hbm>> -> memref<10000x128xf32, #tpu.memory_space<hbm>>
    tpu.wait_indirect_dma semaphore(%arg11 : memref<!tpu.dma_semaphore, #tpu.memory_space<semaphore_mem>>) src(%dma_wait3A_107 : memref<10000x128xf32, #tpu.memory_space<hbm>>) dst(%arg9 : memref<80x128xf32, #tpu.memory_space<vmem>>)
    %run_scoped3A_108 = arith.constant 124 : i32
    "tpu.region"() ({
      %run_scoped3A_110 = tpu.sem_alloc : memref<!tpu.dma_semaphore, #tpu.memory_space<semaphore_mem>>
      %dma_start3A_111 = arith.constant 0 : i32
      %dma_start3A_112 = tpu.memref_slice %arg8[%run_scoped3A_108, %dma_start3A_111] : memref<125x80xi32, #tpu.memory_space<vmem>> -> memref<1x80xi32, #tpu.memory_space<vmem>>
      %dma_start3A_113 = tpu.memref_squeeze %dma_start3A_112 : memref<1x80xi32, #tpu.memory_space<vmem>> -> memref<80xi32, #tpu.memory_space<vmem>>
      %dma_start3A_114 = arith.constant 0 : i32
      %dma_start3A_115 = arith.constant 0 : i32
      %dma_start3A_116 = tpu.memref_slice %arg10[%dma_start3A_114, %dma_start3A_115] : memref<10240x128xf32, #tpu.memory_space<vmem_shared>> -> memref<10240x128xf32, #tpu.memory_space<vmem_shared>>
      tpu.enqueue_indirect_dma source(%arg9 : memref<80x128xf32, #tpu.memory_space<vmem>>) target(%dma_start3A_116 : memref<10240x128xf32, #tpu.memory_space<vmem_shared>>) offsets(%dma_start3A_113 : memref<80xi32, #tpu.memory_space<vmem>>) semaphore(%run_scoped3A_110 : memref<!tpu.dma_semaphore, #tpu.memory_space<semaphore_mem>>) {add = true}
      %dma_wait3A_117 = arith.constant 0 : i32
      %dma_wait3A_118 = tpu.memref_slice %arg8[%run_scoped3A_108, %dma_wait3A_117] : memref<125x80xi32, #tpu.memory_space<vmem>> -> memref<1x80xi32, #tpu.memory_space<vmem>>
      %dma_wait3A_119 = tpu.memref_squeeze %dma_wait3A_118 : memref<1x80xi32, #tpu.memory_space<vmem>> -> memref<80xi32, #tpu.memory_space<vmem>>
      %dma_wait3A_120 = arith.constant 0 : i32
      %dma_wait3A_121 = arith.constant 0 : i32
      %dma_wait3A_122 = tpu.memref_slice %arg10[%dma_wait3A_120, %dma_wait3A_121] : memref<10240x128xf32, #tpu.memory_space<vmem_shared>> -> memref<10240x128xf32, #tpu.memory_space<vmem_shared>>
      tpu.wait_indirect_dma semaphore(%run_scoped3A_110 : memref<!tpu.dma_semaphore, #tpu.memory_space<semaphore_mem>>) src(%arg9 : memref<80x128xf32, #tpu.memory_space<vmem>>) dst(%dma_wait3A_122 : memref<10240x128xf32, #tpu.memory_space<vmem_shared>>)
      tpu.yield
    }) : () -> ()
    %barrier3A_109 = arith.constant 0 : index
    tpu.barrier barrier_id(%barrier3A_109)
    "tpu.region"() ({
      %run_scoped3A_110 = tpu.sem_alloc : memref<!tpu.dma_semaphore, #tpu.memory_space<semaphore_mem>>
      %dma_start3A_111 = arith.constant 0 : i32
      %dma_start3A_112 = tpu.memref_slice %arg6[%arg0, %mul3A_41, %dma_start3A_111] : memref<2x10240x128xf32, #tpu.memory_space<hbm>> -> memref<1x640x128xf32, #tpu.memory_space<hbm>>
      %dma_start3A_113 = tpu.memref_squeeze %dma_start3A_112 : memref<1x640x128xf32, #tpu.memory_space<hbm>> -> memref<640x128xf32, #tpu.memory_space<hbm>>
      %dma_start3A_114 = arith.constant 0 : i32
      %dma_start3A_115 = tpu.memref_slice %arg10[%mul3A_41, %dma_start3A_114] : memref<10240x128xf32, #tpu.memory_space<vmem_shared>> -> memref<640x128xf32, #tpu.memory_space<vmem_shared>>
      tpu.enqueue_dma source(%dma_start3A_115 : memref<640x128xf32, #tpu.memory_space<vmem_shared>>) target(%dma_start3A_113 : memref<640x128xf32, #tpu.memory_space<hbm>>) target_semaphore(%run_scoped3A_110 : memref<!tpu.dma_semaphore, #tpu.memory_space<semaphore_mem>>)
      %dma_wait3A_116 = arith.constant 0 : i32
      %dma_wait3A_117 = tpu.memref_slice %arg6[%arg0, %mul3A_41, %dma_wait3A_116] : memref<2x10240x128xf32, #tpu.memory_space<hbm>> -> memref<1x640x128xf32, #tpu.memory_space<hbm>>
      %dma_wait3A_118 = tpu.memref_squeeze %dma_wait3A_117 : memref<1x640x128xf32, #tpu.memory_space<hbm>> -> memref<640x128xf32, #tpu.memory_space<hbm>>
      %dma_wait3A_119 = arith.constant 0 : i32
      %dma_wait3A_120 = tpu.memref_slice %arg10[%mul3A_41, %dma_wait3A_119] : memref<10240x128xf32, #tpu.memory_space<vmem_shared>> -> memref<640x128xf32, #tpu.memory_space<vmem_shared>>
      tpu.wait_dma2 semaphore(%run_scoped3A_110 : memref<!tpu.dma_semaphore, #tpu.memory_space<semaphore_mem>>) src(%dma_wait3A_120 : memref<640x128xf32, #tpu.memory_space<vmem_shared>>) dst(%dma_wait3A_118 : memref<640x128xf32, #tpu.memory_space<hbm>>)
      tpu.yield
    }) : () -> ()
    return
  }
}

#map = affine_map<(d0, d1) -> (0, 0)>
#map1 = affine_map<(d0, d1) -> (0, 0, 0)>
module attributes {stable_mosaic.version = 14 : i64} {
  func.func @_sc_agg_body(%arg0: i32, %arg1: i32, %arg2: memref<10000x128xf32, #tpu.memory_space<hbm>>, %arg3: memref<32x125x80xi32, #tpu.memory_space<hbm>>, %arg4: memref<32x125x80xi32, #tpu.memory_space<hbm>>, %arg5: memref<64x128xf32, #tpu.memory_space<hbm>>, %arg6: memref<2x10240x128xf32, #tpu.memory_space<hbm>>, %arg7: memref<125x80xi32, #tpu.memory_space<vmem>>, %arg8: memref<125x80xi32, #tpu.memory_space<vmem>>, %arg9: memref<80x128xf32, #tpu.memory_space<vmem>>, %arg10: memref<10240x128xf32, #tpu.memory_space<vmem_shared>>, %arg11: memref<!tpu.dma_semaphore, #tpu.memory_space<semaphore_mem>>, %arg12: memref<80x128xf32, #tpu.memory_space<vmem>>, %arg13: memref<!tpu.dma_semaphore, #tpu.memory_space<semaphore_mem>>, %arg14: memref<64x128xf32, #tpu.memory_space<vmem>>) attributes {dimension_semantics = [#tpu.dimension_semantics<core_parallel>, #tpu.dimension_semantics<subcore_parallel>], iteration_bounds = array<i64: 2, 16>, scalar_prefetch = 0 : i64, scratch_operands = 8 : i64, tpu.core_type = #tpu.core_type<sc_vector_subcore>, window_params = [{transform_indices = #map}, {transform_indices = #map1}, {transform_indices = #map1}, {transform_indices = #map}, {transform_indices = #map1}]} {
    %mul3A = arith.constant 16 : i32
    %mul3A_0 = arith.muli %arg0, %mul3A : i32
    %add3A = arith.addi %mul3A_0, %arg1 : i32
    "tpu.region"() ({
      %run_scoped3A_110 = tpu.sem_alloc : memref<!tpu.dma_semaphore, #tpu.memory_space<semaphore_mem>>
      %dma_start3A_111 = arith.constant 0 : i32
      %dma_start3A_112 = arith.constant 0 : i32
      %dma_start3A_113 = tpu.memref_slice %arg3[%add3A, %dma_start3A_111, %dma_start3A_112] : memref<32x125x80xi32, #tpu.memory_space<hbm>> -> memref<1x125x80xi32, #tpu.memory_space<hbm>>
      %dma_start3A_114 = tpu.memref_squeeze %dma_start3A_113 : memref<1x125x80xi32, #tpu.memory_space<hbm>> -> memref<125x80xi32, #tpu.memory_space<hbm>>
      %dma_start3A_115 = arith.constant 0 : i32
      %dma_start3A_116 = arith.constant 0 : i32
      %dma_start3A_117 = tpu.memref_slice %arg3[%add3A, %dma_start3A_115, %dma_start3A_116] : memref<32x125x80xi32, #tpu.memory_space<hbm>> -> memref<1x125x80xi32, #tpu.memory_space<hbm>>
      %dma_start3A_118 = tpu.memref_squeeze %dma_start3A_117 : memref<1x125x80xi32, #tpu.memory_space<hbm>> -> memref<125x80xi32, #tpu.memory_space<hbm>>
      tpu.enqueue_dma source(%dma_start3A_118 : memref<125x80xi32, #tpu.memory_space<hbm>>) target(%arg7 : memref<125x80xi32, #tpu.memory_space<vmem>>) target_semaphore(%run_scoped3A_110 : memref<!tpu.dma_semaphore, #tpu.memory_space<semaphore_mem>>)
      %dma_wait3A_119 = arith.constant 0 : i32
      %dma_wait3A_120 = arith.constant 0 : i32
      %dma_wait3A_121 = tpu.memref_slice %arg3[%add3A, %dma_wait3A_119, %dma_wait3A_120] : memref<32x125x80xi32, #tpu.memory_space<hbm>> -> memref<1x125x80xi32, #tpu.memory_space<hbm>>
      %dma_wait3A_122 = tpu.memref_squeeze %dma_wait3A_121 : memref<1x125x80xi32, #tpu.memory_space<hbm>> -> memref<125x80xi32, #tpu.memory_space<hbm>>
      %dma_wait3A_123 = arith.constant 0 : i32
      %dma_wait3A_124 = arith.constant 0 : i32
      %dma_wait3A_125 = tpu.memref_slice %arg3[%add3A, %dma_wait3A_123, %dma_wait3A_124] : memref<32x125x80xi32, #tpu.memory_space<hbm>> -> memref<1x125x80xi32, #tpu.memory_space<hbm>>
      %dma_wait3A_126 = tpu.memref_squeeze %dma_wait3A_125 : memref<1x125x80xi32, #tpu.memory_space<hbm>> -> memref<125x80xi32, #tpu.memory_space<hbm>>
      tpu.wait_dma2 semaphore(%run_scoped3A_110 : memref<!tpu.dma_semaphore, #tpu.memory_space<semaphore_mem>>) src(%dma_wait3A_126 : memref<125x80xi32, #tpu.memory_space<hbm>>) dst(%arg7 : memref<125x80xi32, #tpu.memory_space<vmem>>)
      tpu.yield
    }) : () -> ()
    "tpu.region"() ({
      %run_scoped3A_110 = tpu.sem_alloc : memref<!tpu.dma_semaphore, #tpu.memory_space<semaphore_mem>>
      %dma_start3A_111 = arith.constant 0 : i32
      %dma_start3A_112 = arith.constant 0 : i32
      %dma_start3A_113 = tpu.memref_slice %arg4[%add3A, %dma_start3A_111, %dma_start3A_112] : memref<32x125x80xi32, #tpu.memory_space<hbm>> -> memref<1x125x80xi32, #tpu.memory_space<hbm>>
      %dma_start3A_114 = tpu.memref_squeeze %dma_start3A_113 : memref<1x125x80xi32, #tpu.memory_space<hbm>> -> memref<125x80xi32, #tpu.memory_space<hbm>>
      %dma_start3A_115 = arith.constant 0 : i32
      %dma_start3A_116 = arith.constant 0 : i32
      %dma_start3A_117 = tpu.memref_slice %arg4[%add3A, %dma_start3A_115, %dma_start3A_116] : memref<32x125x80xi32, #tpu.memory_space<hbm>> -> memref<1x125x80xi32, #tpu.memory_space<hbm>>
      %dma_start3A_118 = tpu.memref_squeeze %dma_start3A_117 : memref<1x125x80xi32, #tpu.memory_space<hbm>> -> memref<125x80xi32, #tpu.memory_space<hbm>>
      tpu.enqueue_dma source(%dma_start3A_118 : memref<125x80xi32, #tpu.memory_space<hbm>>) target(%arg8 : memref<125x80xi32, #tpu.memory_space<vmem>>) target_semaphore(%run_scoped3A_110 : memref<!tpu.dma_semaphore, #tpu.memory_space<semaphore_mem>>)
      %dma_wait3A_119 = arith.constant 0 : i32
      %dma_wait3A_120 = arith.constant 0 : i32
      %dma_wait3A_121 = tpu.memref_slice %arg4[%add3A, %dma_wait3A_119, %dma_wait3A_120] : memref<32x125x80xi32, #tpu.memory_space<hbm>> -> memref<1x125x80xi32, #tpu.memory_space<hbm>>
      %dma_wait3A_122 = tpu.memref_squeeze %dma_wait3A_121 : memref<1x125x80xi32, #tpu.memory_space<hbm>> -> memref<125x80xi32, #tpu.memory_space<hbm>>
      %dma_wait3A_123 = arith.constant 0 : i32
      %dma_wait3A_124 = arith.constant 0 : i32
      %dma_wait3A_125 = tpu.memref_slice %arg4[%add3A, %dma_wait3A_123, %dma_wait3A_124] : memref<32x125x80xi32, #tpu.memory_space<hbm>> -> memref<1x125x80xi32, #tpu.memory_space<hbm>>
      %dma_wait3A_126 = tpu.memref_squeeze %dma_wait3A_125 : memref<1x125x80xi32, #tpu.memory_space<hbm>> -> memref<125x80xi32, #tpu.memory_space<hbm>>
      tpu.wait_dma2 semaphore(%run_scoped3A_110 : memref<!tpu.dma_semaphore, #tpu.memory_space<semaphore_mem>>) src(%dma_wait3A_126 : memref<125x80xi32, #tpu.memory_space<hbm>>) dst(%arg8 : memref<125x80xi32, #tpu.memory_space<vmem>>)
      tpu.yield
    }) : () -> ()
    %dma_start3A = arith.constant 0 : i32
    %dma_start3A_1 = arith.constant 0 : i32
    %dma_start3A_2 = arith.constant 0 : i32
    %dma_start3A_3 = tpu.memref_slice %arg9[%dma_start3A_1, %dma_start3A_2] : memref<80x128xf32, #tpu.memory_space<vmem>> -> memref<40x128xf32, #tpu.memory_space<vmem>>
    %dma_start3A_4 = arith.constant 0 : i32
    %dma_start3A_5 = tpu.memref_slice %arg7[%dma_start3A, %dma_start3A_4] : memref<125x80xi32, #tpu.memory_space<vmem>> -> memref<1x40xi32, #tpu.memory_space<vmem>>
    %dma_start3A_6 = tpu.memref_squeeze %dma_start3A_5 : memref<1x40xi32, #tpu.memory_space<vmem>> -> memref<40xi32, #tpu.memory_space<vmem>>
    %dma_start3A_7 = arith.constant 0 : i32
    %dma_start3A_8 = arith.constant 0 : i32
    %dma_start3A_9 = tpu.memref_slice %arg2[%dma_start3A_7, %dma_start3A_8] : memref<10000x128xf32, #tpu.memory_space<hbm>> -> memref<10000x128xf32, #tpu.memory_space<hbm>>
    tpu.enqueue_indirect_dma source(%dma_start3A_9 : memref<10000x128xf32, #tpu.memory_space<hbm>>) target(%dma_start3A_3 : memref<40x128xf32, #tpu.memory_space<vmem>>) offsets(%dma_start3A_6 : memref<40xi32, #tpu.memory_space<vmem>>) semaphore(%arg11 : memref<!tpu.dma_semaphore, #tpu.memory_space<semaphore_mem>>)
    %dma_start3A_10 = arith.constant 0 : i32
    %dma_start3A_11 = arith.constant 40 : i32
    %dma_start3A_12 = arith.constant 0 : i32
    %dma_start3A_13 = tpu.memref_slice %arg9[%dma_start3A_11, %dma_start3A_12] : memref<80x128xf32, #tpu.memory_space<vmem>> -> memref<40x128xf32, #tpu.memory_space<vmem>>
    %dma_start3A_14 = arith.constant 40 : i32
    %dma_start3A_15 = tpu.memref_slice %arg7[%dma_start3A_10, %dma_start3A_14] : memref<125x80xi32, #tpu.memory_space<vmem>> -> memref<1x40xi32, #tpu.memory_space<vmem>>
    %dma_start3A_16 = tpu.memref_squeeze %dma_start3A_15 : memref<1x40xi32, #tpu.memory_space<vmem>> -> memref<40xi32, #tpu.memory_space<vmem>>
    %dma_start3A_17 = arith.constant 0 : i32
    %dma_start3A_18 = arith.constant 0 : i32
    %dma_start3A_19 = tpu.memref_slice %arg2[%dma_start3A_17, %dma_start3A_18] : memref<10000x128xf32, #tpu.memory_space<hbm>> -> memref<10000x128xf32, #tpu.memory_space<hbm>>
    tpu.enqueue_indirect_dma source(%dma_start3A_19 : memref<10000x128xf32, #tpu.memory_space<hbm>>) target(%dma_start3A_13 : memref<40x128xf32, #tpu.memory_space<vmem>>) offsets(%dma_start3A_16 : memref<40xi32, #tpu.memory_space<vmem>>) semaphore(%arg11 : memref<!tpu.dma_semaphore, #tpu.memory_space<semaphore_mem>>)
    %dma_start3A_20 = arith.constant 1 : i32
    %dma_start3A_21 = arith.constant 0 : i32
    %dma_start3A_22 = arith.constant 0 : i32
    %dma_start3A_23 = tpu.memref_slice %arg12[%dma_start3A_21, %dma_start3A_22] : memref<80x128xf32, #tpu.memory_space<vmem>> -> memref<40x128xf32, #tpu.memory_space<vmem>>
    %dma_start3A_24 = arith.constant 0 : i32
    %dma_start3A_25 = tpu.memref_slice %arg7[%dma_start3A_20, %dma_start3A_24] : memref<125x80xi32, #tpu.memory_space<vmem>> -> memref<1x40xi32, #tpu.memory_space<vmem>>
    %dma_start3A_26 = tpu.memref_squeeze %dma_start3A_25 : memref<1x40xi32, #tpu.memory_space<vmem>> -> memref<40xi32, #tpu.memory_space<vmem>>
    %dma_start3A_27 = arith.constant 0 : i32
    %dma_start3A_28 = arith.constant 0 : i32
    %dma_start3A_29 = tpu.memref_slice %arg2[%dma_start3A_27, %dma_start3A_28] : memref<10000x128xf32, #tpu.memory_space<hbm>> -> memref<10000x128xf32, #tpu.memory_space<hbm>>
    tpu.enqueue_indirect_dma source(%dma_start3A_29 : memref<10000x128xf32, #tpu.memory_space<hbm>>) target(%dma_start3A_23 : memref<40x128xf32, #tpu.memory_space<vmem>>) offsets(%dma_start3A_26 : memref<40xi32, #tpu.memory_space<vmem>>) semaphore(%arg13 : memref<!tpu.dma_semaphore, #tpu.memory_space<semaphore_mem>>)
    %dma_start3A_30 = arith.constant 1 : i32
    %dma_start3A_31 = arith.constant 40 : i32
    %dma_start3A_32 = arith.constant 0 : i32
    %dma_start3A_33 = tpu.memref_slice %arg12[%dma_start3A_31, %dma_start3A_32] : memref<80x128xf32, #tpu.memory_space<vmem>> -> memref<40x128xf32, #tpu.memory_space<vmem>>
    %dma_start3A_34 = arith.constant 40 : i32
    %dma_start3A_35 = tpu.memref_slice %arg7[%dma_start3A_30, %dma_start3A_34] : memref<125x80xi32, #tpu.memory_space<vmem>> -> memref<1x40xi32, #tpu.memory_space<vmem>>
    %dma_start3A_36 = tpu.memref_squeeze %dma_start3A_35 : memref<1x40xi32, #tpu.memory_space<vmem>> -> memref<40xi32, #tpu.memory_space<vmem>>
    %dma_start3A_37 = arith.constant 0 : i32
    %dma_start3A_38 = arith.constant 0 : i32
    %dma_start3A_39 = tpu.memref_slice %arg2[%dma_start3A_37, %dma_start3A_38] : memref<10000x128xf32, #tpu.memory_space<hbm>> -> memref<10000x128xf32, #tpu.memory_space<hbm>>
    tpu.enqueue_indirect_dma source(%dma_start3A_39 : memref<10000x128xf32, #tpu.memory_space<hbm>>) target(%dma_start3A_33 : memref<40x128xf32, #tpu.memory_space<vmem>>) offsets(%dma_start3A_36 : memref<40xi32, #tpu.memory_space<vmem>>) semaphore(%arg13 : memref<!tpu.dma_semaphore, #tpu.memory_space<semaphore_mem>>)
    "tpu.region"() ({
      %run_scoped3A_110 = tpu.sem_alloc : memref<!tpu.dma_semaphore, #tpu.memory_space<semaphore_mem>>
      tpu.enqueue_dma source(%arg5 : memref<64x128xf32, #tpu.memory_space<hbm>>) target(%arg14 : memref<64x128xf32, #tpu.memory_space<vmem>>) target_semaphore(%run_scoped3A_110 : memref<!tpu.dma_semaphore, #tpu.memory_space<semaphore_mem>>)
      tpu.wait_dma2 semaphore(%run_scoped3A_110 : memref<!tpu.dma_semaphore, #tpu.memory_space<semaphore_mem>>) src(%arg5 : memref<64x128xf32, #tpu.memory_space<hbm>>) dst(%arg14 : memref<64x128xf32, #tpu.memory_space<vmem>>)
      tpu.yield
    }) : () -> ()
    %mul3A_40 = arith.constant 640 : i32
    %mul3A_41 = arith.muli %arg1, %mul3A_40 : i32
    %add3A_42 = arith.constant 0 : i32
    %add3A_43 = arith.addi %mul3A_41, %add3A_42 : i32
    "tpu.region"() ({
      %run_scoped3A_110 = tpu.sem_alloc : memref<!tpu.dma_semaphore, #tpu.memory_space<semaphore_mem>>
      %dma_start3A_111 = arith.constant 0 : i32
      %dma_start3A_112 = tpu.memref_slice %arg10[%add3A_43, %dma_start3A_111] : memref<10240x128xf32, #tpu.memory_space<vmem_shared>> -> memref<64x128xf32, #tpu.memory_space<vmem_shared>>
      %dma_start3A_113 = arith.constant 0 : i32
      %dma_start3A_114 = tpu.memref_slice %arg10[%add3A_43, %dma_start3A_113] : memref<10240x128xf32, #tpu.memory_space<vmem_shared>> -> memref<64x128xf32, #tpu.memory_space<vmem_shared>>
      tpu.enqueue_dma source(%arg14 : memref<64x128xf32, #tpu.memory_space<vmem>>) target(%dma_start3A_114 : memref<64x128xf32, #tpu.memory_space<vmem_shared>>) target_semaphore(%run_scoped3A_110 : memref<!tpu.dma_semaphore, #tpu.memory_space<semaphore_mem>>)
      %dma_wait3A_115 = arith.constant 0 : i32
      %dma_wait3A_116 = tpu.memref_slice %arg10[%add3A_43, %dma_wait3A_115] : memref<10240x128xf32, #tpu.memory_space<vmem_shared>> -> memref<64x128xf32, #tpu.memory_space<vmem_shared>>
      %dma_wait3A_117 = arith.constant 0 : i32
      %dma_wait3A_118 = tpu.memref_slice %arg10[%add3A_43, %dma_wait3A_117] : memref<10240x128xf32, #tpu.memory_space<vmem_shared>> -> memref<64x128xf32, #tpu.memory_space<vmem_shared>>
      tpu.wait_dma2 semaphore(%run_scoped3A_110 : memref<!tpu.dma_semaphore, #tpu.memory_space<semaphore_mem>>) src(%arg14 : memref<64x128xf32, #tpu.memory_space<vmem>>) dst(%dma_wait3A_118 : memref<64x128xf32, #tpu.memory_space<vmem_shared>>)
      tpu.yield
    }) : () -> ()
    %add3A_44 = arith.constant 64 : i32
    %add3A_45 = arith.addi %mul3A_41, %add3A_44 : i32
    "tpu.region"() ({
      %run_scoped3A_110 = tpu.sem_alloc : memref<!tpu.dma_semaphore, #tpu.memory_space<semaphore_mem>>
      %dma_start3A_111 = arith.constant 0 : i32
      %dma_start3A_112 = tpu.memref_slice %arg10[%add3A_45, %dma_start3A_111] : memref<10240x128xf32, #tpu.memory_space<vmem_shared>> -> memref<64x128xf32, #tpu.memory_space<vmem_shared>>
      %dma_start3A_113 = arith.constant 0 : i32
      %dma_start3A_114 = tpu.memref_slice %arg10[%add3A_45, %dma_start3A_113] : memref<10240x128xf32, #tpu.memory_space<vmem_shared>> -> memref<64x128xf32, #tpu.memory_space<vmem_shared>>
      tpu.enqueue_dma source(%arg14 : memref<64x128xf32, #tpu.memory_space<vmem>>) target(%dma_start3A_114 : memref<64x128xf32, #tpu.memory_space<vmem_shared>>) target_semaphore(%run_scoped3A_110 : memref<!tpu.dma_semaphore, #tpu.memory_space<semaphore_mem>>)
      %dma_wait3A_115 = arith.constant 0 : i32
      %dma_wait3A_116 = tpu.memref_slice %arg10[%add3A_45, %dma_wait3A_115] : memref<10240x128xf32, #tpu.memory_space<vmem_shared>> -> memref<64x128xf32, #tpu.memory_space<vmem_shared>>
      %dma_wait3A_117 = arith.constant 0 : i32
      %dma_wait3A_118 = tpu.memref_slice %arg10[%add3A_45, %dma_wait3A_117] : memref<10240x128xf32, #tpu.memory_space<vmem_shared>> -> memref<64x128xf32, #tpu.memory_space<vmem_shared>>
      tpu.wait_dma2 semaphore(%run_scoped3A_110 : memref<!tpu.dma_semaphore, #tpu.memory_space<semaphore_mem>>) src(%arg14 : memref<64x128xf32, #tpu.memory_space<vmem>>) dst(%dma_wait3A_118 : memref<64x128xf32, #tpu.memory_space<vmem_shared>>)
      tpu.yield
    }) : () -> ()
    %add3A_46 = arith.constant 128 : i32
    %add3A_47 = arith.addi %mul3A_41, %add3A_46 : i32
    "tpu.region"() ({
      %run_scoped3A_110 = tpu.sem_alloc : memref<!tpu.dma_semaphore, #tpu.memory_space<semaphore_mem>>
      %dma_start3A_111 = arith.constant 0 : i32
      %dma_start3A_112 = tpu.memref_slice %arg10[%add3A_47, %dma_start3A_111] : memref<10240x128xf32, #tpu.memory_space<vmem_shared>> -> memref<64x128xf32, #tpu.memory_space<vmem_shared>>
      %dma_start3A_113 = arith.constant 0 : i32
      %dma_start3A_114 = tpu.memref_slice %arg10[%add3A_47, %dma_start3A_113] : memref<10240x128xf32, #tpu.memory_space<vmem_shared>> -> memref<64x128xf32, #tpu.memory_space<vmem_shared>>
      tpu.enqueue_dma source(%arg14 : memref<64x128xf32, #tpu.memory_space<vmem>>) target(%dma_start3A_114 : memref<64x128xf32, #tpu.memory_space<vmem_shared>>) target_semaphore(%run_scoped3A_110 : memref<!tpu.dma_semaphore, #tpu.memory_space<semaphore_mem>>)
      %dma_wait3A_115 = arith.constant 0 : i32
      %dma_wait3A_116 = tpu.memref_slice %arg10[%add3A_47, %dma_wait3A_115] : memref<10240x128xf32, #tpu.memory_space<vmem_shared>> -> memref<64x128xf32, #tpu.memory_space<vmem_shared>>
      %dma_wait3A_117 = arith.constant 0 : i32
      %dma_wait3A_118 = tpu.memref_slice %arg10[%add3A_47, %dma_wait3A_117] : memref<10240x128xf32, #tpu.memory_space<vmem_shared>> -> memref<64x128xf32, #tpu.memory_space<vmem_shared>>
      tpu.wait_dma2 semaphore(%run_scoped3A_110 : memref<!tpu.dma_semaphore, #tpu.memory_space<semaphore_mem>>) src(%arg14 : memref<64x128xf32, #tpu.memory_space<vmem>>) dst(%dma_wait3A_118 : memref<64x128xf32, #tpu.memory_space<vmem_shared>>)
      tpu.yield
    }) : () -> ()
    %add3A_48 = arith.constant 192 : i32
    %add3A_49 = arith.addi %mul3A_41, %add3A_48 : i32
    "tpu.region"() ({
      %run_scoped3A_110 = tpu.sem_alloc : memref<!tpu.dma_semaphore, #tpu.memory_space<semaphore_mem>>
      %dma_start3A_111 = arith.constant 0 : i32
      %dma_start3A_112 = tpu.memref_slice %arg10[%add3A_49, %dma_start3A_111] : memref<10240x128xf32, #tpu.memory_space<vmem_shared>> -> memref<64x128xf32, #tpu.memory_space<vmem_shared>>
      %dma_start3A_113 = arith.constant 0 : i32
      %dma_start3A_114 = tpu.memref_slice %arg10[%add3A_49, %dma_start3A_113] : memref<10240x128xf32, #tpu.memory_space<vmem_shared>> -> memref<64x128xf32, #tpu.memory_space<vmem_shared>>
      tpu.enqueue_dma source(%arg14 : memref<64x128xf32, #tpu.memory_space<vmem>>) target(%dma_start3A_114 : memref<64x128xf32, #tpu.memory_space<vmem_shared>>) target_semaphore(%run_scoped3A_110 : memref<!tpu.dma_semaphore, #tpu.memory_space<semaphore_mem>>)
      %dma_wait3A_115 = arith.constant 0 : i32
      %dma_wait3A_116 = tpu.memref_slice %arg10[%add3A_49, %dma_wait3A_115] : memref<10240x128xf32, #tpu.memory_space<vmem_shared>> -> memref<64x128xf32, #tpu.memory_space<vmem_shared>>
      %dma_wait3A_117 = arith.constant 0 : i32
      %dma_wait3A_118 = tpu.memref_slice %arg10[%add3A_49, %dma_wait3A_117] : memref<10240x128xf32, #tpu.memory_space<vmem_shared>> -> memref<64x128xf32, #tpu.memory_space<vmem_shared>>
      tpu.wait_dma2 semaphore(%run_scoped3A_110 : memref<!tpu.dma_semaphore, #tpu.memory_space<semaphore_mem>>) src(%arg14 : memref<64x128xf32, #tpu.memory_space<vmem>>) dst(%dma_wait3A_118 : memref<64x128xf32, #tpu.memory_space<vmem_shared>>)
      tpu.yield
    }) : () -> ()
    %add3A_50 = arith.constant 256 : i32
    %add3A_51 = arith.addi %mul3A_41, %add3A_50 : i32
    "tpu.region"() ({
      %run_scoped3A_110 = tpu.sem_alloc : memref<!tpu.dma_semaphore, #tpu.memory_space<semaphore_mem>>
      %dma_start3A_111 = arith.constant 0 : i32
      %dma_start3A_112 = tpu.memref_slice %arg10[%add3A_51, %dma_start3A_111] : memref<10240x128xf32, #tpu.memory_space<vmem_shared>> -> memref<64x128xf32, #tpu.memory_space<vmem_shared>>
      %dma_start3A_113 = arith.constant 0 : i32
      %dma_start3A_114 = tpu.memref_slice %arg10[%add3A_51, %dma_start3A_113] : memref<10240x128xf32, #tpu.memory_space<vmem_shared>> -> memref<64x128xf32, #tpu.memory_space<vmem_shared>>
      tpu.enqueue_dma source(%arg14 : memref<64x128xf32, #tpu.memory_space<vmem>>) target(%dma_start3A_114 : memref<64x128xf32, #tpu.memory_space<vmem_shared>>) target_semaphore(%run_scoped3A_110 : memref<!tpu.dma_semaphore, #tpu.memory_space<semaphore_mem>>)
      %dma_wait3A_115 = arith.constant 0 : i32
      %dma_wait3A_116 = tpu.memref_slice %arg10[%add3A_51, %dma_wait3A_115] : memref<10240x128xf32, #tpu.memory_space<vmem_shared>> -> memref<64x128xf32, #tpu.memory_space<vmem_shared>>
      %dma_wait3A_117 = arith.constant 0 : i32
      %dma_wait3A_118 = tpu.memref_slice %arg10[%add3A_51, %dma_wait3A_117] : memref<10240x128xf32, #tpu.memory_space<vmem_shared>> -> memref<64x128xf32, #tpu.memory_space<vmem_shared>>
      tpu.wait_dma2 semaphore(%run_scoped3A_110 : memref<!tpu.dma_semaphore, #tpu.memory_space<semaphore_mem>>) src(%arg14 : memref<64x128xf32, #tpu.memory_space<vmem>>) dst(%dma_wait3A_118 : memref<64x128xf32, #tpu.memory_space<vmem_shared>>)
      tpu.yield
    }) : () -> ()
    %add3A_52 = arith.constant 320 : i32
    %add3A_53 = arith.addi %mul3A_41, %add3A_52 : i32
    "tpu.region"() ({
      %run_scoped3A_110 = tpu.sem_alloc : memref<!tpu.dma_semaphore, #tpu.memory_space<semaphore_mem>>
      %dma_start3A_111 = arith.constant 0 : i32
      %dma_start3A_112 = tpu.memref_slice %arg10[%add3A_53, %dma_start3A_111] : memref<10240x128xf32, #tpu.memory_space<vmem_shared>> -> memref<64x128xf32, #tpu.memory_space<vmem_shared>>
      %dma_start3A_113 = arith.constant 0 : i32
      %dma_start3A_114 = tpu.memref_slice %arg10[%add3A_53, %dma_start3A_113] : memref<10240x128xf32, #tpu.memory_space<vmem_shared>> -> memref<64x128xf32, #tpu.memory_space<vmem_shared>>
      tpu.enqueue_dma source(%arg14 : memref<64x128xf32, #tpu.memory_space<vmem>>) target(%dma_start3A_114 : memref<64x128xf32, #tpu.memory_space<vmem_shared>>) target_semaphore(%run_scoped3A_110 : memref<!tpu.dma_semaphore, #tpu.memory_space<semaphore_mem>>)
      %dma_wait3A_115 = arith.constant 0 : i32
      %dma_wait3A_116 = tpu.memref_slice %arg10[%add3A_53, %dma_wait3A_115] : memref<10240x128xf32, #tpu.memory_space<vmem_shared>> -> memref<64x128xf32, #tpu.memory_space<vmem_shared>>
      %dma_wait3A_117 = arith.constant 0 : i32
      %dma_wait3A_118 = tpu.memref_slice %arg10[%add3A_53, %dma_wait3A_117] : memref<10240x128xf32, #tpu.memory_space<vmem_shared>> -> memref<64x128xf32, #tpu.memory_space<vmem_shared>>
      tpu.wait_dma2 semaphore(%run_scoped3A_110 : memref<!tpu.dma_semaphore, #tpu.memory_space<semaphore_mem>>) src(%arg14 : memref<64x128xf32, #tpu.memory_space<vmem>>) dst(%dma_wait3A_118 : memref<64x128xf32, #tpu.memory_space<vmem_shared>>)
      tpu.yield
    }) : () -> ()
    %add3A_54 = arith.constant 384 : i32
    %add3A_55 = arith.addi %mul3A_41, %add3A_54 : i32
    "tpu.region"() ({
      %run_scoped3A_110 = tpu.sem_alloc : memref<!tpu.dma_semaphore, #tpu.memory_space<semaphore_mem>>
      %dma_start3A_111 = arith.constant 0 : i32
      %dma_start3A_112 = tpu.memref_slice %arg10[%add3A_55, %dma_start3A_111] : memref<10240x128xf32, #tpu.memory_space<vmem_shared>> -> memref<64x128xf32, #tpu.memory_space<vmem_shared>>
      %dma_start3A_113 = arith.constant 0 : i32
      %dma_start3A_114 = tpu.memref_slice %arg10[%add3A_55, %dma_start3A_113] : memref<10240x128xf32, #tpu.memory_space<vmem_shared>> -> memref<64x128xf32, #tpu.memory_space<vmem_shared>>
      tpu.enqueue_dma source(%arg14 : memref<64x128xf32, #tpu.memory_space<vmem>>) target(%dma_start3A_114 : memref<64x128xf32, #tpu.memory_space<vmem_shared>>) target_semaphore(%run_scoped3A_110 : memref<!tpu.dma_semaphore, #tpu.memory_space<semaphore_mem>>)
      %dma_wait3A_115 = arith.constant 0 : i32
      %dma_wait3A_116 = tpu.memref_slice %arg10[%add3A_55, %dma_wait3A_115] : memref<10240x128xf32, #tpu.memory_space<vmem_shared>> -> memref<64x128xf32, #tpu.memory_space<vmem_shared>>
      %dma_wait3A_117 = arith.constant 0 : i32
      %dma_wait3A_118 = tpu.memref_slice %arg10[%add3A_55, %dma_wait3A_117] : memref<10240x128xf32, #tpu.memory_space<vmem_shared>> -> memref<64x128xf32, #tpu.memory_space<vmem_shared>>
      tpu.wait_dma2 semaphore(%run_scoped3A_110 : memref<!tpu.dma_semaphore, #tpu.memory_space<semaphore_mem>>) src(%arg14 : memref<64x128xf32, #tpu.memory_space<vmem>>) dst(%dma_wait3A_118 : memref<64x128xf32, #tpu.memory_space<vmem_shared>>)
      tpu.yield
    }) : () -> ()
    %add3A_56 = arith.constant 448 : i32
    %add3A_57 = arith.addi %mul3A_41, %add3A_56 : i32
    "tpu.region"() ({
      %run_scoped3A_110 = tpu.sem_alloc : memref<!tpu.dma_semaphore, #tpu.memory_space<semaphore_mem>>
      %dma_start3A_111 = arith.constant 0 : i32
      %dma_start3A_112 = tpu.memref_slice %arg10[%add3A_57, %dma_start3A_111] : memref<10240x128xf32, #tpu.memory_space<vmem_shared>> -> memref<64x128xf32, #tpu.memory_space<vmem_shared>>
      %dma_start3A_113 = arith.constant 0 : i32
      %dma_start3A_114 = tpu.memref_slice %arg10[%add3A_57, %dma_start3A_113] : memref<10240x128xf32, #tpu.memory_space<vmem_shared>> -> memref<64x128xf32, #tpu.memory_space<vmem_shared>>
      tpu.enqueue_dma source(%arg14 : memref<64x128xf32, #tpu.memory_space<vmem>>) target(%dma_start3A_114 : memref<64x128xf32, #tpu.memory_space<vmem_shared>>) target_semaphore(%run_scoped3A_110 : memref<!tpu.dma_semaphore, #tpu.memory_space<semaphore_mem>>)
      %dma_wait3A_115 = arith.constant 0 : i32
      %dma_wait3A_116 = tpu.memref_slice %arg10[%add3A_57, %dma_wait3A_115] : memref<10240x128xf32, #tpu.memory_space<vmem_shared>> -> memref<64x128xf32, #tpu.memory_space<vmem_shared>>
      %dma_wait3A_117 = arith.constant 0 : i32
      %dma_wait3A_118 = tpu.memref_slice %arg10[%add3A_57, %dma_wait3A_117] : memref<10240x128xf32, #tpu.memory_space<vmem_shared>> -> memref<64x128xf32, #tpu.memory_space<vmem_shared>>
      tpu.wait_dma2 semaphore(%run_scoped3A_110 : memref<!tpu.dma_semaphore, #tpu.memory_space<semaphore_mem>>) src(%arg14 : memref<64x128xf32, #tpu.memory_space<vmem>>) dst(%dma_wait3A_118 : memref<64x128xf32, #tpu.memory_space<vmem_shared>>)
      tpu.yield
    }) : () -> ()
    %add3A_58 = arith.constant 512 : i32
    %add3A_59 = arith.addi %mul3A_41, %add3A_58 : i32
    "tpu.region"() ({
      %run_scoped3A_110 = tpu.sem_alloc : memref<!tpu.dma_semaphore, #tpu.memory_space<semaphore_mem>>
      %dma_start3A_111 = arith.constant 0 : i32
      %dma_start3A_112 = tpu.memref_slice %arg10[%add3A_59, %dma_start3A_111] : memref<10240x128xf32, #tpu.memory_space<vmem_shared>> -> memref<64x128xf32, #tpu.memory_space<vmem_shared>>
      %dma_start3A_113 = arith.constant 0 : i32
      %dma_start3A_114 = tpu.memref_slice %arg10[%add3A_59, %dma_start3A_113] : memref<10240x128xf32, #tpu.memory_space<vmem_shared>> -> memref<64x128xf32, #tpu.memory_space<vmem_shared>>
      tpu.enqueue_dma source(%arg14 : memref<64x128xf32, #tpu.memory_space<vmem>>) target(%dma_start3A_114 : memref<64x128xf32, #tpu.memory_space<vmem_shared>>) target_semaphore(%run_scoped3A_110 : memref<!tpu.dma_semaphore, #tpu.memory_space<semaphore_mem>>)
      %dma_wait3A_115 = arith.constant 0 : i32
      %dma_wait3A_116 = tpu.memref_slice %arg10[%add3A_59, %dma_wait3A_115] : memref<10240x128xf32, #tpu.memory_space<vmem_shared>> -> memref<64x128xf32, #tpu.memory_space<vmem_shared>>
      %dma_wait3A_117 = arith.constant 0 : i32
      %dma_wait3A_118 = tpu.memref_slice %arg10[%add3A_59, %dma_wait3A_117] : memref<10240x128xf32, #tpu.memory_space<vmem_shared>> -> memref<64x128xf32, #tpu.memory_space<vmem_shared>>
      tpu.wait_dma2 semaphore(%run_scoped3A_110 : memref<!tpu.dma_semaphore, #tpu.memory_space<semaphore_mem>>) src(%arg14 : memref<64x128xf32, #tpu.memory_space<vmem>>) dst(%dma_wait3A_118 : memref<64x128xf32, #tpu.memory_space<vmem_shared>>)
      tpu.yield
    }) : () -> ()
    %add3A_60 = arith.constant 576 : i32
    %add3A_61 = arith.addi %mul3A_41, %add3A_60 : i32
    "tpu.region"() ({
      %run_scoped3A_110 = tpu.sem_alloc : memref<!tpu.dma_semaphore, #tpu.memory_space<semaphore_mem>>
      %dma_start3A_111 = arith.constant 0 : i32
      %dma_start3A_112 = tpu.memref_slice %arg10[%add3A_61, %dma_start3A_111] : memref<10240x128xf32, #tpu.memory_space<vmem_shared>> -> memref<64x128xf32, #tpu.memory_space<vmem_shared>>
      %dma_start3A_113 = arith.constant 0 : i32
      %dma_start3A_114 = tpu.memref_slice %arg10[%add3A_61, %dma_start3A_113] : memref<10240x128xf32, #tpu.memory_space<vmem_shared>> -> memref<64x128xf32, #tpu.memory_space<vmem_shared>>
      tpu.enqueue_dma source(%arg14 : memref<64x128xf32, #tpu.memory_space<vmem>>) target(%dma_start3A_114 : memref<64x128xf32, #tpu.memory_space<vmem_shared>>) target_semaphore(%run_scoped3A_110 : memref<!tpu.dma_semaphore, #tpu.memory_space<semaphore_mem>>)
      %dma_wait3A_115 = arith.constant 0 : i32
      %dma_wait3A_116 = tpu.memref_slice %arg10[%add3A_61, %dma_wait3A_115] : memref<10240x128xf32, #tpu.memory_space<vmem_shared>> -> memref<64x128xf32, #tpu.memory_space<vmem_shared>>
      %dma_wait3A_117 = arith.constant 0 : i32
      %dma_wait3A_118 = tpu.memref_slice %arg10[%add3A_61, %dma_wait3A_117] : memref<10240x128xf32, #tpu.memory_space<vmem_shared>> -> memref<64x128xf32, #tpu.memory_space<vmem_shared>>
      tpu.wait_dma2 semaphore(%run_scoped3A_110 : memref<!tpu.dma_semaphore, #tpu.memory_space<semaphore_mem>>) src(%arg14 : memref<64x128xf32, #tpu.memory_space<vmem>>) dst(%dma_wait3A_118 : memref<64x128xf32, #tpu.memory_space<vmem_shared>>)
      tpu.yield
    }) : () -> ()
    %barrier3A = arith.constant 0 : index
    tpu.barrier barrier_id(%barrier3A)
    %scan3A = arith.constant 0 : i32
    %scan3A_62 = arith.constant 0 : i32
    %scan3A_63 = arith.constant 61 : i32
    %scan3A_64 = arith.addi %scan3A_62, %scan3A_63 : i32
    %scan3A_65 = arith.constant 1 : i32
    scf.for %scan3A_110 = %scan3A_62 to %scan3A_64 step %scan3A_65  : i32 {
      %mul3A_111 = arith.constant 2 : i32
      %mul3A_112 = arith.muli %mul3A_111, %scan3A_110 : i32
      %dma_wait3A_113 = arith.constant 0 : i32
      %dma_wait3A_114 = arith.constant 0 : i32
      %dma_wait3A_115 = tpu.memref_slice %arg7[%dma_wait3A_113, %dma_wait3A_114] : memref<125x80xi32, #tpu.memory_space<vmem>> -> memref<1x80xi32, #tpu.memory_space<vmem>>
      %dma_wait3A_116 = tpu.memref_squeeze %dma_wait3A_115 : memref<1x80xi32, #tpu.memory_space<vmem>> -> memref<80xi32, #tpu.memory_space<vmem>>
      %dma_wait3A_117 = arith.constant 0 : i32
      %dma_wait3A_118 = arith.constant 0 : i32
      %dma_wait3A_119 = tpu.memref_slice %arg2[%dma_wait3A_117, %dma_wait3A_118] : memref<10000x128xf32, #tpu.memory_space<hbm>> -> memref<10000x128xf32, #tpu.memory_space<hbm>>
      tpu.wait_indirect_dma semaphore(%arg11 : memref<!tpu.dma_semaphore, #tpu.memory_space<semaphore_mem>>) src(%dma_wait3A_119 : memref<10000x128xf32, #tpu.memory_space<hbm>>) dst(%arg9 : memref<80x128xf32, #tpu.memory_space<vmem>>)
      "tpu.region"() ({
        %run_scoped3A_169 = tpu.sem_alloc : memref<!tpu.dma_semaphore, #tpu.memory_space<semaphore_mem>>
        %dma_start3A_170 = arith.constant 0 : i32
        %dma_start3A_171 = tpu.memref_slice %arg8[%mul3A_112, %dma_start3A_170] : memref<125x80xi32, #tpu.memory_space<vmem>> -> memref<1x80xi32, #tpu.memory_space<vmem>>
        %dma_start3A_172 = tpu.memref_squeeze %dma_start3A_171 : memref<1x80xi32, #tpu.memory_space<vmem>> -> memref<80xi32, #tpu.memory_space<vmem>>
        %dma_start3A_173 = arith.constant 0 : i32
        %dma_start3A_174 = arith.constant 0 : i32
        %dma_start3A_175 = tpu.memref_slice %arg10[%dma_start3A_173, %dma_start3A_174] : memref<10240x128xf32, #tpu.memory_space<vmem_shared>> -> memref<10240x128xf32, #tpu.memory_space<vmem_shared>>
        tpu.enqueue_indirect_dma source(%arg9 : memref<80x128xf32, #tpu.memory_space<vmem>>) target(%dma_start3A_175 : memref<10240x128xf32, #tpu.memory_space<vmem_shared>>) offsets(%dma_start3A_172 : memref<80xi32, #tpu.memory_space<vmem>>) semaphore(%run_scoped3A_169 : memref<!tpu.dma_semaphore, #tpu.memory_space<semaphore_mem>>) {add = true}
        %dma_wait3A_176 = arith.constant 0 : i32
        %dma_wait3A_177 = tpu.memref_slice %arg8[%mul3A_112, %dma_wait3A_176] : memref<125x80xi32, #tpu.memory_space<vmem>> -> memref<1x80xi32, #tpu.memory_space<vmem>>
        %dma_wait3A_178 = tpu.memref_squeeze %dma_wait3A_177 : memref<1x80xi32, #tpu.memory_space<vmem>> -> memref<80xi32, #tpu.memory_space<vmem>>
        %dma_wait3A_179 = arith.constant 0 : i32
        %dma_wait3A_180 = arith.constant 0 : i32
        %dma_wait3A_181 = tpu.memref_slice %arg10[%dma_wait3A_179, %dma_wait3A_180] : memref<10240x128xf32, #tpu.memory_space<vmem_shared>> -> memref<10240x128xf32, #tpu.memory_space<vmem_shared>>
        tpu.wait_indirect_dma semaphore(%run_scoped3A_169 : memref<!tpu.dma_semaphore, #tpu.memory_space<semaphore_mem>>) src(%arg9 : memref<80x128xf32, #tpu.memory_space<vmem>>) dst(%dma_wait3A_181 : memref<10240x128xf32, #tpu.memory_space<vmem_shared>>)
        tpu.yield
      }) : () -> ()
      %add3A_120 = arith.constant 2 : i32
      %add3A_121 = arith.addi %mul3A_112, %add3A_120 : i32
      %dma_start3A_122 = arith.constant 0 : i32
      %dma_start3A_123 = arith.constant 0 : i32
      %dma_start3A_124 = tpu.memref_slice %arg9[%dma_start3A_122, %dma_start3A_123] : memref<80x128xf32, #tpu.memory_space<vmem>> -> memref<40x128xf32, #tpu.memory_space<vmem>>
      %dma_start3A_125 = arith.constant 0 : i32
      %dma_start3A_126 = tpu.memref_slice %arg7[%add3A_121, %dma_start3A_125] : memref<125x80xi32, #tpu.memory_space<vmem>> -> memref<1x40xi32, #tpu.memory_space<vmem>>
      %dma_start3A_127 = tpu.memref_squeeze %dma_start3A_126 : memref<1x40xi32, #tpu.memory_space<vmem>> -> memref<40xi32, #tpu.memory_space<vmem>>
      %dma_start3A_128 = arith.constant 0 : i32
      %dma_start3A_129 = arith.constant 0 : i32
      %dma_start3A_130 = tpu.memref_slice %arg2[%dma_start3A_128, %dma_start3A_129] : memref<10000x128xf32, #tpu.memory_space<hbm>> -> memref<10000x128xf32, #tpu.memory_space<hbm>>
      tpu.enqueue_indirect_dma source(%dma_start3A_130 : memref<10000x128xf32, #tpu.memory_space<hbm>>) target(%dma_start3A_124 : memref<40x128xf32, #tpu.memory_space<vmem>>) offsets(%dma_start3A_127 : memref<40xi32, #tpu.memory_space<vmem>>) semaphore(%arg11 : memref<!tpu.dma_semaphore, #tpu.memory_space<semaphore_mem>>)
      %dma_start3A_131 = arith.constant 40 : i32
      %dma_start3A_132 = arith.constant 0 : i32
      %dma_start3A_133 = tpu.memref_slice %arg9[%dma_start3A_131, %dma_start3A_132] : memref<80x128xf32, #tpu.memory_space<vmem>> -> memref<40x128xf32, #tpu.memory_space<vmem>>
      %dma_start3A_134 = arith.constant 40 : i32
      %dma_start3A_135 = tpu.memref_slice %arg7[%add3A_121, %dma_start3A_134] : memref<125x80xi32, #tpu.memory_space<vmem>> -> memref<1x40xi32, #tpu.memory_space<vmem>>
      %dma_start3A_136 = tpu.memref_squeeze %dma_start3A_135 : memref<1x40xi32, #tpu.memory_space<vmem>> -> memref<40xi32, #tpu.memory_space<vmem>>
      %dma_start3A_137 = arith.constant 0 : i32
      %dma_start3A_138 = arith.constant 0 : i32
      %dma_start3A_139 = tpu.memref_slice %arg2[%dma_start3A_137, %dma_start3A_138] : memref<10000x128xf32, #tpu.memory_space<hbm>> -> memref<10000x128xf32, #tpu.memory_space<hbm>>
      tpu.enqueue_indirect_dma source(%dma_start3A_139 : memref<10000x128xf32, #tpu.memory_space<hbm>>) target(%dma_start3A_133 : memref<40x128xf32, #tpu.memory_space<vmem>>) offsets(%dma_start3A_136 : memref<40xi32, #tpu.memory_space<vmem>>) semaphore(%arg11 : memref<!tpu.dma_semaphore, #tpu.memory_space<semaphore_mem>>)
      %dma_wait3A_140 = arith.constant 0 : i32
      %dma_wait3A_141 = arith.constant 0 : i32
      %dma_wait3A_142 = tpu.memref_slice %arg7[%dma_wait3A_140, %dma_wait3A_141] : memref<125x80xi32, #tpu.memory_space<vmem>> -> memref<1x80xi32, #tpu.memory_space<vmem>>
      %dma_wait3A_143 = tpu.memref_squeeze %dma_wait3A_142 : memref<1x80xi32, #tpu.memory_space<vmem>> -> memref<80xi32, #tpu.memory_space<vmem>>
      %dma_wait3A_144 = arith.constant 0 : i32
      %dma_wait3A_145 = arith.constant 0 : i32
      %dma_wait3A_146 = tpu.memref_slice %arg2[%dma_wait3A_144, %dma_wait3A_145] : memref<10000x128xf32, #tpu.memory_space<hbm>> -> memref<10000x128xf32, #tpu.memory_space<hbm>>
      tpu.wait_indirect_dma semaphore(%arg13 : memref<!tpu.dma_semaphore, #tpu.memory_space<semaphore_mem>>) src(%dma_wait3A_146 : memref<10000x128xf32, #tpu.memory_space<hbm>>) dst(%arg12 : memref<80x128xf32, #tpu.memory_space<vmem>>)
      %add3A_147 = arith.constant 1 : i32
      %add3A_148 = arith.addi %mul3A_112, %add3A_147 : i32
      "tpu.region"() ({
        %run_scoped3A_169 = tpu.sem_alloc : memref<!tpu.dma_semaphore, #tpu.memory_space<semaphore_mem>>
        %dma_start3A_170 = arith.constant 0 : i32
        %dma_start3A_171 = tpu.memref_slice %arg8[%add3A_148, %dma_start3A_170] : memref<125x80xi32, #tpu.memory_space<vmem>> -> memref<1x80xi32, #tpu.memory_space<vmem>>
        %dma_start3A_172 = tpu.memref_squeeze %dma_start3A_171 : memref<1x80xi32, #tpu.memory_space<vmem>> -> memref<80xi32, #tpu.memory_space<vmem>>
        %dma_start3A_173 = arith.constant 0 : i32
        %dma_start3A_174 = arith.constant 0 : i32
        %dma_start3A_175 = tpu.memref_slice %arg10[%dma_start3A_173, %dma_start3A_174] : memref<10240x128xf32, #tpu.memory_space<vmem_shared>> -> memref<10240x128xf32, #tpu.memory_space<vmem_shared>>
        tpu.enqueue_indirect_dma source(%arg12 : memref<80x128xf32, #tpu.memory_space<vmem>>) target(%dma_start3A_175 : memref<10240x128xf32, #tpu.memory_space<vmem_shared>>) offsets(%dma_start3A_172 : memref<80xi32, #tpu.memory_space<vmem>>) semaphore(%run_scoped3A_169 : memref<!tpu.dma_semaphore, #tpu.memory_space<semaphore_mem>>) {add = true}
        %dma_wait3A_176 = arith.constant 0 : i32
        %dma_wait3A_177 = tpu.memref_slice %arg8[%add3A_148, %dma_wait3A_176] : memref<125x80xi32, #tpu.memory_space<vmem>> -> memref<1x80xi32, #tpu.memory_space<vmem>>
        %dma_wait3A_178 = tpu.memref_squeeze %dma_wait3A_177 : memref<1x80xi32, #tpu.memory_space<vmem>> -> memref<80xi32, #tpu.memory_space<vmem>>
        %dma_wait3A_179 = arith.constant 0 : i32
        %dma_wait3A_180 = arith.constant 0 : i32
        %dma_wait3A_181 = tpu.memref_slice %arg10[%dma_wait3A_179, %dma_wait3A_180] : memref<10240x128xf32, #tpu.memory_space<vmem_shared>> -> memref<10240x128xf32, #tpu.memory_space<vmem_shared>>
        tpu.wait_indirect_dma semaphore(%run_scoped3A_169 : memref<!tpu.dma_semaphore, #tpu.memory_space<semaphore_mem>>) src(%arg12 : memref<80x128xf32, #tpu.memory_space<vmem>>) dst(%dma_wait3A_181 : memref<10240x128xf32, #tpu.memory_space<vmem_shared>>)
        tpu.yield
      }) : () -> ()
      %add3A_149 = arith.constant 3 : i32
      %add3A_150 = arith.addi %mul3A_112, %add3A_149 : i32
      %dma_start3A_151 = arith.constant 0 : i32
      %dma_start3A_152 = arith.constant 0 : i32
      %dma_start3A_153 = tpu.memref_slice %arg12[%dma_start3A_151, %dma_start3A_152] : memref<80x128xf32, #tpu.memory_space<vmem>> -> memref<40x128xf32, #tpu.memory_space<vmem>>
      %dma_start3A_154 = arith.constant 0 : i32
      %dma_start3A_155 = tpu.memref_slice %arg7[%add3A_150, %dma_start3A_154] : memref<125x80xi32, #tpu.memory_space<vmem>> -> memref<1x40xi32, #tpu.memory_space<vmem>>
      %dma_start3A_156 = tpu.memref_squeeze %dma_start3A_155 : memref<1x40xi32, #tpu.memory_space<vmem>> -> memref<40xi32, #tpu.memory_space<vmem>>
      %dma_start3A_157 = arith.constant 0 : i32
      %dma_start3A_158 = arith.constant 0 : i32
      %dma_start3A_159 = tpu.memref_slice %arg2[%dma_start3A_157, %dma_start3A_158] : memref<10000x128xf32, #tpu.memory_space<hbm>> -> memref<10000x128xf32, #tpu.memory_space<hbm>>
      tpu.enqueue_indirect_dma source(%dma_start3A_159 : memref<10000x128xf32, #tpu.memory_space<hbm>>) target(%dma_start3A_153 : memref<40x128xf32, #tpu.memory_space<vmem>>) offsets(%dma_start3A_156 : memref<40xi32, #tpu.memory_space<vmem>>) semaphore(%arg13 : memref<!tpu.dma_semaphore, #tpu.memory_space<semaphore_mem>>)
      %dma_start3A_160 = arith.constant 40 : i32
      %dma_start3A_161 = arith.constant 0 : i32
      %dma_start3A_162 = tpu.memref_slice %arg12[%dma_start3A_160, %dma_start3A_161] : memref<80x128xf32, #tpu.memory_space<vmem>> -> memref<40x128xf32, #tpu.memory_space<vmem>>
      %dma_start3A_163 = arith.constant 40 : i32
      %dma_start3A_164 = tpu.memref_slice %arg7[%add3A_150, %dma_start3A_163] : memref<125x80xi32, #tpu.memory_space<vmem>> -> memref<1x40xi32, #tpu.memory_space<vmem>>
      %dma_start3A_165 = tpu.memref_squeeze %dma_start3A_164 : memref<1x40xi32, #tpu.memory_space<vmem>> -> memref<40xi32, #tpu.memory_space<vmem>>
      %dma_start3A_166 = arith.constant 0 : i32
      %dma_start3A_167 = arith.constant 0 : i32
      %dma_start3A_168 = tpu.memref_slice %arg2[%dma_start3A_166, %dma_start3A_167] : memref<10000x128xf32, #tpu.memory_space<hbm>> -> memref<10000x128xf32, #tpu.memory_space<hbm>>
      tpu.enqueue_indirect_dma source(%dma_start3A_168 : memref<10000x128xf32, #tpu.memory_space<hbm>>) target(%dma_start3A_162 : memref<40x128xf32, #tpu.memory_space<vmem>>) offsets(%dma_start3A_165 : memref<40xi32, #tpu.memory_space<vmem>>) semaphore(%arg13 : memref<!tpu.dma_semaphore, #tpu.memory_space<semaphore_mem>>)
    }
    %scan3A_66 = arith.constant 61 : i32
    %dma_wait3A = arith.constant 0 : i32
    %dma_wait3A_67 = arith.constant 0 : i32
    %dma_wait3A_68 = tpu.memref_slice %arg7[%dma_wait3A, %dma_wait3A_67] : memref<125x80xi32, #tpu.memory_space<vmem>> -> memref<1x80xi32, #tpu.memory_space<vmem>>
    %dma_wait3A_69 = tpu.memref_squeeze %dma_wait3A_68 : memref<1x80xi32, #tpu.memory_space<vmem>> -> memref<80xi32, #tpu.memory_space<vmem>>
    %dma_wait3A_70 = arith.constant 0 : i32
    %dma_wait3A_71 = arith.constant 0 : i32
    %dma_wait3A_72 = tpu.memref_slice %arg2[%dma_wait3A_70, %dma_wait3A_71] : memref<10000x128xf32, #tpu.memory_space<hbm>> -> memref<10000x128xf32, #tpu.memory_space<hbm>>
    tpu.wait_indirect_dma semaphore(%arg11 : memref<!tpu.dma_semaphore, #tpu.memory_space<semaphore_mem>>) src(%dma_wait3A_72 : memref<10000x128xf32, #tpu.memory_space<hbm>>) dst(%arg9 : memref<80x128xf32, #tpu.memory_space<vmem>>)
    %run_scoped3A = arith.constant 122 : i32
    "tpu.region"() ({
      %run_scoped3A_110 = tpu.sem_alloc : memref<!tpu.dma_semaphore, #tpu.memory_space<semaphore_mem>>
      %dma_start3A_111 = arith.constant 0 : i32
      %dma_start3A_112 = tpu.memref_slice %arg8[%run_scoped3A, %dma_start3A_111] : memref<125x80xi32, #tpu.memory_space<vmem>> -> memref<1x80xi32, #tpu.memory_space<vmem>>
      %dma_start3A_113 = tpu.memref_squeeze %dma_start3A_112 : memref<1x80xi32, #tpu.memory_space<vmem>> -> memref<80xi32, #tpu.memory_space<vmem>>
      %dma_start3A_114 = arith.constant 0 : i32
      %dma_start3A_115 = arith.constant 0 : i32
      %dma_start3A_116 = tpu.memref_slice %arg10[%dma_start3A_114, %dma_start3A_115] : memref<10240x128xf32, #tpu.memory_space<vmem_shared>> -> memref<10240x128xf32, #tpu.memory_space<vmem_shared>>
      tpu.enqueue_indirect_dma source(%arg9 : memref<80x128xf32, #tpu.memory_space<vmem>>) target(%dma_start3A_116 : memref<10240x128xf32, #tpu.memory_space<vmem_shared>>) offsets(%dma_start3A_113 : memref<80xi32, #tpu.memory_space<vmem>>) semaphore(%run_scoped3A_110 : memref<!tpu.dma_semaphore, #tpu.memory_space<semaphore_mem>>) {add = true}
      %dma_wait3A_117 = arith.constant 0 : i32
      %dma_wait3A_118 = tpu.memref_slice %arg8[%run_scoped3A, %dma_wait3A_117] : memref<125x80xi32, #tpu.memory_space<vmem>> -> memref<1x80xi32, #tpu.memory_space<vmem>>
      %dma_wait3A_119 = tpu.memref_squeeze %dma_wait3A_118 : memref<1x80xi32, #tpu.memory_space<vmem>> -> memref<80xi32, #tpu.memory_space<vmem>>
      %dma_wait3A_120 = arith.constant 0 : i32
      %dma_wait3A_121 = arith.constant 0 : i32
      %dma_wait3A_122 = tpu.memref_slice %arg10[%dma_wait3A_120, %dma_wait3A_121] : memref<10240x128xf32, #tpu.memory_space<vmem_shared>> -> memref<10240x128xf32, #tpu.memory_space<vmem_shared>>
      tpu.wait_indirect_dma semaphore(%run_scoped3A_110 : memref<!tpu.dma_semaphore, #tpu.memory_space<semaphore_mem>>) src(%arg9 : memref<80x128xf32, #tpu.memory_space<vmem>>) dst(%dma_wait3A_122 : memref<10240x128xf32, #tpu.memory_space<vmem_shared>>)
      tpu.yield
    }) : () -> ()
    %dma_start3A_73 = arith.constant 124 : i32
    %dma_start3A_74 = arith.constant 0 : i32
    %dma_start3A_75 = arith.constant 0 : i32
    %dma_start3A_76 = tpu.memref_slice %arg9[%dma_start3A_74, %dma_start3A_75] : memref<80x128xf32, #tpu.memory_space<vmem>> -> memref<40x128xf32, #tpu.memory_space<vmem>>
    %dma_start3A_77 = arith.constant 0 : i32
    %dma_start3A_78 = tpu.memref_slice %arg7[%dma_start3A_73, %dma_start3A_77] : memref<125x80xi32, #tpu.memory_space<vmem>> -> memref<1x40xi32, #tpu.memory_space<vmem>>
    %dma_start3A_79 = tpu.memref_squeeze %dma_start3A_78 : memref<1x40xi32, #tpu.memory_space<vmem>> -> memref<40xi32, #tpu.memory_space<vmem>>
    %dma_start3A_80 = arith.constant 0 : i32
    %dma_start3A_81 = arith.constant 0 : i32
    %dma_start3A_82 = tpu.memref_slice %arg2[%dma_start3A_80, %dma_start3A_81] : memref<10000x128xf32, #tpu.memory_space<hbm>> -> memref<10000x128xf32, #tpu.memory_space<hbm>>
    tpu.enqueue_indirect_dma source(%dma_start3A_82 : memref<10000x128xf32, #tpu.memory_space<hbm>>) target(%dma_start3A_76 : memref<40x128xf32, #tpu.memory_space<vmem>>) offsets(%dma_start3A_79 : memref<40xi32, #tpu.memory_space<vmem>>) semaphore(%arg11 : memref<!tpu.dma_semaphore, #tpu.memory_space<semaphore_mem>>)
    %dma_start3A_83 = arith.constant 124 : i32
    %dma_start3A_84 = arith.constant 40 : i32
    %dma_start3A_85 = arith.constant 0 : i32
    %dma_start3A_86 = tpu.memref_slice %arg9[%dma_start3A_84, %dma_start3A_85] : memref<80x128xf32, #tpu.memory_space<vmem>> -> memref<40x128xf32, #tpu.memory_space<vmem>>
    %dma_start3A_87 = arith.constant 40 : i32
    %dma_start3A_88 = tpu.memref_slice %arg7[%dma_start3A_83, %dma_start3A_87] : memref<125x80xi32, #tpu.memory_space<vmem>> -> memref<1x40xi32, #tpu.memory_space<vmem>>
    %dma_start3A_89 = tpu.memref_squeeze %dma_start3A_88 : memref<1x40xi32, #tpu.memory_space<vmem>> -> memref<40xi32, #tpu.memory_space<vmem>>
    %dma_start3A_90 = arith.constant 0 : i32
    %dma_start3A_91 = arith.constant 0 : i32
    %dma_start3A_92 = tpu.memref_slice %arg2[%dma_start3A_90, %dma_start3A_91] : memref<10000x128xf32, #tpu.memory_space<hbm>> -> memref<10000x128xf32, #tpu.memory_space<hbm>>
    tpu.enqueue_indirect_dma source(%dma_start3A_92 : memref<10000x128xf32, #tpu.memory_space<hbm>>) target(%dma_start3A_86 : memref<40x128xf32, #tpu.memory_space<vmem>>) offsets(%dma_start3A_89 : memref<40xi32, #tpu.memory_space<vmem>>) semaphore(%arg11 : memref<!tpu.dma_semaphore, #tpu.memory_space<semaphore_mem>>)
    %dma_wait3A_93 = arith.constant 0 : i32
    %dma_wait3A_94 = arith.constant 0 : i32
    %dma_wait3A_95 = tpu.memref_slice %arg7[%dma_wait3A_93, %dma_wait3A_94] : memref<125x80xi32, #tpu.memory_space<vmem>> -> memref<1x80xi32, #tpu.memory_space<vmem>>
    %dma_wait3A_96 = tpu.memref_squeeze %dma_wait3A_95 : memref<1x80xi32, #tpu.memory_space<vmem>> -> memref<80xi32, #tpu.memory_space<vmem>>
    %dma_wait3A_97 = arith.constant 0 : i32
    %dma_wait3A_98 = arith.constant 0 : i32
    %dma_wait3A_99 = tpu.memref_slice %arg2[%dma_wait3A_97, %dma_wait3A_98] : memref<10000x128xf32, #tpu.memory_space<hbm>> -> memref<10000x128xf32, #tpu.memory_space<hbm>>
    tpu.wait_indirect_dma semaphore(%arg13 : memref<!tpu.dma_semaphore, #tpu.memory_space<semaphore_mem>>) src(%dma_wait3A_99 : memref<10000x128xf32, #tpu.memory_space<hbm>>) dst(%arg12 : memref<80x128xf32, #tpu.memory_space<vmem>>)
    %run_scoped3A_100 = arith.constant 123 : i32
    "tpu.region"() ({
      %run_scoped3A_110 = tpu.sem_alloc : memref<!tpu.dma_semaphore, #tpu.memory_space<semaphore_mem>>
      %dma_start3A_111 = arith.constant 0 : i32
      %dma_start3A_112 = tpu.memref_slice %arg8[%run_scoped3A_100, %dma_start3A_111] : memref<125x80xi32, #tpu.memory_space<vmem>> -> memref<1x80xi32, #tpu.memory_space<vmem>>
      %dma_start3A_113 = tpu.memref_squeeze %dma_start3A_112 : memref<1x80xi32, #tpu.memory_space<vmem>> -> memref<80xi32, #tpu.memory_space<vmem>>
      %dma_start3A_114 = arith.constant 0 : i32
      %dma_start3A_115 = arith.constant 0 : i32
      %dma_start3A_116 = tpu.memref_slice %arg10[%dma_start3A_114, %dma_start3A_115] : memref<10240x128xf32, #tpu.memory_space<vmem_shared>> -> memref<10240x128xf32, #tpu.memory_space<vmem_shared>>
      tpu.enqueue_indirect_dma source(%arg12 : memref<80x128xf32, #tpu.memory_space<vmem>>) target(%dma_start3A_116 : memref<10240x128xf32, #tpu.memory_space<vmem_shared>>) offsets(%dma_start3A_113 : memref<80xi32, #tpu.memory_space<vmem>>) semaphore(%run_scoped3A_110 : memref<!tpu.dma_semaphore, #tpu.memory_space<semaphore_mem>>) {add = true}
      %dma_wait3A_117 = arith.constant 0 : i32
      %dma_wait3A_118 = tpu.memref_slice %arg8[%run_scoped3A_100, %dma_wait3A_117] : memref<125x80xi32, #tpu.memory_space<vmem>> -> memref<1x80xi32, #tpu.memory_space<vmem>>
      %dma_wait3A_119 = tpu.memref_squeeze %dma_wait3A_118 : memref<1x80xi32, #tpu.memory_space<vmem>> -> memref<80xi32, #tpu.memory_space<vmem>>
      %dma_wait3A_120 = arith.constant 0 : i32
      %dma_wait3A_121 = arith.constant 0 : i32
      %dma_wait3A_122 = tpu.memref_slice %arg10[%dma_wait3A_120, %dma_wait3A_121] : memref<10240x128xf32, #tpu.memory_space<vmem_shared>> -> memref<10240x128xf32, #tpu.memory_space<vmem_shared>>
      tpu.wait_indirect_dma semaphore(%run_scoped3A_110 : memref<!tpu.dma_semaphore, #tpu.memory_space<semaphore_mem>>) src(%arg12 : memref<80x128xf32, #tpu.memory_space<vmem>>) dst(%dma_wait3A_122 : memref<10240x128xf32, #tpu.memory_space<vmem_shared>>)
      tpu.yield
    }) : () -> ()
    %dma_wait3A_101 = arith.constant 0 : i32
    %dma_wait3A_102 = arith.constant 0 : i32
    %dma_wait3A_103 = tpu.memref_slice %arg7[%dma_wait3A_101, %dma_wait3A_102] : memref<125x80xi32, #tpu.memory_space<vmem>> -> memref<1x80xi32, #tpu.memory_space<vmem>>
    %dma_wait3A_104 = tpu.memref_squeeze %dma_wait3A_103 : memref<1x80xi32, #tpu.memory_space<vmem>> -> memref<80xi32, #tpu.memory_space<vmem>>
    %dma_wait3A_105 = arith.constant 0 : i32
    %dma_wait3A_106 = arith.constant 0 : i32
    %dma_wait3A_107 = tpu.memref_slice %arg2[%dma_wait3A_105, %dma_wait3A_106] : memref<10000x128xf32, #tpu.memory_space<hbm>> -> memref<10000x128xf32, #tpu.memory_space<hbm>>
    tpu.wait_indirect_dma semaphore(%arg11 : memref<!tpu.dma_semaphore, #tpu.memory_space<semaphore_mem>>) src(%dma_wait3A_107 : memref<10000x128xf32, #tpu.memory_space<hbm>>) dst(%arg9 : memref<80x128xf32, #tpu.memory_space<vmem>>)
    %run_scoped3A_108 = arith.constant 124 : i32
    "tpu.region"() ({
      %run_scoped3A_110 = tpu.sem_alloc : memref<!tpu.dma_semaphore, #tpu.memory_space<semaphore_mem>>
      %dma_start3A_111 = arith.constant 0 : i32
      %dma_start3A_112 = tpu.memref_slice %arg8[%run_scoped3A_108, %dma_start3A_111] : memref<125x80xi32, #tpu.memory_space<vmem>> -> memref<1x80xi32, #tpu.memory_space<vmem>>
      %dma_start3A_113 = tpu.memref_squeeze %dma_start3A_112 : memref<1x80xi32, #tpu.memory_space<vmem>> -> memref<80xi32, #tpu.memory_space<vmem>>
      %dma_start3A_114 = arith.constant 0 : i32
      %dma_start3A_115 = arith.constant 0 : i32
      %dma_start3A_116 = tpu.memref_slice %arg10[%dma_start3A_114, %dma_start3A_115] : memref<10240x128xf32, #tpu.memory_space<vmem_shared>> -> memref<10240x128xf32, #tpu.memory_space<vmem_shared>>
      tpu.enqueue_indirect_dma source(%arg9 : memref<80x128xf32, #tpu.memory_space<vmem>>) target(%dma_start3A_116 : memref<10240x128xf32, #tpu.memory_space<vmem_shared>>) offsets(%dma_start3A_113 : memref<80xi32, #tpu.memory_space<vmem>>) semaphore(%run_scoped3A_110 : memref<!tpu.dma_semaphore, #tpu.memory_space<semaphore_mem>>) {add = true}
      %dma_wait3A_117 = arith.constant 0 : i32
      %dma_wait3A_118 = tpu.memref_slice %arg8[%run_scoped3A_108, %dma_wait3A_117] : memref<125x80xi32, #tpu.memory_space<vmem>> -> memref<1x80xi32, #tpu.memory_space<vmem>>
      %dma_wait3A_119 = tpu.memref_squeeze %dma_wait3A_118 : memref<1x80xi32, #tpu.memory_space<vmem>> -> memref<80xi32, #tpu.memory_space<vmem>>
      %dma_wait3A_120 = arith.constant 0 : i32
      %dma_wait3A_121 = arith.constant 0 : i32
      %dma_wait3A_122 = tpu.memref_slice %arg10[%dma_wait3A_120, %dma_wait3A_121] : memref<10240x128xf32, #tpu.memory_space<vmem_shared>> -> memref<10240x128xf32, #tpu.memory_space<vmem_shared>>
      tpu.wait_indirect_dma semaphore(%run_scoped3A_110 : memref<!tpu.dma_semaphore, #tpu.memory_space<semaphore_mem>>) src(%arg9 : memref<80x128xf32, #tpu.memory_space<vmem>>) dst(%dma_wait3A_122 : memref<10240x128xf32, #tpu.memory_space<vmem_shared>>)
      tpu.yield
    }) : () -> ()
    %barrier3A_109 = arith.constant 0 : index
    tpu.barrier barrier_id(%barrier3A_109)
    "tpu.region"() ({
      %run_scoped3A_110 = tpu.sem_alloc : memref<!tpu.dma_semaphore, #tpu.memory_space<semaphore_mem>>
      %dma_start3A_111 = arith.constant 0 : i32
      %dma_start3A_112 = tpu.memref_slice %arg6[%arg0, %mul3A_41, %dma_start3A_111] : memref<2x10240x128xf32, #tpu.memory_space<hbm>> -> memref<1x640x128xf32, #tpu.memory_space<hbm>>
      %dma_start3A_113 = tpu.memref_squeeze %dma_start3A_112 : memref<1x640x128xf32, #tpu.memory_space<hbm>> -> memref<640x128xf32, #tpu.memory_space<hbm>>
      %dma_start3A_114 = arith.constant 0 : i32
      %dma_start3A_115 = tpu.memref_slice %arg10[%mul3A_41, %dma_start3A_114] : memref<10240x128xf32, #tpu.memory_space<vmem_shared>> -> memref<640x128xf32, #tpu.memory_space<vmem_shared>>
      tpu.enqueue_dma source(%dma_start3A_115 : memref<640x128xf32, #tpu.memory_space<vmem_shared>>) target(%dma_start3A_113 : memref<640x128xf32, #tpu.memory_space<hbm>>) target_semaphore(%run_scoped3A_110 : memref<!tpu.dma_semaphore, #tpu.memory_space<semaphore_mem>>)
      %dma_wait3A_116 = arith.constant 0 : i32
      %dma_wait3A_117 = tpu.memref_slice %arg6[%arg0, %mul3A_41, %dma_wait3A_116] : memref<2x10240x128xf32, #tpu.memory_space<hbm>> -> memref<1x640x128xf32, #tpu.memory_space<hbm>>
      %dma_wait3A_118 = tpu.memref_squeeze %dma_wait3A_117 : memref<1x640x128xf32, #tpu.memory_space<hbm>> -> memref<640x128xf32, #tpu.memory_space<hbm>>
      %dma_wait3A_119 = arith.constant 0 : i32
      %dma_wait3A_120 = tpu.memref_slice %arg10[%mul3A_41, %dma_wait3A_119] : memref<10240x128xf32, #tpu.memory_space<vmem_shared>> -> memref<640x128xf32, #tpu.memory_space<vmem_shared>>
      tpu.wait_dma2 semaphore(%run_scoped3A_110 : memref<!tpu.dma_semaphore, #tpu.memory_space<semaphore_mem>>) src(%dma_wait3A_120 : memref<640x128xf32, #tpu.memory_space<vmem_shared>>) dst(%dma_wait3A_118 : memref<640x128xf32, #tpu.memory_space<hbm>>)
      tpu.yield
    }) : () -> ()
    return
  }
}

#map = affine_map<(d0, d1) -> (0, 0, 0)>
#map1 = affine_map<(d0, d1) -> (0, 0)>
module attributes {stable_mosaic.version = 14 : i64} {
  func.func @_sc_deg_body(%arg0: i32, %arg1: i32, %arg2: memref<32x125x80xi32, #tpu.memory_space<hbm>>, %arg3: memref<640x16xf32, #tpu.memory_space<hbm>>, %arg4: memref<80x16xf32, #tpu.memory_space<hbm>>, %arg5: memref<2x10240x16xf32, #tpu.memory_space<hbm>>, %arg6: memref<125x80xi32, #tpu.memory_space<vmem>>, %arg7: memref<80x16xf32, #tpu.memory_space<vmem>>, %arg8: memref<10240x16xf32, #tpu.memory_space<vmem_shared>>) attributes {dimension_semantics = [#tpu.dimension_semantics<core_parallel>, #tpu.dimension_semantics<subcore_parallel>], iteration_bounds = array<i64: 2, 16>, scalar_prefetch = 0 : i64, scratch_operands = 3 : i64, tpu.core_type = #tpu.core_type<sc_vector_subcore>, window_params = [{transform_indices = #map}, {transform_indices = #map1}, {transform_indices = #map1}, {transform_indices = #map}]} {
    %mul3A = arith.constant 16 : i32
    %mul3A_0 = arith.muli %arg0, %mul3A : i32
    %add3A = arith.addi %mul3A_0, %arg1 : i32
    %mul3A_1 = arith.constant 640 : i32
    %mul3A_2 = arith.muli %arg1, %mul3A_1 : i32
    "tpu.region"() ({
      %run_scoped3A = tpu.sem_alloc : memref<!tpu.dma_semaphore, #tpu.memory_space<semaphore_mem>>
      tpu.enqueue_dma source(%arg4 : memref<80x16xf32, #tpu.memory_space<hbm>>) target(%arg7 : memref<80x16xf32, #tpu.memory_space<vmem>>) target_semaphore(%run_scoped3A : memref<!tpu.dma_semaphore, #tpu.memory_space<semaphore_mem>>)
      tpu.wait_dma2 semaphore(%run_scoped3A : memref<!tpu.dma_semaphore, #tpu.memory_space<semaphore_mem>>) src(%arg4 : memref<80x16xf32, #tpu.memory_space<hbm>>) dst(%arg7 : memref<80x16xf32, #tpu.memory_space<vmem>>)
      tpu.yield
    }) : () -> ()
    "tpu.region"() ({
      %run_scoped3A = tpu.sem_alloc : memref<!tpu.dma_semaphore, #tpu.memory_space<semaphore_mem>>
      %dma_start3A = arith.constant 0 : i32
      %dma_start3A_9 = tpu.memref_slice %arg8[%mul3A_2, %dma_start3A] : memref<10240x16xf32, #tpu.memory_space<vmem_shared>> -> memref<640x16xf32, #tpu.memory_space<vmem_shared>>
      tpu.enqueue_dma source(%arg3 : memref<640x16xf32, #tpu.memory_space<hbm>>) target(%dma_start3A_9 : memref<640x16xf32, #tpu.memory_space<vmem_shared>>) target_semaphore(%run_scoped3A : memref<!tpu.dma_semaphore, #tpu.memory_space<semaphore_mem>>)
      %dma_wait3A = arith.constant 0 : i32
      %dma_wait3A_10 = tpu.memref_slice %arg8[%mul3A_2, %dma_wait3A] : memref<10240x16xf32, #tpu.memory_space<vmem_shared>> -> memref<640x16xf32, #tpu.memory_space<vmem_shared>>
      tpu.wait_dma2 semaphore(%run_scoped3A : memref<!tpu.dma_semaphore, #tpu.memory_space<semaphore_mem>>) src(%arg3 : memref<640x16xf32, #tpu.memory_space<hbm>>) dst(%dma_wait3A_10 : memref<640x16xf32, #tpu.memory_space<vmem_shared>>)
      tpu.yield
    }) : () -> ()
    %barrier3A = arith.constant 0 : index
    tpu.barrier barrier_id(%barrier3A)
    "tpu.region"() ({
      %run_scoped3A = tpu.sem_alloc : memref<!tpu.dma_semaphore, #tpu.memory_space<semaphore_mem>>
      %dma_start3A = arith.constant 0 : i32
      %dma_start3A_9 = arith.constant 0 : i32
      %dma_start3A_10 = tpu.memref_slice %arg2[%add3A, %dma_start3A, %dma_start3A_9] : memref<32x125x80xi32, #tpu.memory_space<hbm>> -> memref<1x125x80xi32, #tpu.memory_space<hbm>>
      %dma_start3A_11 = tpu.memref_squeeze %dma_start3A_10 : memref<1x125x80xi32, #tpu.memory_space<hbm>> -> memref<125x80xi32, #tpu.memory_space<hbm>>
      %dma_start3A_12 = arith.constant 0 : i32
      %dma_start3A_13 = arith.constant 0 : i32
      %dma_start3A_14 = tpu.memref_slice %arg2[%add3A, %dma_start3A_12, %dma_start3A_13] : memref<32x125x80xi32, #tpu.memory_space<hbm>> -> memref<1x125x80xi32, #tpu.memory_space<hbm>>
      %dma_start3A_15 = tpu.memref_squeeze %dma_start3A_14 : memref<1x125x80xi32, #tpu.memory_space<hbm>> -> memref<125x80xi32, #tpu.memory_space<hbm>>
      tpu.enqueue_dma source(%dma_start3A_15 : memref<125x80xi32, #tpu.memory_space<hbm>>) target(%arg6 : memref<125x80xi32, #tpu.memory_space<vmem>>) target_semaphore(%run_scoped3A : memref<!tpu.dma_semaphore, #tpu.memory_space<semaphore_mem>>)
      %dma_wait3A = arith.constant 0 : i32
      %dma_wait3A_16 = arith.constant 0 : i32
      %dma_wait3A_17 = tpu.memref_slice %arg2[%add3A, %dma_wait3A, %dma_wait3A_16] : memref<32x125x80xi32, #tpu.memory_space<hbm>> -> memref<1x125x80xi32, #tpu.memory_space<hbm>>
      %dma_wait3A_18 = tpu.memref_squeeze %dma_wait3A_17 : memref<1x125x80xi32, #tpu.memory_space<hbm>> -> memref<125x80xi32, #tpu.memory_space<hbm>>
      %dma_wait3A_19 = arith.constant 0 : i32
      %dma_wait3A_20 = arith.constant 0 : i32
      %dma_wait3A_21 = tpu.memref_slice %arg2[%add3A, %dma_wait3A_19, %dma_wait3A_20] : memref<32x125x80xi32, #tpu.memory_space<hbm>> -> memref<1x125x80xi32, #tpu.memory_space<hbm>>
      %dma_wait3A_22 = tpu.memref_squeeze %dma_wait3A_21 : memref<1x125x80xi32, #tpu.memory_space<hbm>> -> memref<125x80xi32, #tpu.memory_space<hbm>>
      tpu.wait_dma2 semaphore(%run_scoped3A : memref<!tpu.dma_semaphore, #tpu.memory_space<semaphore_mem>>) src(%dma_wait3A_22 : memref<125x80xi32, #tpu.memory_space<hbm>>) dst(%arg6 : memref<125x80xi32, #tpu.memory_space<vmem>>)
      tpu.yield
    }) : () -> ()
    %scan3A = arith.constant 0 : i32
    %scan3A_3 = arith.constant 0 : i32
    %scan3A_4 = arith.constant 125 : i32
    %scan3A_5 = arith.addi %scan3A_3, %scan3A_4 : i32
    %scan3A_6 = arith.constant 1 : i32
    scf.for %scan3A_9 = %scan3A_3 to %scan3A_5 step %scan3A_6  : i32 {
      "tpu.region"() ({
        %run_scoped3A = tpu.sem_alloc : memref<!tpu.dma_semaphore, #tpu.memory_space<semaphore_mem>>
        %dma_start3A = arith.constant 0 : i32
        %dma_start3A_10 = tpu.memref_slice %arg6[%scan3A_9, %dma_start3A] : memref<125x80xi32, #tpu.memory_space<vmem>> -> memref<1x80xi32, #tpu.memory_space<vmem>>
        %dma_start3A_11 = tpu.memref_squeeze %dma_start3A_10 : memref<1x80xi32, #tpu.memory_space<vmem>> -> memref<80xi32, #tpu.memory_space<vmem>>
        %dma_start3A_12 = arith.constant 0 : i32
        %dma_start3A_13 = arith.constant 0 : i32
        %dma_start3A_14 = tpu.memref_slice %arg8[%dma_start3A_12, %dma_start3A_13] : memref<10240x16xf32, #tpu.memory_space<vmem_shared>> -> memref<10240x16xf32, #tpu.memory_space<vmem_shared>>
        tpu.enqueue_indirect_dma source(%arg7 : memref<80x16xf32, #tpu.memory_space<vmem>>) target(%dma_start3A_14 : memref<10240x16xf32, #tpu.memory_space<vmem_shared>>) offsets(%dma_start3A_11 : memref<80xi32, #tpu.memory_space<vmem>>) semaphore(%run_scoped3A : memref<!tpu.dma_semaphore, #tpu.memory_space<semaphore_mem>>) {add = true}
        %dma_wait3A = arith.constant 0 : i32
        %dma_wait3A_15 = tpu.memref_slice %arg6[%scan3A_9, %dma_wait3A] : memref<125x80xi32, #tpu.memory_space<vmem>> -> memref<1x80xi32, #tpu.memory_space<vmem>>
        %dma_wait3A_16 = tpu.memref_squeeze %dma_wait3A_15 : memref<1x80xi32, #tpu.memory_space<vmem>> -> memref<80xi32, #tpu.memory_space<vmem>>
        %dma_wait3A_17 = arith.constant 0 : i32
        %dma_wait3A_18 = arith.constant 0 : i32
        %dma_wait3A_19 = tpu.memref_slice %arg8[%dma_wait3A_17, %dma_wait3A_18] : memref<10240x16xf32, #tpu.memory_space<vmem_shared>> -> memref<10240x16xf32, #tpu.memory_space<vmem_shared>>
        tpu.wait_indirect_dma semaphore(%run_scoped3A : memref<!tpu.dma_semaphore, #tpu.memory_space<semaphore_mem>>) src(%arg7 : memref<80x16xf32, #tpu.memory_space<vmem>>) dst(%dma_wait3A_19 : memref<10240x16xf32, #tpu.memory_space<vmem_shared>>)
        tpu.yield
      }) : () -> ()
    }
    %scan3A_7 = arith.constant 125 : i32
    %barrier3A_8 = arith.constant 0 : index
    tpu.barrier barrier_id(%barrier3A_8)
    "tpu.region"() ({
      %run_scoped3A = tpu.sem_alloc : memref<!tpu.dma_semaphore, #tpu.memory_space<semaphore_mem>>
      %dma_start3A = arith.constant 0 : i32
      %dma_start3A_9 = tpu.memref_slice %arg5[%arg0, %mul3A_2, %dma_start3A] : memref<2x10240x16xf32, #tpu.memory_space<hbm>> -> memref<1x640x16xf32, #tpu.memory_space<hbm>>
      %dma_start3A_10 = tpu.memref_squeeze %dma_start3A_9 : memref<1x640x16xf32, #tpu.memory_space<hbm>> -> memref<640x16xf32, #tpu.memory_space<hbm>>
      %dma_start3A_11 = arith.constant 0 : i32
      %dma_start3A_12 = tpu.memref_slice %arg8[%mul3A_2, %dma_start3A_11] : memref<10240x16xf32, #tpu.memory_space<vmem_shared>> -> memref<640x16xf32, #tpu.memory_space<vmem_shared>>
      tpu.enqueue_dma source(%dma_start3A_12 : memref<640x16xf32, #tpu.memory_space<vmem_shared>>) target(%dma_start3A_10 : memref<640x16xf32, #tpu.memory_space<hbm>>) target_semaphore(%run_scoped3A : memref<!tpu.dma_semaphore, #tpu.memory_space<semaphore_mem>>)
      %dma_wait3A = arith.constant 0 : i32
      %dma_wait3A_13 = tpu.memref_slice %arg5[%arg0, %mul3A_2, %dma_wait3A] : memref<2x10240x16xf32, #tpu.memory_space<hbm>> -> memref<1x640x16xf32, #tpu.memory_space<hbm>>
      %dma_wait3A_14 = tpu.memref_squeeze %dma_wait3A_13 : memref<1x640x16xf32, #tpu.memory_space<hbm>> -> memref<640x16xf32, #tpu.memory_space<hbm>>
      %dma_wait3A_15 = arith.constant 0 : i32
      %dma_wait3A_16 = tpu.memref_slice %arg8[%mul3A_2, %dma_wait3A_15] : memref<10240x16xf32, #tpu.memory_space<vmem_shared>> -> memref<640x16xf32, #tpu.memory_space<vmem_shared>>
      tpu.wait_dma2 semaphore(%run_scoped3A : memref<!tpu.dma_semaphore, #tpu.memory_space<semaphore_mem>>) src(%dma_wait3A_16 : memref<640x16xf32, #tpu.memory_space<vmem_shared>>) dst(%dma_wait3A_14 : memref<640x16xf32, #tpu.memory_space<hbm>>)
      tpu.yield
    }) : () -> ()
    return
  }
}

module attributes {stable_mosaic.version = 14 : i64} {
  func.func @_dense_body(%arg0: i32, %arg1: memref<1000x128xf32, #tpu.memory_space<vmem>>, %arg2: memref<2x1000x128xf32, #tpu.memory_space<vmem>>, %arg3: memref<2x1000x16xf32, #tpu.memory_space<vmem>>, %arg4: memref<128x128xf32, #tpu.memory_space<vmem>>, %arg5: memref<128x128xf32, #tpu.memory_space<vmem>>, %arg6: memref<1x128xf32, #tpu.memory_space<vmem>>, %arg7: memref<1000x128xf32, #tpu.memory_space<vmem>>) attributes {dimension_semantics = [#tpu.dimension_semantics<arbitrary>], iteration_bounds = array<i64: 10>, scalar_prefetch = 0 : i64, scratch_operands = 0 : i64, tpu.core_type = #tpu.core_type<tc>, window_params = [{transform_indices = @transform_0, window_bounds = array<i64: 1000, 128>}, {transform_indices = @transform_1, window_bounds = array<i64: 2, 1000, 128>}, {transform_indices = @transform_2, window_bounds = array<i64: 2, 1000, 16>}, {pipeline_mode = #tpu.pipeline_mode<synchronous>, transform_indices = @transform_3, window_bounds = array<i64: 128, 128>}, {pipeline_mode = #tpu.pipeline_mode<synchronous>, transform_indices = @transform_4, window_bounds = array<i64: 128, 128>}, {pipeline_mode = #tpu.pipeline_mode<synchronous>, transform_indices = @transform_5, window_bounds = array<i64: 1, 128>}, {transform_indices = @transform_6, window_bounds = array<i64: 1000, 128>}]} {
    %get3A = arith.constant 0 : index
    %get3A_0 = arith.constant 0 : index
    %get3A_1 = vector.load %arg1[%get3A, %get3A_0] : memref<1000x128xf32, #tpu.memory_space<vmem>>, vector<1000x128xf32>
    %get3A_2 = arith.constant 0 : index
    %get3A_3 = arith.constant 0 : index
    %get3A_4 = arith.constant 0 : index
    %get3A_5 = vector.load %arg2[%get3A_2, %get3A_3, %get3A_4] : memref<2x1000x128xf32, #tpu.memory_space<vmem>>, vector<1x1000x128xf32>
    %get3A_6 = vector.shape_cast %get3A_5 : vector<1x1000x128xf32> to vector<1000x128xf32>
    %get3A_7 = arith.constant 1 : index
    %get3A_8 = arith.constant 0 : index
    %get3A_9 = arith.constant 0 : index
    %get3A_10 = vector.load %arg2[%get3A_7, %get3A_8, %get3A_9] : memref<2x1000x128xf32, #tpu.memory_space<vmem>>, vector<1x1000x128xf32>
    %get3A_11 = vector.shape_cast %get3A_10 : vector<1x1000x128xf32> to vector<1000x128xf32>
    %add3A = arith.addf %get3A_6, %get3A_11 : vector<1000x128xf32>
    %get3A_12 = arith.constant 0 : index
    %get3A_13 = arith.constant 0 : index
    %get3A_14 = arith.constant 0 : index
    %get3A_15 = vector.load %arg3[%get3A_12, %get3A_13, %get3A_14] : memref<2x1000x16xf32, #tpu.memory_space<vmem>>, vector<1x1000x16xf32>
    %get3A_16 = vector.shape_cast %get3A_15 : vector<1x1000x16xf32> to vector<1000x16xf32>
    %slice3A = vector.extract_strided_slice %get3A_16 {offsets = [0, 0], sizes = [1000, 1], strides = [1, 1]} : vector<1000x16xf32> to vector<1000x1xf32>
    %get3A_17 = arith.constant 1 : index
    %get3A_18 = arith.constant 0 : index
    %get3A_19 = arith.constant 0 : index
    %get3A_20 = vector.load %arg3[%get3A_17, %get3A_18, %get3A_19] : memref<2x1000x16xf32, #tpu.memory_space<vmem>>, vector<1x1000x16xf32>
    %get3A_21 = vector.shape_cast %get3A_20 : vector<1x1000x16xf32> to vector<1000x16xf32>
    %slice3A_22 = vector.extract_strided_slice %get3A_21 {offsets = [0, 0], sizes = [1000, 1], strides = [1, 1]} : vector<1000x16xf32> to vector<1000x1xf32>
    %add3A_23 = arith.addf %slice3A, %slice3A_22 : vector<1000x1xf32>
    %max3A = arith.constant 1.000000e+00 : f32
    %max3A_24 = vector.broadcast %max3A : f32 to vector<1000x1xf32>
    %max3A_25 = arith.maximumf %add3A_23, %max3A_24 : vector<1000x1xf32>
    %div3A = vector.broadcast %max3A_25 : vector<1000x1xf32> to vector<1000x128xf32>
    %div3A_26 = arith.divf %add3A, %div3A : vector<1000x128xf32>
    %get3A_27 = arith.constant 0 : index
    %get3A_28 = arith.constant 0 : index
    %get3A_29 = vector.load %arg4[%get3A_27, %get3A_28] : memref<128x128xf32, #tpu.memory_space<vmem>>, vector<128x128xf32>
    %dot_general3A = arith.constant dense<0.000000e+00> : vector<1000x128xf32>
    %dot_general3A_30 = tpu.matmul %get3A_1, %get3A_29, %dot_general3A {dimension_numbers = #tpu.dot_dimension_numbers<[1], [0], [0], [1], [0, 0, 1, 1], [], []>, transpose_lhs_hint = false} : vector<1000x128xf32>, vector<128x128xf32>, vector<1000x128xf32> -> vector<1000x128xf32>
    %get3A_31 = arith.constant 0 : index
    %get3A_32 = arith.constant 0 : index
    %get3A_33 = vector.load %arg5[%get3A_31, %get3A_32] : memref<128x128xf32, #tpu.memory_space<vmem>>, vector<128x128xf32>
    %dot_general3A_34 = arith.constant dense<0.000000e+00> : vector<1000x128xf32>
    %dot_general3A_35 = tpu.matmul %div3A_26, %get3A_33, %dot_general3A_34 {dimension_numbers = #tpu.dot_dimension_numbers<[1], [0], [0], [1], [0, 0, 1, 1], [], []>, transpose_lhs_hint = false} : vector<1000x128xf32>, vector<128x128xf32>, vector<1000x128xf32> -> vector<1000x128xf32>
    %add3A_36 = arith.addf %dot_general3A_30, %dot_general3A_35 : vector<1000x128xf32>
    %get3A_37 = arith.constant 0 : index
    %get3A_38 = arith.constant 0 : index
    %get3A_39 = vector.load %arg6[%get3A_37, %get3A_38] : memref<1x128xf32, #tpu.memory_space<vmem>>, vector<1x128xf32>
    %add3A_40 = vector.broadcast %get3A_39 : vector<1x128xf32> to vector<1000x128xf32>
    %add3A_41 = arith.addf %add3A_36, %add3A_40 : vector<1000x128xf32>
    %max3A_42 = arith.constant 0.000000e+00 : f32
    %max3A_43 = vector.broadcast %max3A_42 : f32 to vector<1000x128xf32>
    %max3A_44 = arith.maximumf %add3A_41, %max3A_43 : vector<1000x128xf32>
    %mul3A = arith.mulf %max3A_44, %max3A_44 : vector<1000x128xf32>
    %reduce_sum3A = arith.constant dense<0.000000e+00> : vector<1000xf32>
    %reduce_sum3A_45 = vector.multi_reduction <add>, %mul3A, %reduce_sum3A [1] : vector<1000x128xf32> to vector<1000xf32>
    %broadcast_in_dim3A = vector.shape_cast %reduce_sum3A_45 : vector<1000xf32> to vector<1000x1xf32>
    %sqrt3A = math.sqrt %broadcast_in_dim3A : vector<1000x1xf32>
    %max3A_46 = arith.constant 9.99999996E-13 : f32
    %max3A_47 = vector.broadcast %max3A_46 : f32 to vector<1000x1xf32>
    %max3A_48 = arith.maximumf %sqrt3A, %max3A_47 : vector<1000x1xf32>
    %div3A_49 = vector.broadcast %max3A_48 : vector<1000x1xf32> to vector<1000x128xf32>
    %div3A_50 = arith.divf %max3A_44, %div3A_49 : vector<1000x128xf32>
    %swap3A = arith.constant 0 : index
    %swap3A_51 = arith.constant 0 : index
    %swap3A_52 = vector.load %arg7[%swap3A, %swap3A_51] : memref<1000x128xf32, #tpu.memory_space<vmem>>, vector<1000x128xf32>
    tpu.vector_store %arg7[%swap3A, %swap3A_51], %div3A_50 {strides = array<i32>} : memref<1000x128xf32, #tpu.memory_space<vmem>>, vector<1000x128xf32>,
    return
  }
  func.func @transform_0(%arg0: i32) -> (i32, i32) {
    %c0_i32 = arith.constant 0 : i32
    %c0_i32_0 = arith.constant 0 : i32
    return %arg0, %c0_i32 : i32, i32
  }
  func.func @transform_1(%arg0: i32) -> (i32, i32, i32) {
    %c0_i32 = arith.constant 0 : i32
    %c0_i32_0 = arith.constant 0 : i32
    %c0_i32_1 = arith.constant 0 : i32
    return %c0_i32, %arg0, %c0_i32_0 : i32, i32, i32
  }
  func.func @transform_2(%arg0: i32) -> (i32, i32, i32) {
    %c0_i32 = arith.constant 0 : i32
    %c0_i32_0 = arith.constant 0 : i32
    %c0_i32_1 = arith.constant 0 : i32
    return %c0_i32, %arg0, %c0_i32_0 : i32, i32, i32
  }
  func.func @transform_3(%arg0: i32) -> (i32, i32) {
    %c0_i32 = arith.constant 0 : i32
    %c0_i32_0 = arith.constant 0 : i32
    %c0_i32_1 = arith.constant 0 : i32
    return %c0_i32, %c0_i32_0 : i32, i32
  }
  func.func @transform_4(%arg0: i32) -> (i32, i32) {
    %c0_i32 = arith.constant 0 : i32
    %c0_i32_0 = arith.constant 0 : i32
    %c0_i32_1 = arith.constant 0 : i32
    return %c0_i32, %c0_i32_0 : i32, i32
  }
  func.func @transform_5(%arg0: i32) -> (i32, i32) {
    %c0_i32 = arith.constant 0 : i32
    %c0_i32_0 = arith.constant 0 : i32
    %c0_i32_1 = arith.constant 0 : i32
    return %c0_i32, %c0_i32_0 : i32, i32
  }
  func.func @transform_6(%arg0: i32) -> (i32, i32) {
    %c0_i32 = arith.constant 0 : i32
    %c0_i32_0 = arith.constant 0 : i32
    return %arg0, %c0_i32 : i32, i32
  }
}

module attributes {stable_mosaic.version = 14 : i64} {
  func.func @_dense_body(%arg0: i32, %arg1: memref<1000x128xf32, #tpu.memory_space<vmem>>, %arg2: memref<2x1000x128xf32, #tpu.memory_space<vmem>>, %arg3: memref<2x1000x16xf32, #tpu.memory_space<vmem>>, %arg4: memref<128x128xf32, #tpu.memory_space<vmem>>, %arg5: memref<128x128xf32, #tpu.memory_space<vmem>>, %arg6: memref<1x128xf32, #tpu.memory_space<vmem>>, %arg7: memref<1000x128xf32, #tpu.memory_space<vmem>>) attributes {dimension_semantics = [#tpu.dimension_semantics<arbitrary>], iteration_bounds = array<i64: 10>, scalar_prefetch = 0 : i64, scratch_operands = 0 : i64, tpu.core_type = #tpu.core_type<tc>, window_params = [{transform_indices = @transform_0, window_bounds = array<i64: 1000, 128>}, {transform_indices = @transform_1, window_bounds = array<i64: 2, 1000, 128>}, {transform_indices = @transform_2, window_bounds = array<i64: 2, 1000, 16>}, {pipeline_mode = #tpu.pipeline_mode<synchronous>, transform_indices = @transform_3, window_bounds = array<i64: 128, 128>}, {pipeline_mode = #tpu.pipeline_mode<synchronous>, transform_indices = @transform_4, window_bounds = array<i64: 128, 128>}, {pipeline_mode = #tpu.pipeline_mode<synchronous>, transform_indices = @transform_5, window_bounds = array<i64: 1, 128>}, {transform_indices = @transform_6, window_bounds = array<i64: 1000, 128>}]} {
    %get3A = arith.constant 0 : index
    %get3A_0 = arith.constant 0 : index
    %get3A_1 = vector.load %arg1[%get3A, %get3A_0] : memref<1000x128xf32, #tpu.memory_space<vmem>>, vector<1000x128xf32>
    %get3A_2 = arith.constant 0 : index
    %get3A_3 = arith.constant 0 : index
    %get3A_4 = arith.constant 0 : index
    %get3A_5 = vector.load %arg2[%get3A_2, %get3A_3, %get3A_4] : memref<2x1000x128xf32, #tpu.memory_space<vmem>>, vector<1x1000x128xf32>
    %get3A_6 = vector.shape_cast %get3A_5 : vector<1x1000x128xf32> to vector<1000x128xf32>
    %get3A_7 = arith.constant 1 : index
    %get3A_8 = arith.constant 0 : index
    %get3A_9 = arith.constant 0 : index
    %get3A_10 = vector.load %arg2[%get3A_7, %get3A_8, %get3A_9] : memref<2x1000x128xf32, #tpu.memory_space<vmem>>, vector<1x1000x128xf32>
    %get3A_11 = vector.shape_cast %get3A_10 : vector<1x1000x128xf32> to vector<1000x128xf32>
    %add3A = arith.addf %get3A_6, %get3A_11 : vector<1000x128xf32>
    %get3A_12 = arith.constant 0 : index
    %get3A_13 = arith.constant 0 : index
    %get3A_14 = arith.constant 0 : index
    %get3A_15 = vector.load %arg3[%get3A_12, %get3A_13, %get3A_14] : memref<2x1000x16xf32, #tpu.memory_space<vmem>>, vector<1x1000x16xf32>
    %get3A_16 = vector.shape_cast %get3A_15 : vector<1x1000x16xf32> to vector<1000x16xf32>
    %slice3A = vector.extract_strided_slice %get3A_16 {offsets = [0, 0], sizes = [1000, 1], strides = [1, 1]} : vector<1000x16xf32> to vector<1000x1xf32>
    %get3A_17 = arith.constant 1 : index
    %get3A_18 = arith.constant 0 : index
    %get3A_19 = arith.constant 0 : index
    %get3A_20 = vector.load %arg3[%get3A_17, %get3A_18, %get3A_19] : memref<2x1000x16xf32, #tpu.memory_space<vmem>>, vector<1x1000x16xf32>
    %get3A_21 = vector.shape_cast %get3A_20 : vector<1x1000x16xf32> to vector<1000x16xf32>
    %slice3A_22 = vector.extract_strided_slice %get3A_21 {offsets = [0, 0], sizes = [1000, 1], strides = [1, 1]} : vector<1000x16xf32> to vector<1000x1xf32>
    %add3A_23 = arith.addf %slice3A, %slice3A_22 : vector<1000x1xf32>
    %max3A = arith.constant 1.000000e+00 : f32
    %max3A_24 = vector.broadcast %max3A : f32 to vector<1000x1xf32>
    %max3A_25 = arith.maximumf %add3A_23, %max3A_24 : vector<1000x1xf32>
    %div3A = vector.broadcast %max3A_25 : vector<1000x1xf32> to vector<1000x128xf32>
    %div3A_26 = arith.divf %add3A, %div3A : vector<1000x128xf32>
    %get3A_27 = arith.constant 0 : index
    %get3A_28 = arith.constant 0 : index
    %get3A_29 = vector.load %arg4[%get3A_27, %get3A_28] : memref<128x128xf32, #tpu.memory_space<vmem>>, vector<128x128xf32>
    %dot_general3A = arith.constant dense<0.000000e+00> : vector<1000x128xf32>
    %dot_general3A_30 = tpu.matmul %get3A_1, %get3A_29, %dot_general3A {dimension_numbers = #tpu.dot_dimension_numbers<[1], [0], [0], [1], [0, 0, 1, 1], [], []>, transpose_lhs_hint = false} : vector<1000x128xf32>, vector<128x128xf32>, vector<1000x128xf32> -> vector<1000x128xf32>
    %get3A_31 = arith.constant 0 : index
    %get3A_32 = arith.constant 0 : index
    %get3A_33 = vector.load %arg5[%get3A_31, %get3A_32] : memref<128x128xf32, #tpu.memory_space<vmem>>, vector<128x128xf32>
    %dot_general3A_34 = arith.constant dense<0.000000e+00> : vector<1000x128xf32>
    %dot_general3A_35 = tpu.matmul %div3A_26, %get3A_33, %dot_general3A_34 {dimension_numbers = #tpu.dot_dimension_numbers<[1], [0], [0], [1], [0, 0, 1, 1], [], []>, transpose_lhs_hint = false} : vector<1000x128xf32>, vector<128x128xf32>, vector<1000x128xf32> -> vector<1000x128xf32>
    %add3A_36 = arith.addf %dot_general3A_30, %dot_general3A_35 : vector<1000x128xf32>
    %get3A_37 = arith.constant 0 : index
    %get3A_38 = arith.constant 0 : index
    %get3A_39 = vector.load %arg6[%get3A_37, %get3A_38] : memref<1x128xf32, #tpu.memory_space<vmem>>, vector<1x128xf32>
    %add3A_40 = vector.broadcast %get3A_39 : vector<1x128xf32> to vector<1000x128xf32>
    %add3A_41 = arith.addf %add3A_36, %add3A_40 : vector<1000x128xf32>
    %swap3A = arith.constant 0 : index
    %swap3A_42 = arith.constant 0 : index
    %swap3A_43 = vector.load %arg7[%swap3A, %swap3A_42] : memref<1000x128xf32, #tpu.memory_space<vmem>>, vector<1000x128xf32>
    tpu.vector_store %arg7[%swap3A, %swap3A_42], %add3A_41 {strides = array<i32>} : memref<1000x128xf32, #tpu.memory_space<vmem>>, vector<1000x128xf32>,
    return
  }
  func.func @transform_0(%arg0: i32) -> (i32, i32) {
    %c0_i32 = arith.constant 0 : i32
    %c0_i32_0 = arith.constant 0 : i32
    return %arg0, %c0_i32 : i32, i32
  }
  func.func @transform_1(%arg0: i32) -> (i32, i32, i32) {
    %c0_i32 = arith.constant 0 : i32
    %c0_i32_0 = arith.constant 0 : i32
    %c0_i32_1 = arith.constant 0 : i32
    return %c0_i32, %arg0, %c0_i32_0 : i32, i32, i32
  }
  func.func @transform_2(%arg0: i32) -> (i32, i32, i32) {
    %c0_i32 = arith.constant 0 : i32
    %c0_i32_0 = arith.constant 0 : i32
    %c0_i32_1 = arith.constant 0 : i32
    return %c0_i32, %arg0, %c0_i32_0 : i32, i32, i32
  }
  func.func @transform_3(%arg0: i32) -> (i32, i32) {
    %c0_i32 = arith.constant 0 : i32
    %c0_i32_0 = arith.constant 0 : i32
    %c0_i32_1 = arith.constant 0 : i32
    return %c0_i32, %c0_i32_0 : i32, i32
  }
  func.func @transform_4(%arg0: i32) -> (i32, i32) {
    %c0_i32 = arith.constant 0 : i32
    %c0_i32_0 = arith.constant 0 : i32
    %c0_i32_1 = arith.constant 0 : i32
    return %c0_i32, %c0_i32_0 : i32, i32
  }
  func.func @transform_5(%arg0: i32) -> (i32, i32) {
    %c0_i32 = arith.constant 0 : i32
    %c0_i32_0 = arith.constant 0 : i32
    %c0_i32_1 = arith.constant 0 : i32
    return %c0_i32, %c0_i32_0 : i32, i32
  }
  func.func @transform_6(%arg0: i32) -> (i32, i32) {
    %c0_i32 = arith.constant 0 : i32
    %c0_i32_0 = arith.constant 0 : i32
    return %arg0, %c0_i32 : i32, i32
  }
}

</mosaic_0001>

<sc_bundles>
// kernel: kernel.12.cloned.1.call-start
scs
__scs_entry_jumppad:
0x0: {  	(pc) =	sbr.rel $0x88, $3  }
0x1: {  	(tag) =	ssettag $0x0;
	lr =	simm.s32 $0x1  }
0x2: {  	[smem:$0x3F96] =	sst lr;
	_ =	strace $0xD0000000  }
0x3: {  	_ = 	snop  }
0x4: {  	_ = 	snop  }
0x5: {  	_ = 	snop  }
0x6: {  	_ = 	snop  }
0x7: {  	_ = 	snop  }
__scs_overlays_trampoline_lowered:
0x8: {  	[smem:$0x3FA5] =	sst s0  }
0x9: {  	[smem:$0x3FA6] =	sst s1  }
0xa: {  	[smem:$0x3FA7] =	sst s2  }
0xb: {  	[smem:$0x3FA8] =	sst s3  }
0xc: {  	[smem:$0x3FA9] =	sst s4  }
0xd: {  	[smem:$0x3FAA] =	sst s5  }
0xe: {  	[smem:$0x3FAB] =	sst s6  }
0xf: {  	[smem:$0x3FAC] =	sst s7  }
0x10: {  	[smem:$0x3FAD] =	sst s8  }
0x11: {  	[smem:$0x3FAE] =	sst s9;
	s0 =	simm.s32 @!p0 $0x0  }
0x12: {  	s1 =	sld [smem:$0x3F94];
	s0 =	simm.s32 @p0 $0x1  }
0x13: {  	[smem:$0x3FAF] =	sst s0;
	s0 =	simm.s32 @!p1 $0x0  }
0x14: {  	s2 =	sld [smem:$0x3F93];
	s0 =	simm.s32 @p1 $0x1  }
0x15: {  	[smem:$0x3FB0] =	sst s0;
	s0 =	simm.s32 @!p2 $0x0  }
0x16: {  	s3 =	sld [smem:$0x3FDB];
	s0 =	simm.s32 @p2 $0x1  }
0x17: {  	s4 =	simm.s32 $0x1BF5;
	[smem:$0x3FB2] =	sst s0  }
0x18: {  	s0 =	sld [smem:$0x3F95];
	_ =	swait.ge [sflag:s4], $0x0  }
0x19: {  	s7 =	sld [smem:$0x3F96]  }
0x1a: {  	s8 =	sadd.s32 $0xFFFFE003, lr  }
0x1b: {  	s9 =	sadd.s32 $0xFFFFFEF7, lr;
	s5 =	simm.s32 $0xFFFFFFFF;
	p2 =	slt.u32 s8, $0xFFFFF086  }
0x1c: {  	p1 =	slt.u32 s9, $0xF7A;
	s5 =	simm.s32 @!p2 $0x0  }
0x1d: {  	s5 =	simm.s32 @p1 $0x1;
	p0 =	seq.s32 s7, s2  }
0x1e: {  	s7 =	smul.u32 @!p0 $0xF7A, s2;
	p2 =	seq.s32 @!p0 s5, $0x0  }
0x1f: {  	s9 =	smul.u32 $0xF7A, s1;
	s8 =	simm.s32 @!p0 $0x1BF5;
	p2 =	por !p2, p0  }
0x20: {  	[sflag:s8] =	ssyncset.s32 @!p0 $0xFFFFF086;
	s6 =	sadd.s32 @!p0 s3, s7;
	s7 =	simm.s32 @!p0 $0x108  }
0x21: {  	s3 =	sadd.s32 s3, s9;
	s6 =	sadd.s32 @!p0 $0x88, s6;
	s7 =	simm.s32 @p2 $0x1082  }
0x22: {  	[simem:s7], [sflag:s8] =	dma.local @!p0 [hbm:s6], $0xF7A  }
0x23: {  	s9 =	sor.u32 $0xD0000000, s2;
	s6 =	simm.s32 $0x108;
	_ =	swait.ge @!p0 [sflag:s8], $0x0  }
0x24: {  	s3 =	sadd.s32 $0x88, s3;
	s6 =	simm.s32 @!p1 $0x1082;
	[sflag:s4] =	ssyncset.s32 $0xFFFFF086  }
0x25: {  	[simem:s6], [sflag:s4] =	dma.local [hbm:s3], $0xF7A  }
0x26: {  	[smem:$0x3F96] =	sst s1;
	(tag) =	ssettag s2;
	_ =	strace s9  }
0x27: {  	s1 =	sld [smem:$0x3FA6]  }
0x28: {  	s2 =	sld [smem:$0x3FA7]  }
0x29: {  	s4 =	sld [smem:$0x3FA9]  }
0x2a: {  	p0 =	seq.s32 s5, $0x0;
	s5 =	sld [smem:$0x3FAA]  }
0x2b: {  	s6 =	sld [smem:$0x3FAB]  }
0x2c: {  	s7 =	sld [smem:$0x3FAC]  }
0x2d: {  	s3 =	simm.s32 $0x108;
	s8 =	sld [smem:$0x3FAD]  }
0x2e: {  	s3 =	simm.s32 @!p0 $0x1082;
	s9 =	sld [smem:$0x3FAE]  }
0x2f: {  	lr =	sadd.s32 s0, s3;
	s0 =	sld [smem:$0x3FA5]  }
0x30: {  	s3 =	sld [smem:$0x3FA8]  }
0x31: {  	[smem:$0x3FB1] =	sst s10  }
0x32: {  	s10 =	sld [smem:$0x3FAF];
	_ =	sdelay $0x3  }
0x33: {  	p0 =	seq.s32 s10, $0x1;
	s10 =	sld [smem:$0x3FB1];
	_ =	sdelay $0x3  }
0x34: {  	[smem:$0x3FB1] =	sst s10  }
0x35: {  	s10 =	sld [smem:$0x3FB0];
	_ =	sdelay $0x3  }
0x36: {  	p1 =	seq.s32 s10, $0x1;
	s10 =	sld [smem:$0x3FB1];
	_ =	sdelay $0x3  }
0x37: {  	[smem:$0x3FB1] =	sst s10  }
0x38: {  	s10 =	sld [smem:$0x3FB2]  }
0x39: {  	_ = 	snop;
	(pc) =	sbr.ind lr, $3  }
0x3a: {  	_ = 	snop  }
0x3b: {  	_ = 	snop  }
0x3c: {  	p2 =	seq.s32 s10, $0x1;
	s10 =	sld [smem:$0x3FB1]  }
0x3d: {  	_ =	shalt  }
0x3e: {  	_ =	shalt  }
0x3f: {  	_ =	shalt  }
0x40: {  	_ =	shalt  }
0x41: {  	_ =	shalt  }
0x42: {  	_ =	shalt  }
0x43: {  	_ =	shalt  }
0x44: {  	_ =	shalt  }
0x45: {  	_ =	shalt  }
0x46: {  	_ =	shalt  }
0x47: {  	_ =	shalt  }
0x48: {  	_ =	shalt  }
0x49: {  	_ =	shalt  }
0x4a: {  	_ =	shalt  }
0x4b: {  	_ =	shalt  }
0x4c: {  	_ =	shalt  }
0x4d: {  	_ =	shalt  }
0x4e: {  	_ =	shalt  }
0x4f: {  	_ =	shalt  }
0x50: {  	_ =	shalt  }
0x51: {  	_ =	shalt  }
0x52: {  	_ =	shalt  }
0x53: {  	_ =	shalt  }
0x54: {  	_ =	shalt  }
0x55: {  	_ =	shalt  }
0x56: {  	_ =	shalt  }
0x57: {  	_ =	shalt  }
0x58: {  	_ =	shalt  }
0x59: {  	_ =	shalt  }
0x5a: {  	_ =	shalt  }
0x5b: {  	_ =	shalt  }
0x5c: {  	_ =	shalt  }
0x5d: {  	_ =	shalt  }
0x5e: {  	_ =	shalt  }
0x5f: {  	_ =	shalt  }
0x60: {  	_ =	shalt  }
0x61: {  	_ =	shalt  }
0x62: {  	_ =	shalt  }
0x63: {  	_ =	shalt  }
0x64: {  	_ =	shalt  }
0x65: {  	_ =	shalt  }
0x66: {  	_ =	shalt  }
0x67: {  	_ =	shalt  }
0x68: {  	_ =	shalt  }
0x69: {  	_ =	shalt  }
0x6a: {  	_ =	shalt  }
0x6b: {  	_ =	shalt  }
0x6c: {  	_ =	shalt  }
0x6d: {  	_ =	shalt  }
0x6e: {  	_ =	shalt  }
0x6f: {  	_ =	shalt  }
0x70: {  	_ =	shalt  }
0x71: {  	_ =	shalt  }
0x72: {  	_ =	shalt  }
0x73: {  	_ =	shalt  }
0x74: {  	_ =	shalt  }
0x75: {  	_ =	shalt  }
0x76: {  	_ =	shalt  }
0x77: {  	_ =	shalt  }
0x78: {  	_ =	shalt  }
0x79: {  	_ =	shalt  }
0x7a: {  	_ =	shalt  }
0x7b: {  	_ =	shalt  }
0x7c: {  	_ =	shalt  }
0x7d: {  	_ =	shalt  }
0x7e: {  	_ =	shalt  }
0x7f: {  	_ =	shalt  }
0x80: {  	_ =	shalt  }
0x81: {  	_ =	shalt  }
0x82: {  	_ =	shalt  }
0x83: {  	_ =	shalt  }
0x84: {  	_ =	shalt  }
0x85: {  	_ =	shalt  }
0x86: {  	_ =	shalt  }
0x87: {  	_ =	shalt  }
.Lfunc_end0:
.L_simem_size_0:
called_computation.1_lowered:
.L_overlay_start_0:
0x88: {  	s2 =	sld [smem:$0x3FD9]  }
0x89: {  	s3 =	sld [smem:$0x3FFE];
	_ =	sdelay $0x1  }
0x8a: {  	s1 =	srdreg.scid  }
0x8b: {  	s0 =	sand.u32 $0x1, s1  }
0x8c: {  	s17 =	sshll.u32 s0, $0xA;
	s2 =	sadd.s32 s3, s2  }
0x8d: {  	s2 =	sadd.s32 s2, s17  }
0x8e: {  	[smem:$0x3FBD] =	sst s2  }
0x8f: {  	_ = 	snop  }
0x90: {  	s18 =	sld [smem:$0x3FC9];
	(tm) =	ssettm $0x1  }
0x91: {  	s19 =	sld [smem:$0x3FFB];
	_ =	sdelay $0x3  }
0x92: {  	_ =	strace s19  }
0x93: {  	s2 =	sld [smem:$0x3FFC];
	_ =	sdelay $0x3  }
0x94: {  	_ =	strace s2  }
0x95: {  	s2 =	sld [smem:$0x3FFD];
	_ =	sdelay $0x3  }
0x96: {  	_ =	strace s2  }
0x97: {  	_ =	strace $0x8FFFFFFF  }
0x98: {  	s20 =	sld [smem:$0x3FDB];
	_ =	sdelay $0x1  }
0x99: {  	s4 =	simm.s32 $_scs_section_size  }
0x9a: {  	s5 =	simm.s32 $_size__tile_overlayer_lowered;
	s6 =	simm.s32 $_tile_overlayer_lowered  }
0x9b: {  	s7 =	simm.s32 $0x1BFF;
	s21 =	sshll.u32 s6, $0x1;
	s4 =	sadd.s32 s4, s20  }
0x9c: {  	s22 =	simm.s32 $0x0;
	s5 =	sshll.u32 s5, $0x1;
	s6 =	sadd.s32 s21, s4  }
0x9d: {  	[timem:s22], [sflag:s7] =	dma.local [hbm:s6], s5  }
0x9e: {  	_ =	swait.ge [sflag:s7], s5  }
0x9f: {  	s5 =	ssub.s32 $0x0, s5;
	[sflag:s7] =	ssyncset.done $0x0  }
0xa0: {  	[sflag:s7] =	ssyncadd.s32 s5;
	_ =	sdelay $0x1  }
0xa1: {  	s23 =	simm.s32 $0x1B8B  }
0xa2: {  	_ =	swait.ge [sflag:s23], $0x1  }
0xa3: {  	[sflag:s23] =	ssyncset.done $0x0  }
0xa4: {  	[sflag:s23] =	ssyncadd.s32 $0xFFFFFFFF  }
0xa5: {  	s5 =	sld [smem:$0x0]  }
0xa6: {  	s6 =	sand.u32 $0xFFFFFFFE, s1  }
0xa7: {  	p0 =	sne.s32 s1, s6  }
0xa8: {  	s6 =	sshll.u32 @p0 s6, $0xE  }
0xa9: {  	s6 =	sadd.s32 @p0 $0x11B8D, s6;
	s7 =	sshll.u32 @p0 s5, $0x11  }
0xaa: {  	s6 =	sor.u32 @p0 s7, s6  }
0xab: {  	[sflag:s6] =	ssyncadd.remote.s32 @p0 $0x1;
	_ =	sdelay $0x1  }
0xac: {  	s6 =	simm.s32 @p0 $0x1B8D  }
0xad: {  	_ =	swait.eq @p0 [sflag:s6], $0x1  }
0xae: {  	[sflag:s6] =	ssyncadd.s32 @p0 $0xFFFFFFFF  }
0xaf: {  	s7 =	sshll.u32 @!p0 s1, $0xE  }
0xb0: {  	s7 =	sor.u32 @!p0 $0x4000, s7;
	s6 =	simm.s32 @!p0 $0x1B8D  }
0xb1: {  	s5 =	sshll.u32 @!p0 s5, $0x11;
	s7 =	sadd.s32 @!p0 $0x11B8D, s7;
	_ =	swait.eq @!p0 [sflag:s6], $0x1  }
0xb2: {  	s5 =	sor.u32 @!p0 s5, s7;
	[sflag:s6] =	ssyncadd.s32 @!p0 $0xFFFFFFFF  }
0xb3: {  	s25 =	simm.s32 $0x1B8E;
	s24 =	sld [smem:$0x3FFE];
	[sflag:s5] =	ssyncadd.remote.s32 @!p0 $0x1  }
0xb4: {  	s26 =	simm.s32 $execute0_lowered;
	[smem:$0x3FD2] =	sst s25  }
0xb5: {  	s6 =	sshll.u32 s26, $0x1;
	_ =	strace $0x80000049;
	[dreg:$0x1] =	wrdreg $0xFFFFFFFF  }
0xb6: {  	s28 =	simm.s32 $_size_execute0_lowered;
	s4 =	sadd.s32 s4, s6;
	[dreg:$0x0] =	wrdreg $0x0  }
0xb7: {  	s6 =	sshll.u32 s28, $0x1;
	[dreg:$0x2] =	wrdreg s4  }
0xb8: {  	[dreg:$0x3] =	wrdreg s6  }
0xb9: {  	[dreg:$0x4] =	wrdreg $0xC0  }
0xba: {  	_ =	task [dreg:s22], $0x5FFFF  }
0xbb: {  	[dreg:$0x1] =	wrdreg $0xFFFFFFFF  }
0xbc: {  	[dreg:$0x0] =	wrdreg $0x60  }
0xbd: {  	[dreg:$0x2] =	wrdreg s18  }
0xbe: {  	[dreg:$0x3] =	wrdreg s24  }
0xbf: {  	[dreg:$0x4] =	wrdreg $0x76200  }
0xc0: {  	[dreg:$0x5] =	wrdreg $0xA  }
0xc1: {  	_ =	task.clear_ibuf [dreg:s22], $0x6FFFF;
	_ =	strace $0x90000049  }
0xc2: {  	s29 =	simm.s32 $0xA;
	_ =	strace $0x8000004B  }
0xc3: {  	_ =	swait.ge [sflag:s29], $0x1  }
0xc4: {  	[sflag:s29] =	ssyncadd.s32 $0xFFFFFFFF  }
0xc5: {  	_ =	strace $0x9000004B  }
0xc6: {  	_ =	sfence  }
0xc7: {  	s30 =	sld [smem:$0x0];
	_ =	sdelay $0x2  }
0xc8: {  	s31 =	sshll.u32 s1, $0xD;
	s1 =	sshrl.u32 s1, $0x2  }
0xc9: {  	s4 =	sand.u32 $0x4000, s31;
	s1 =	sadd.s32 s1, s30  }
0xca: {  	s0 =	sor.u32 s4, s0;
	s1 =	sshll.u32 s1, $0x11  }
0xcb: {  	s0 =	sor.u32 s1, s0  }
0xcc: {  	s0 =	sadd.s32 $0x8F2B, s0  }
0xcd: {  	[sflag:s0] =	ssyncadd.remote.s32 $0x1  }
0xce: {  	_ =	sfence.sel $0xFFFF  }
0xcf: {  	[dreg:$0x0] =	wrdreg $0xFFFFFFFF;
	(pc) =	sbr.abs _section_cstart, $3  }
0xd0: {  	[dreg:$0x1] =	wrdreg $0xFFFFFFFF  }
0xd1: {  	_ =	task.clear_ibuf [dreg:s22], $0x2FFFF;
	_ =	strace $0x9FFFFFFF  }
0xd2: {  	(tm) =	ssettm $0x7FFFFFFF  }
0xd3: {  	_ =	shalt  }
tec
execute0_lowered:
.L_overlay_start_1:
0x0: {  	(tag) =	ssettag $0x1  }
0x1: {  	s1 =	rddreg [dreg:$0x0]  }
0x2: {  	s0 =	srdreg.scid;
	s6 =	rddreg [dreg:$0x1]  }
0x3: {  	s9 =	stileid.u32;
	s3 =	rddreg [dreg:$0x2];
	s4 =	simm.s32 $0x0  }
0x4: {  	s20 =	simm.s32 $0x3;
	s22 =	simm.s32 $0x28;
	s23 =	simm.s32 $0x4E20  }
0x5: {  	s24 =	simm.s32 $0x6220;
	s29 =	simm.s32 $0x1CA20;
	s30 =	simm.s32 $0x1DE20  }
0x6: {  	s31 =	simm.s32 $0x1;
	s28 =	simm.s32 $0x0;
	s0 =	sand.u32 $0x1, s0  }
0x7: {  	s8 =	smul.u32 $0x14000, s9;
	[smem:$0x7FF] =	sst s4;
	s25 =	sadd.s32 $0x18000, s6  }
0x8: {  	s2 =	sshll.u32 s0, $0x4;
	s5 =	smul.u32 $0x140000, s0;
	_ =	strace $0x8000004A  }
0x9: {  	s0 =	ssub.s32 $0x2, s0;
	[dreg:$0x4] =	wrdreg s25;
	s25 =	simm.s32 $0x50  }
0xa: {  	s2 =	sor.u32 s9, s2;
	s9 =	smul.u32 $0x50000, s9;
	s10 =	sshrl.u32 s0, $0x1  }
0xb: {  	s2 =	smul.u32 $0x4E2, s2;
	s7 =	sadd.s32 s8, s5;
	s0 =	ssub.s32 s0, s10  }
0xc: {  	s8 =	sadd.s32 s8, s3;
	s7 =	sshrl.u32 s7, $0x3;
	s9 =	sshrl.u32 s9, $0x2  }
0xd: {  	s19 =	smax.u32 s0, $0x1;
	s2 =	sadd.s32 s2, s6;
	s18 =	sadd.s32 s7, s6  }
0xe: {  	s26 =	sadd.s32 s9, s3;
	s6 =	sadd.s32 $0xDA00, s2;
	s7 =	sadd.s32 $0x3C00, s2  }
0xf: {  	s9 =	sadd.s32 $0x2000, s26;
	s10 =	sadd.s32 $0x4000, s26;
	s11 =	sadd.s32 $0x6000, s26  }
0x10: {  	s12 =	sadd.s32 $0x8000, s26;
	s13 =	sadd.s32 $0xA000, s26;
	s14 =	sadd.s32 $0xC000, s26  }
0x11: {  	s15 =	sadd.s32 $0xE000, s26;
	s16 =	sadd.s32 $0x10000, s26;
	s17 =	sadd.s32 $0x12000, s26  }
0x12: {  	s18 =	sadd.s32 $0x18400, s18;
	s26 =	simm.s32 $0x1B620;
	s2 =	simm.s32 $0x2  }
.LBB2_1:
0x13: {  	[tilespmem:s4], [sflag:$0x3] =	stream.linear.gather [hbm4b:s6+s4], $0x2710, $0x38;
	[tilespmem:$0x1FE20] =	vst v63  }
0x14: {  	_ =	swait.ge [sflag:s20], $0x2710  }
0x15: {  	[sflag:s20] =	ssyncset.done $0x0  }
0x16: {  	s0 =	simm.s32 $0x2710;
	[sflag:s20] =	ssyncadd.s32 $0xFFFFD8F0  }
0x17: {  	[tilespmem:s0], [sflag:$0x3] =	stream.linear.gather [hbm4b:s7+s4], $0x2710, $0x38;
	[tilespmem:$0x1FE20] =	vst v63  }
0x18: {  	_ =	swait.ge [sflag:s20], $0x2710  }
0x19: {  	[sflag:s20] =	ssyncset.done $0x0  }
0x1a: {  	[sflag:s20] =	ssyncadd.s32 $0xFFFFD8F0  }
0x1b: {  	[tilespmem:s23], [sflag:$0x1] =	stream.indirect.gather [hbm4b:s1+s22], $0x80, s4, s22, $0xb8;
	[tilespmem:$0x1FE20] =	vst v63  }
0x1c: {  	_ = 	snop  }
0x1d: {  	[tilespmem:s24], [sflag:$0x1] =	stream.indirect.gather [hbm4b:s1+s22], $0x80, s22, s22, $0xb8;
	[tilespmem:$0x1FE20] =	vst v63  }
0x1e: {  	_ = 	snop  }
0x1f: {  	[tilespmem:s26], [sflag:$0x2] =	stream.indirect.gather [hbm4b:s1+s22], $0x80, s25, s22, $0xb8;
	[tilespmem:$0x1FE20] =	vst v63  }
0x20: {  	s21 =	simm.s32 $0x78  }
0x21: {  	[tilespmem:s29], [sflag:$0x2] =	stream.indirect.gather [hbm4b:s1+s22], $0x80, s21, s22, $0xb8;
	[tilespmem:$0x1FE20] =	vst v63  }
0x22: {  	s5 =	rddreg [dreg:$0x4]  }
0x23: {  	[tilespmem:s30], [sflag:$0x3] =	stream.linear.gather [hbm4b:s5+s4], $0x2000, $0x38;
	[tilespmem:$0x1FE20] =	vst v63  }
0x24: {  	_ =	swait.ge [sflag:s20], $0x2000  }
0x25: {  	[sflag:s20] =	ssyncset.done $0x0  }
0x26: {  	[sflag:s20] =	ssyncadd.s32 $0xFFFFE000  }
0x27: {  	[spmem:s8] =	stream.linear.scatter [tilespmem:s30], [sflag:$0x3], $0x2000, $0x38;
	[tilespmem:$0x1FE20] =	vst v63  }
0x28: {  	_ =	swait.ge [sflag:s20], $0x2000  }
0x29: {  	[sflag:s20] =	ssyncset.done $0x0  }
0x2a: {  	[sflag:s20] =	ssyncadd.s32 $0xFFFFE000  }
0x2b: {  	[spmem:s9] =	stream.linear.scatter [tilespmem:s30], [sflag:$0x3], $0x2000, $0x38;
	[tilespmem:$0x1FE20] =	vst v63  }
0x2c: {  	_ =	swait.ge [sflag:s20], $0x2000  }
0x2d: {  	[sflag:s20] =	ssyncset.done $0x0  }
0x2e: {  	[sflag:s20] =	ssyncadd.s32 $0xFFFFE000  }
0x2f: {  	[spmem:s10] =	stream.linear.scatter [tilespmem:s30], [sflag:$0x3], $0x2000, $0x38;
	[tilespmem:$0x1FE20] =	vst v63  }
0x30: {  	_ =	swait.ge [sflag:s20], $0x2000  }
0x31: {  	[sflag:s20] =	ssyncset.done $0x0  }
0x32: {  	[sflag:s20] =	ssyncadd.s32 $0xFFFFE000  }
0x33: {  	[spmem:s11] =	stream.linear.scatter [tilespmem:s30], [sflag:$0x3], $0x2000, $0x38;
	[tilespmem:$0x1FE20] =	vst v63  }
0x34: {  	_ =	swait.ge [sflag:s20], $0x2000  }
0x35: {  	[sflag:s20] =	ssyncset.done $0x0  }
0x36: {  	[sflag:s20] =	ssyncadd.s32 $0xFFFFE000  }
0x37: {  	[spmem:s12] =	stream.linear.scatter [tilespmem:s30], [sflag:$0x3], $0x2000, $0x38;
	[tilespmem:$0x1FE20] =	vst v63  }
0x38: {  	_ =	swait.ge [sflag:s20], $0x2000  }
0x39: {  	[sflag:s20] =	ssyncset.done $0x0  }
0x3a: {  	[sflag:s20] =	ssyncadd.s32 $0xFFFFE000  }
0x3b: {  	[spmem:s13] =	stream.linear.scatter [tilespmem:s30], [sflag:$0x3], $0x2000, $0x38;
	[tilespmem:$0x1FE20] =	vst v63  }
0x3c: {  	_ =	swait.ge [sflag:s20], $0x2000  }
0x3d: {  	[sflag:s20] =	ssyncset.done $0x0  }
0x3e: {  	[sflag:s20] =	ssyncadd.s32 $0xFFFFE000  }
0x3f: {  	[spmem:s14] =	stream.linear.scatter [tilespmem:s30], [sflag:$0x3], $0x2000, $0x38;
	[tilespmem:$0x1FE20] =	vst v63  }
0x40: {  	_ =	swait.ge [sflag:s20], $0x2000  }
0x41: {  	[sflag:s20] =	ssyncset.done $0x0  }
0x42: {  	[sflag:s20] =	ssyncadd.s32 $0xFFFFE000  }
0x43: {  	[spmem:s15] =	stream.linear.scatter [tilespmem:s30], [sflag:$0x3], $0x2000, $0x38;
	[tilespmem:$0x1FE20] =	vst v63  }
0x44: {  	_ =	swait.ge [sflag:s20], $0x2000  }
0x45: {  	[sflag:s20] =	ssyncset.done $0x0  }
0x46: {  	[sflag:s20] =	ssyncadd.s32 $0xFFFFE000  }
0x47: {  	[spmem:s16] =	stream.linear.scatter [tilespmem:s30], [sflag:$0x3], $0x2000, $0x38;
	[tilespmem:$0x1FE20] =	vst v63  }
0x48: {  	_ =	swait.ge [sflag:s20], $0x2000  }
0x49: {  	[sflag:s20] =	ssyncset.done $0x0  }
0x4a: {  	[sflag:s20] =	ssyncadd.s32 $0xFFFFE000  }
0x4b: {  	[spmem:s17] =	stream.linear.scatter [tilespmem:s30], [sflag:$0x3], $0x2000, $0x38;
	[tilespmem:$0x1FE20] =	vst v63  }
0x4c: {  	_ =	swait.ge [sflag:s20], $0x2000  }
0x4d: {  	[sflag:s20] =	ssyncset.done $0x0  }
0x4e: {  	[sflag:s20] =	ssyncadd.s32 $0xFFFFE000  }
0x4f: {  	[bflag:$0x0] =	sbarrier.arrive $0xFFFF  }
0x50: {  	_ =	swait.ge [sflag:s31], $0x2800  }
0x51: {  	[sflag:s31] =	ssyncset.done $0x0  }
0x52: {  	s21 =	simm.s32 $0x2710;
	[sflag:s31] =	ssyncadd.s32 $0xFFFFD800  }
0x53: {  	[spmem:s3] =	stream.indirect.scatter.add.f32 [tilespmem:s23], [sflag:$0x3], $0x80, s21, s25, $0xb8;
	[tilespmem:$0x1FE20] =	vst v63  }
0x54: {  	_ =	swait.ge [sflag:s20], $0x2800  }
0x55: {  	[sflag:s20] =	ssyncset.done $0x0  }
0x56: {  	s5 =	simm.s32 $0xA0;
	[sflag:s20] =	ssyncadd.s32 $0xFFFFD800  }
0x57: {  	[tilespmem:s23], [sflag:$0x1] =	stream.indirect.gather [hbm4b:s1+s22], $0x80, s5, s22, $0xb8;
	[tilespmem:$0x1FE20] =	vst v63  }
0x58: {  	s21 =	simm.s32 $0xC8  }
0x59: {  	[tilespmem:s24], [sflag:$0x1] =	stream.indirect.gather [hbm4b:s1+s22], $0x80, s21, s22, $0xb8;
	[tilespmem:$0x1FE20] =	vst v63  }
0x5a: {  	_ =	swait.ge [sflag:s2], $0x2800  }
0x5b: {  	[sflag:s2] =	ssyncset.done $0x0  }
0x5c: {  	s5 =	simm.s32 $0x2760;
	[sflag:s2] =	ssyncadd.s32 $0xFFFFD800  }
0x5d: {  	[spmem:s3] =	stream.indirect.scatter.add.f32 [tilespmem:s26], [sflag:$0x3], $0x80, s5, s25, $0xb8;
	[tilespmem:$0x1FE20] =	vst v63  }
0x5e: {  	_ =	swait.ge [sflag:s20], $0x2800  }
0x5f: {  	[sflag:s20] =	ssyncset.done $0x0  }
0x60: {  	s21 =	simm.s32 $0xF0;
	[sflag:s20] =	ssyncadd.s32 $0xFFFFD800  }
0x61: {  	[tilespmem:s26], [sflag:$0x2] =	stream.indirect.gather [hbm4b:s1+s22], $0x80, s21, s22, $0xb8;
	[tilespmem:$0x1FE20] =	vst v63  }
0x62: {  	s0 =	simm.s32 $0x280;
	s21 =	simm.s32 $0x118  }
.LBB2_2:
0x63: {  	[tilespmem:s29], [sflag:$0x2] =	stream.indirect.gather [hbm4b:s1+s22], $0x80, s21, s22, $0xb8;
	[tilespmem:$0x1FE20] =	vst v63  }
0x64: {  	s21 =	smov.u32 s0  }
0x65: {  	p0 =	sne.s32 s0, $0x9600;
	s0 =	sadd.s32 $0x280, s0;
	_ =	swait.ge [sflag:s31], $0x2800  }
0x66: {  	s21 =	sshra.s32 s21, $0x2;
	[sflag:s31] =	ssyncset.done $0x0  }
0x67: {  	s5 =	sadd.s32 $0x2710, s21;
	[sflag:s31] =	ssyncadd.s32 $0xFFFFD800  }
0x68: {  	[spmem:s3] =	stream.indirect.scatter.add.f32 [tilespmem:s23], [sflag:$0x3], $0x80, s5, s25, $0xb8;
	[tilespmem:$0x1FE20] =	vst v63  }
0x69: {  	_ =	swait.ge [sflag:s20], $0x2800  }
0x6a: {  	[sflag:s20] =	ssyncset.done $0x0  }
0x6b: {  	s5 =	sadd.s32 $0xA0, s21;
	[sflag:s20] =	ssyncadd.s32 $0xFFFFD800  }
0x6c: {  	[tilespmem:s23], [sflag:$0x1] =	stream.indirect.gather [hbm4b:s1+s22], $0x80, s5, s22, $0xb8;
	[tilespmem:$0x1FE20] =	vst v63  }
0x6d: {  	s5 =	sadd.s32 $0xC8, s21  }
0x6e: {  	[tilespmem:s24], [sflag:$0x1] =	stream.indirect.gather [hbm4b:s1+s22], $0x80, s5, s22, $0xb8;
	[tilespmem:$0x1FE20] =	vst v63  }
0x6f: {  	_ =	swait.ge [sflag:s2], $0x2800  }
0x70: {  	[sflag:s2] =	ssyncset.done $0x0  }
0x71: {  	s5 =	sadd.s32 $0x2760, s21;
	[sflag:s2] =	ssyncadd.s32 $0xFFFFD800  }
0x72: {  	[spmem:s3] =	stream.indirect.scatter.add.f32 [tilespmem:s26], [sflag:$0x3], $0x80, s5, s25, $0xb8;
	[tilespmem:$0x1FE20] =	vst v63  }
.Ltmp0:
0x73: {  	_ =	swait.ge [sflag:s20], $0x2800;
	(pc) =	sbr.rel @p0 .LBB2_2-.Ltmp0, $4  }
0x74: {  	[sflag:s20] =	ssyncset.done $0x0  }
0x75: {  	s5 =	sadd.s32 $0xF0, s21;
	[sflag:s20] =	ssyncadd.s32 $0xFFFFD800  }
0x76: {  	[tilespmem:s26], [sflag:$0x2] =	stream.indirect.gather [hbm4b:s1+s22], $0x80, s5, s22, $0xb8;
	[tilespmem:$0x1FE20] =	vst v63  }
0x77: {  	s21 =	sadd.s32 $0x118, s21  }
0x78: {  	[tilespmem:s29], [sflag:$0x2] =	stream.indirect.gather [hbm4b:s1+s22], $0x80, s21, s22, $0xb8;
	[tilespmem:$0x1FE20] =	vst v63  }
0x79: {  	_ =	swait.ge [sflag:s31], $0x2800  }
0x7a: {  	[sflag:s31] =	ssyncset.done $0x0  }
0x7b: {  	s0 =	simm.s32 $0x4D30;
	[sflag:s31] =	ssyncadd.s32 $0xFFFFD800  }
0x7c: {  	[spmem:s3] =	stream.indirect.scatter.add.f32 [tilespmem:s23], [sflag:$0x3], $0x80, s0, s25, $0xb8;
	[tilespmem:$0x1FE20] =	vst v63  }
0x7d: {  	_ =	swait.ge [sflag:s20], $0x2800  }
0x7e: {  	[sflag:s20] =	ssyncset.done $0x0  }
0x7f: {  	s21 =	simm.s32 $0x26C0;
	[sflag:s20] =	ssyncadd.s32 $0xFFFFD800  }
0x80: {  	[tilespmem:s23], [sflag:$0x1] =	stream.indirect.gather [hbm4b:s1+s22], $0x80, s21, s22, $0xb8;
	[tilespmem:$0x1FE20] =	vst v63  }
0x81: {  	s5 =	simm.s32 $0x26E8  }
0x82: {  	[tilespmem:s24], [sflag:$0x1] =	stream.indirect.gather [hbm4b:s1+s22], $0x80, s5, s22, $0xb8;
	[tilespmem:$0x1FE20] =	vst v63  }
0x83: {  	_ =	swait.ge [sflag:s2], $0x2800  }
0x84: {  	[sflag:s2] =	ssyncset.done $0x0  }
0x85: {  	s21 =	simm.s32 $0x4D80;
	[sflag:s2] =	ssyncadd.s32 $0xFFFFD800  }
0x86: {  	[spmem:s3] =	stream.indirect.scatter.add.f32 [tilespmem:s26], [sflag:$0x3], $0x80, s21, s25, $0xb8;
	[tilespmem:$0x1FE20] =	vst v63  }
0x87: {  	_ =	swait.ge [sflag:s20], $0x2800  }
0x88: {  	[sflag:s20] =	ssyncset.done $0x0  }
0x89: {  	[sflag:s20] =	ssyncadd.s32 $0xFFFFD800  }
0x8a: {  	_ =	swait.ge [sflag:s31], $0x2800  }
0x8b: {  	[sflag:s31] =	ssyncset.done $0x0  }
0x8c: {  	s5 =	simm.s32 $0x4DD0;
	[sflag:s31] =	ssyncadd.s32 $0xFFFFD800  }
0x8d: {  	[spmem:s3] =	stream.indirect.scatter.add.f32 [tilespmem:s23], [sflag:$0x3], $0x80, s5, s25, $0xb8;
	[tilespmem:$0x1FE20] =	vst v63  }
0x8e: {  	s21 =	stileid.u32;
	_ =	swait.ge [sflag:s20], $0x2800  }
0x8f: {  	s28 =	sadd.s32 $0x1, s28;
	s0 =	sshll.u32 s21, $0x6;
	[sflag:s20] =	ssyncset.done $0x0  }
0x90: {  	p0 =	sne.s32 s28, s19;
	s0 =	sor.u32 $0x1C03, s0;
	[sflag:s20] =	ssyncadd.s32 $0xFFFFD800  }
.Ltmp1:
0x91: {  	s5 =	sshrl.u32 s8, $0x3;
	[bflag:$0x0] =	sbarrier.arrive $0xFFFF;
	(pc) =	sbr.rel @p0 .LBB2_1-.Ltmp1, $4  }
0x92: {  	[hbm:s18], [sflag:s0] =	dma.local [spmem:s5], $0x2800  }
0x93: {  	_ =	swait.ge [sflag:s20], $0x2800  }
0x94: {  	[sflag:s20] =	ssyncset.done $0x0  }
0x95: {  	[sflag:s20] =	ssyncadd.s32 $0xFFFFD800  }
0x96: {  	_ =	sfence.sel $0x180000  }
0x97: {  	[bflag:$0x0] =	sbarrier.arrive $0xFFFF  }
0x98: {  	_ =	strace $0x9000004A  }
0x99: {  	s0 =	stileid.u32;
	[bflag:$0x2] =	sbarrier.arrive $0xFFFF  }
0x9a: {  	p0 =	sne.s32 s0, $0x0;
	s0 =	rddreg [dreg:$0x3]  }
0x9b: {  	s0 =	sadd.s32 @!p0 $0x100000, s0  }
0x9c: {  	[sflag:s0] =	ssyncadd.tile.s32 @!p0 $0x1;
	_ =	shalt  }
.Lfunc_end2:
_tile_overlayer_lowered:
.L_overlay_start_2:
0x9d: {  	(tag) =	ssettag $0x2  }
0x9e: {  	s0 =	rddreg [dreg:$0x0];
	s2 =	stileid.u32  }
0x9f: {  	s1 =	rddreg [dreg:$0x1];
	p0 =	sne.s32 s2, $0x0  }
0xa0: {  	s3 =	rddreg [dreg:$0x2];
	[bflag:$0x3] =	sbarrier.arrive $0xFFFF;
	s2 =	simm.s32 @!p0 $0x1C03  }
0xa1: {  	[timem:s3], [sflag:s2] =	dma.local @!p0 [hbm:s0], s1  }
0xa2: {  	s0 =	simm.s32 @!p0 $0x3  }
0xa3: {  	_ =	swait.ge @!p0 [sflag:s0], s1  }
0xa4: {  	s1 =	ssub.s32 @!p0 $0x0, s1;
	[sflag:s0] =	ssyncset.done @!p0 $0x0  }
0xa5: {  	[sflag:s0] =	ssyncadd.s32 @!p0 s1  }
0xa6: {  	[bflag:$0x3] =	sbarrier.arrive $0xFFFF  }
0xa7: {  	_ =	shalt  }

// kernel: kernel.15.cloned.1.call-start
scs
__scs_entry_jumppad:
0x0: {  	(pc) =	sbr.rel $0x88, $3  }
0x1: {  	(tag) =	ssettag $0x0;
	lr =	simm.s32 $0x1  }
0x2: {  	[smem:$0x3F96] =	sst lr;
	_ =	strace $0xD0000000  }
0x3: {  	_ = 	snop  }
0x4: {  	_ = 	snop  }
0x5: {  	_ = 	snop  }
0x6: {  	_ = 	snop  }
0x7: {  	_ = 	snop  }
__scs_overlays_trampoline_lowered:
0x8: {  	[smem:$0x3FA5] =	sst s0  }
0x9: {  	[smem:$0x3FA6] =	sst s1  }
0xa: {  	[smem:$0x3FA7] =	sst s2  }
0xb: {  	[smem:$0x3FA8] =	sst s3  }
0xc: {  	[smem:$0x3FA9] =	sst s4  }
0xd: {  	[smem:$0x3FAA] =	sst s5  }
0xe: {  	[smem:$0x3FAB] =	sst s6  }
0xf: {  	[smem:$0x3FAC] =	sst s7  }
0x10: {  	[smem:$0x3FAD] =	sst s8  }
0x11: {  	[smem:$0x3FAE] =	sst s9;
	s0 =	simm.s32 @!p0 $0x0  }
0x12: {  	s1 =	sld [smem:$0x3F94];
	s0 =	simm.s32 @p0 $0x1  }
0x13: {  	[smem:$0x3FAF] =	sst s0;
	s0 =	simm.s32 @!p1 $0x0  }
0x14: {  	s2 =	sld [smem:$0x3F93];
	s0 =	simm.s32 @p1 $0x1  }
0x15: {  	[smem:$0x3FB0] =	sst s0;
	s0 =	simm.s32 @!p2 $0x0  }
0x16: {  	s3 =	sld [smem:$0x3FDB];
	s0 =	simm.s32 @p2 $0x1  }
0x17: {  	s4 =	simm.s32 $0x1BF5;
	[smem:$0x3FB2] =	sst s0  }
0x18: {  	s0 =	sld [smem:$0x3F95];
	_ =	swait.ge [sflag:s4], $0x0  }
0x19: {  	s7 =	sld [smem:$0x3F96]  }
0x1a: {  	s8 =	sadd.s32 $0xFFFFE003, lr  }
0x1b: {  	s9 =	sadd.s32 $0xFFFFFEF7, lr;
	s5 =	simm.s32 $0xFFFFFFFF;
	p2 =	slt.u32 s8, $0xFFFFF086  }
0x1c: {  	p1 =	slt.u32 s9, $0xF7A;
	s5 =	simm.s32 @!p2 $0x0  }
0x1d: {  	s5 =	simm.s32 @p1 $0x1;
	p0 =	seq.s32 s7, s2  }
0x1e: {  	s7 =	smul.u32 @!p0 $0xF7A, s2;
	p2 =	seq.s32 @!p0 s5, $0x0  }
0x1f: {  	s9 =	smul.u32 $0xF7A, s1;
	s8 =	simm.s32 @!p0 $0x1BF5;
	p2 =	por !p2, p0  }
0x20: {  	[sflag:s8] =	ssyncset.s32 @!p0 $0xFFFFF086;
	s6 =	sadd.s32 @!p0 s3, s7;
	s7 =	simm.s32 @!p0 $0x108  }
0x21: {  	s3 =	sadd.s32 s3, s9;
	s6 =	sadd.s32 @!p0 $0x88, s6;
	s7 =	simm.s32 @p2 $0x1082  }
0x22: {  	[simem:s7], [sflag:s8] =	dma.local @!p0 [hbm:s6], $0xF7A  }
0x23: {  	s9 =	sor.u32 $0xD0000000, s2;
	s6 =	simm.s32 $0x108;
	_ =	swait.ge @!p0 [sflag:s8], $0x0  }
0x24: {  	s3 =	sadd.s32 $0x88, s3;
	s6 =	simm.s32 @!p1 $0x1082;
	[sflag:s4] =	ssyncset.s32 $0xFFFFF086  }
0x25: {  	[simem:s6], [sflag:s4] =	dma.local [hbm:s3], $0xF7A  }
0x26: {  	[smem:$0x3F96] =	sst s1;
	(tag) =	ssettag s2;
	_ =	strace s9  }
0x27: {  	s1 =	sld [smem:$0x3FA6]  }
0x28: {  	s2 =	sld [smem:$0x3FA7]  }
0x29: {  	s4 =	sld [smem:$0x3FA9]  }
0x2a: {  	p0 =	seq.s32 s5, $0x0;
	s5 =	sld [smem:$0x3FAA]  }
0x2b: {  	s6 =	sld [smem:$0x3FAB]  }
0x2c: {  	s7 =	sld [smem:$0x3FAC]  }
0x2d: {  	s3 =	simm.s32 $0x108;
	s8 =	sld [smem:$0x3FAD]  }
0x2e: {  	s3 =	simm.s32 @!p0 $0x1082;
	s9 =	sld [smem:$0x3FAE]  }
0x2f: {  	lr =	sadd.s32 s0, s3;
	s0 =	sld [smem:$0x3FA5]  }
0x30: {  	s3 =	sld [smem:$0x3FA8]  }
0x31: {  	[smem:$0x3FB1] =	sst s10  }
0x32: {  	s10 =	sld [smem:$0x3FAF];
	_ =	sdelay $0x3  }
0x33: {  	p0 =	seq.s32 s10, $0x1;
	s10 =	sld [smem:$0x3FB1];
	_ =	sdelay $0x3  }
0x34: {  	[smem:$0x3FB1] =	sst s10  }
0x35: {  	s10 =	sld [smem:$0x3FB0];
	_ =	sdelay $0x3  }
0x36: {  	p1 =	seq.s32 s10, $0x1;
	s10 =	sld [smem:$0x3FB1];
	_ =	sdelay $0x3  }
0x37: {  	[smem:$0x3FB1] =	sst s10  }
0x38: {  	s10 =	sld [smem:$0x3FB2]  }
0x39: {  	_ = 	snop;
	(pc) =	sbr.ind lr, $3  }
0x3a: {  	_ = 	snop  }
0x3b: {  	_ = 	snop  }
0x3c: {  	p2 =	seq.s32 s10, $0x1;
	s10 =	sld [smem:$0x3FB1]  }
0x3d: {  	_ =	shalt  }
0x3e: {  	_ =	shalt  }
0x3f: {  	_ =	shalt  }
0x40: {  	_ =	shalt  }
0x41: {  	_ =	shalt  }
0x42: {  	_ =	shalt  }
0x43: {  	_ =	shalt  }
0x44: {  	_ =	shalt  }
0x45: {  	_ =	shalt  }
0x46: {  	_ =	shalt  }
0x47: {  	_ =	shalt  }
0x48: {  	_ =	shalt  }
0x49: {  	_ =	shalt  }
0x4a: {  	_ =	shalt  }
0x4b: {  	_ =	shalt  }
0x4c: {  	_ =	shalt  }
0x4d: {  	_ =	shalt  }
0x4e: {  	_ =	shalt  }
0x4f: {  	_ =	shalt  }
0x50: {  	_ =	shalt  }
0x51: {  	_ =	shalt  }
0x52: {  	_ =	shalt  }
0x53: {  	_ =	shalt  }
0x54: {  	_ =	shalt  }
0x55: {  	_ =	shalt  }
0x56: {  	_ =	shalt  }
0x57: {  	_ =	shalt  }
0x58: {  	_ =	shalt  }
0x59: {  	_ =	shalt  }
0x5a: {  	_ =	shalt  }
0x5b: {  	_ =	shalt  }
0x5c: {  	_ =	shalt  }
0x5d: {  	_ =	shalt  }
0x5e: {  	_ =	shalt  }
0x5f: {  	_ =	shalt  }
0x60: {  	_ =	shalt  }
0x61: {  	_ =	shalt  }
0x62: {  	_ =	shalt  }
0x63: {  	_ =	shalt  }
0x64: {  	_ =	shalt  }
0x65: {  	_ =	shalt  }
0x66: {  	_ =	shalt  }
0x67: {  	_ =	shalt  }
0x68: {  	_ =	shalt  }
0x69: {  	_ =	shalt  }
0x6a: {  	_ =	shalt  }
0x6b: {  	_ =	shalt  }
0x6c: {  	_ =	shalt  }
0x6d: {  	_ =	shalt  }
0x6e: {  	_ =	shalt  }
0x6f: {  	_ =	shalt  }
0x70: {  	_ =	shalt  }
0x71: {  	_ =	shalt  }
0x72: {  	_ =	shalt  }
0x73: {  	_ =	shalt  }
0x74: {  	_ =	shalt  }
0x75: {  	_ =	shalt  }
0x76: {  	_ =	shalt  }
0x77: {  	_ =	shalt  }
0x78: {  	_ =	shalt  }
0x79: {  	_ =	shalt  }
0x7a: {  	_ =	shalt  }
0x7b: {  	_ =	shalt  }
0x7c: {  	_ =	shalt  }
0x7d: {  	_ =	shalt  }
0x7e: {  	_ =	shalt  }
0x7f: {  	_ =	shalt  }
0x80: {  	_ =	shalt  }
0x81: {  	_ =	shalt  }
0x82: {  	_ =	shalt  }
0x83: {  	_ =	shalt  }
0x84: {  	_ =	shalt  }
0x85: {  	_ =	shalt  }
0x86: {  	_ =	shalt  }
0x87: {  	_ =	shalt  }
.Lfunc_end0:
.L_simem_size_0:
called_computation.2_lowered:
.L_overlay_start_0:
0x88: {  	s2 =	sld [smem:$0x3FD9]  }
0x89: {  	s3 =	sld [smem:$0x3FFE];
	_ =	sdelay $0x1  }
0x8a: {  	s1 =	srdreg.scid  }
0x8b: {  	s0 =	sand.u32 $0x1, s1  }
0x8c: {  	s17 =	sshll.u32 s0, $0xA;
	s2 =	sadd.s32 s3, s2  }
0x8d: {  	s2 =	sadd.s32 s2, s17  }
0x8e: {  	[smem:$0x3FBD] =	sst s2  }
0x8f: {  	_ = 	snop  }
0x90: {  	s2 =	sld [smem:$0x3FD0];
	(tm) =	ssettm $0x1  }
0x91: {  	s18 =	sld [smem:$0x3FFB];
	_ =	sdelay $0x3  }
0x92: {  	_ =	strace s18  }
0x93: {  	s3 =	sld [smem:$0x3FFC];
	_ =	sdelay $0x3  }
0x94: {  	_ =	strace s3  }
0x95: {  	s3 =	sld [smem:$0x3FFD];
	_ =	sdelay $0x3  }
0x96: {  	_ =	strace s3  }
0x97: {  	_ =	strace $0x8FFFFFFF  }
0x98: {  	s19 =	sld [smem:$0x3FDB];
	_ =	sdelay $0x1  }
0x99: {  	s4 =	simm.s32 $_scs_section_size  }
0x9a: {  	s5 =	simm.s32 $_size__tile_overlayer_lowered;
	s6 =	simm.s32 $_tile_overlayer_lowered  }
0x9b: {  	s22 =	simm.s32 $0x1BFF;
	s21 =	sshll.u32 s6, $0x1;
	s3 =	sadd.s32 s4, s19  }
0x9c: {  	s7 =	simm.s32 $0x0;
	s20 =	sshll.u32 s5, $0x1;
	s5 =	sadd.s32 s21, s3  }
0x9d: {  	[timem:s7], [sflag:s22] =	dma.local [hbm:s5], s20  }
0x9e: {  	_ =	swait.ge [sflag:s22], s20  }
0x9f: {  	s4 =	ssub.s32 $0x0, s20;
	[sflag:s22] =	ssyncset.done $0x0  }
0xa0: {  	[sflag:s22] =	ssyncadd.s32 s4;
	_ =	sdelay $0x1  }
0xa1: {  	s23 =	simm.s32 $0x1B8B  }
0xa2: {  	_ =	swait.ge [sflag:s23], $0x1  }
0xa3: {  	[sflag:s23] =	ssyncset.done $0x0  }
0xa4: {  	s25 =	simm.s32 $0x1B8E;
	s24 =	sld [smem:$0x3FFE];
	[sflag:s23] =	ssyncadd.s32 $0xFFFFFFFF  }
0xa5: {  	s26 =	simm.s32 $execute0_lowered;
	[smem:$0x3FD2] =	sst s25  }
0xa6: {  	s5 =	sshll.u32 s26, $0x1;
	_ =	strace $0x8000004C;
	[dreg:$0x1] =	wrdreg $0xFFFFFFFF  }
0xa7: {  	s28 =	simm.s32 $_size_execute0_lowered;
	s3 =	sadd.s32 s3, s5;
	[dreg:$0x0] =	wrdreg $0x0  }
0xa8: {  	s5 =	sshll.u32 s28, $0x1;
	[dreg:$0x2] =	wrdreg s3  }
0xa9: {  	[dreg:$0x3] =	wrdreg s5  }
0xaa: {  	[dreg:$0x4] =	wrdreg $0xC0  }
0xab: {  	_ =	task [dreg:s7], $0x5FFFF  }
0xac: {  	[dreg:$0x1] =	wrdreg $0xFFFFFFFF  }
0xad: {  	[dreg:$0x0] =	wrdreg $0x60  }
0xae: {  	[dreg:$0x2] =	wrdreg s2  }
0xaf: {  	[dreg:$0x3] =	wrdreg s24  }
0xb0: {  	[dreg:$0x4] =	wrdreg $0x76200  }
0xb1: {  	[dreg:$0x5] =	wrdreg $0x9  }
0xb2: {  	_ =	task.clear_ibuf [dreg:s7], $0x6FFFF;
	_ =	strace $0x9000004C  }
0xb3: {  	s29 =	simm.s32 $0x9;
	_ =	strace $0x8000004E  }
0xb4: {  	_ =	swait.ge [sflag:s29], $0x1  }
0xb5: {  	[sflag:s29] =	ssyncadd.s32 $0xFFFFFFFF  }
0xb6: {  	_ =	strace $0x9000004E  }
0xb7: {  	_ =	sfence  }
0xb8: {  	s30 =	sld [smem:$0x0];
	_ =	sdelay $0x2  }
0xb9: {  	s31 =	sshll.u32 s1, $0xD;
	s1 =	sshrl.u32 s1, $0x2  }
0xba: {  	s3 =	sand.u32 $0x4000, s31;
	s1 =	sadd.s32 s1, s30  }
0xbb: {  	s0 =	sor.u32 s3, s0;
	s1 =	sshll.u32 s1, $0x11  }
0xbc: {  	s0 =	sor.u32 s1, s0  }
0xbd: {  	s0 =	sadd.s32 $0x8F2B, s0  }
0xbe: {  	[sflag:s0] =	ssyncadd.remote.s32 $0x1  }
0xbf: {  	_ =	sfence.sel $0xFFFF  }
0xc0: {  	[dreg:$0x0] =	wrdreg $0xFFFFFFFF;
	(pc) =	sbr.abs _section_cstart, $3  }
0xc1: {  	[dreg:$0x1] =	wrdreg $0xFFFFFFFF  }
0xc2: {  	_ =	task.clear_ibuf [dreg:s7], $0x2FFFF;
	_ =	strace $0x9FFFFFFF  }
0xc3: {  	(tm) =	ssettm $0x7FFFFFFF  }
tec
execute0_lowered:
.L_overlay_start_1:
0x0: {  	(tag) =	ssettag $0x1  }
0x1: {  	s1 =	rddreg [dreg:$0x0]  }
0x2: {  	s0 =	srdreg.scid;
	s6 =	rddreg [dreg:$0x1]  }
0x3: {  	s9 =	stileid.u32;
	s3 =	rddreg [dreg:$0x2];
	s4 =	simm.s32 $0x0  }
0x4: {  	s20 =	simm.s32 $0x3;
	s22 =	simm.s32 $0x28;
	s23 =	simm.s32 $0x4E20  }
0x5: {  	s24 =	simm.s32 $0x6220;
	s29 =	simm.s32 $0x1CA20;
	s30 =	simm.s32 $0x1DE20  }
0x6: {  	s31 =	simm.s32 $0x1;
	s28 =	simm.s32 $0x0;
	s0 =	sand.u32 $0x1, s0  }
0x7: {  	s8 =	smul.u32 $0x14000, s9;
	[smem:$0x7FF] =	sst s4;
	s25 =	sadd.s32 $0x18000, s6  }
0x8: {  	s2 =	sshll.u32 s0, $0x4;
	s5 =	smul.u32 $0x140000, s0;
	_ =	strace $0x8000004D  }
0x9: {  	s0 =	ssub.s32 $0x2, s0;
	[dreg:$0x4] =	wrdreg s25;
	s25 =	simm.s32 $0x50  }
0xa: {  	s2 =	sor.u32 s9, s2;
	s9 =	smul.u32 $0x50000, s9;
	s10 =	sshrl.u32 s0, $0x1  }
0xb: {  	s2 =	smul.u32 $0x4E2, s2;
	s7 =	sadd.s32 s8, s5;
	s0 =	ssub.s32 s0, s10  }
0xc: {  	s8 =	sadd.s32 s8, s3;
	s7 =	sshrl.u32 s7, $0x3;
	s9 =	sshrl.u32 s9, $0x2  }
0xd: {  	s19 =	smax.u32 s0, $0x1;
	s2 =	sadd.s32 s2, s6;
	s18 =	sadd.s32 s7, s6  }
0xe: {  	s26 =	sadd.s32 s9, s3;
	s6 =	sadd.s32 $0xDA00, s2;
	s7 =	sadd.s32 $0x3C00, s2  }
0xf: {  	s9 =	sadd.s32 $0x2000, s26;
	s10 =	sadd.s32 $0x4000, s26;
	s11 =	sadd.s32 $0x6000, s26  }
0x10: {  	s12 =	sadd.s32 $0x8000, s26;
	s13 =	sadd.s32 $0xA000, s26;
	s14 =	sadd.s32 $0xC000, s26  }
0x11: {  	s15 =	sadd.s32 $0xE000, s26;
	s16 =	sadd.s32 $0x10000, s26;
	s17 =	sadd.s32 $0x12000, s26  }
0x12: {  	s18 =	sadd.s32 $0x18400, s18;
	s26 =	simm.s32 $0x1B620;
	s2 =	simm.s32 $0x2  }
.LBB2_1:
0x13: {  	[tilespmem:s4], [sflag:$0x3] =	stream.linear.gather [hbm4b:s6+s4], $0x2710, $0x38;
	[tilespmem:$0x1FE20] =	vst v63  }
0x14: {  	_ =	swait.ge [sflag:s20], $0x2710  }
0x15: {  	[sflag:s20] =	ssyncset.done $0x0  }
0x16: {  	s0 =	simm.s32 $0x2710;
	[sflag:s20] =	ssyncadd.s32 $0xFFFFD8F0  }
0x17: {  	[tilespmem:s0], [sflag:$0x3] =	stream.linear.gather [hbm4b:s7+s4], $0x2710, $0x38;
	[tilespmem:$0x1FE20] =	vst v63  }
0x18: {  	_ =	swait.ge [sflag:s20], $0x2710  }
0x19: {  	[sflag:s20] =	ssyncset.done $0x0  }
0x1a: {  	[sflag:s20] =	ssyncadd.s32 $0xFFFFD8F0  }
0x1b: {  	[tilespmem:s23], [sflag:$0x1] =	stream.indirect.gather [hbm4b:s1+s22], $0x80, s4, s22, $0xb8;
	[tilespmem:$0x1FE20] =	vst v63  }
0x1c: {  	_ = 	snop  }
0x1d: {  	[tilespmem:s24], [sflag:$0x1] =	stream.indirect.gather [hbm4b:s1+s22], $0x80, s22, s22, $0xb8;
	[tilespmem:$0x1FE20] =	vst v63  }
0x1e: {  	_ = 	snop  }
0x1f: {  	[tilespmem:s26], [sflag:$0x2] =	stream.indirect.gather [hbm4b:s1+s22], $0x80, s25, s22, $0xb8;
	[tilespmem:$0x1FE20] =	vst v63  }
0x20: {  	s21 =	simm.s32 $0x78  }
0x21: {  	[tilespmem:s29], [sflag:$0x2] =	stream.indirect.gather [hbm4b:s1+s22], $0x80, s21, s22, $0xb8;
	[tilespmem:$0x1FE20] =	vst v63  }
0x22: {  	s5 =	rddreg [dreg:$0x4]  }
0x23: {  	[tilespmem:s30], [sflag:$0x3] =	stream.linear.gather [hbm4b:s5+s4], $0x2000, $0x38;
	[tilespmem:$0x1FE20] =	vst v63  }
0x24: {  	_ =	swait.ge [sflag:s20], $0x2000  }
0x25: {  	[sflag:s20] =	ssyncset.done $0x0  }
0x26: {  	[sflag:s20] =	ssyncadd.s32 $0xFFFFE000  }
0x27: {  	[spmem:s8] =	stream.linear.scatter [tilespmem:s30], [sflag:$0x3], $0x2000, $0x38;
	[tilespmem:$0x1FE20] =	vst v63  }
0x28: {  	_ =	swait.ge [sflag:s20], $0x2000  }
0x29: {  	[sflag:s20] =	ssyncset.done $0x0  }
0x2a: {  	[sflag:s20] =	ssyncadd.s32 $0xFFFFE000  }
0x2b: {  	[spmem:s9] =	stream.linear.scatter [tilespmem:s30], [sflag:$0x3], $0x2000, $0x38;
	[tilespmem:$0x1FE20] =	vst v63  }
0x2c: {  	_ =	swait.ge [sflag:s20], $0x2000  }
0x2d: {  	[sflag:s20] =	ssyncset.done $0x0  }
0x2e: {  	[sflag:s20] =	ssyncadd.s32 $0xFFFFE000  }
0x2f: {  	[spmem:s10] =	stream.linear.scatter [tilespmem:s30], [sflag:$0x3], $0x2000, $0x38;
	[tilespmem:$0x1FE20] =	vst v63  }
0x30: {  	_ =	swait.ge [sflag:s20], $0x2000  }
0x31: {  	[sflag:s20] =	ssyncset.done $0x0  }
0x32: {  	[sflag:s20] =	ssyncadd.s32 $0xFFFFE000  }
0x33: {  	[spmem:s11] =	stream.linear.scatter [tilespmem:s30], [sflag:$0x3], $0x2000, $0x38;
	[tilespmem:$0x1FE20] =	vst v63  }
0x34: {  	_ =	swait.ge [sflag:s20], $0x2000  }
0x35: {  	[sflag:s20] =	ssyncset.done $0x0  }
0x36: {  	[sflag:s20] =	ssyncadd.s32 $0xFFFFE000  }
0x37: {  	[spmem:s12] =	stream.linear.scatter [tilespmem:s30], [sflag:$0x3], $0x2000, $0x38;
	[tilespmem:$0x1FE20] =	vst v63  }
0x38: {  	_ =	swait.ge [sflag:s20], $0x2000  }
0x39: {  	[sflag:s20] =	ssyncset.done $0x0  }
0x3a: {  	[sflag:s20] =	ssyncadd.s32 $0xFFFFE000  }
0x3b: {  	[spmem:s13] =	stream.linear.scatter [tilespmem:s30], [sflag:$0x3], $0x2000, $0x38;
	[tilespmem:$0x1FE20] =	vst v63  }
0x3c: {  	_ =	swait.ge [sflag:s20], $0x2000  }
0x3d: {  	[sflag:s20] =	ssyncset.done $0x0  }
0x3e: {  	[sflag:s20] =	ssyncadd.s32 $0xFFFFE000  }
0x3f: {  	[spmem:s14] =	stream.linear.scatter [tilespmem:s30], [sflag:$0x3], $0x2000, $0x38;
	[tilespmem:$0x1FE20] =	vst v63  }
0x40: {  	_ =	swait.ge [sflag:s20], $0x2000  }
0x41: {  	[sflag:s20] =	ssyncset.done $0x0  }
0x42: {  	[sflag:s20] =	ssyncadd.s32 $0xFFFFE000  }
0x43: {  	[spmem:s15] =	stream.linear.scatter [tilespmem:s30], [sflag:$0x3], $0x2000, $0x38;
	[tilespmem:$0x1FE20] =	vst v63  }
0x44: {  	_ =	swait.ge [sflag:s20], $0x2000  }
0x45: {  	[sflag:s20] =	ssyncset.done $0x0  }
0x46: {  	[sflag:s20] =	ssyncadd.s32 $0xFFFFE000  }
0x47: {  	[spmem:s16] =	stream.linear.scatter [tilespmem:s30], [sflag:$0x3], $0x2000, $0x38;
	[tilespmem:$0x1FE20] =	vst v63  }
0x48: {  	_ =	swait.ge [sflag:s20], $0x2000  }
0x49: {  	[sflag:s20] =	ssyncset.done $0x0  }
0x4a: {  	[sflag:s20] =	ssyncadd.s32 $0xFFFFE000  }
0x4b: {  	[spmem:s17] =	stream.linear.scatter [tilespmem:s30], [sflag:$0x3], $0x2000, $0x38;
	[tilespmem:$0x1FE20] =	vst v63  }
0x4c: {  	_ =	swait.ge [sflag:s20], $0x2000  }
0x4d: {  	[sflag:s20] =	ssyncset.done $0x0  }
0x4e: {  	[sflag:s20] =	ssyncadd.s32 $0xFFFFE000  }
0x4f: {  	[bflag:$0x0] =	sbarrier.arrive $0xFFFF  }
0x50: {  	_ =	swait.ge [sflag:s31], $0x2800  }
0x51: {  	[sflag:s31] =	ssyncset.done $0x0  }
0x52: {  	s21 =	simm.s32 $0x2710;
	[sflag:s31] =	ssyncadd.s32 $0xFFFFD800  }
0x53: {  	[spmem:s3] =	stream.indirect.scatter.add.f32 [tilespmem:s23], [sflag:$0x3], $0x80, s21, s25, $0xb8;
	[tilespmem:$0x1FE20] =	vst v63  }
0x54: {  	_ =	swait.ge [sflag:s20], $0x2800  }
0x55: {  	[sflag:s20] =	ssyncset.done $0x0  }
0x56: {  	s5 =	simm.s32 $0xA0;
	[sflag:s20] =	ssyncadd.s32 $0xFFFFD800  }
0x57: {  	[tilespmem:s23], [sflag:$0x1] =	stream.indirect.gather [hbm4b:s1+s22], $0x80, s5, s22, $0xb8;
	[tilespmem:$0x1FE20] =	vst v63  }
0x58: {  	s21 =	simm.s32 $0xC8  }
0x59: {  	[tilespmem:s24], [sflag:$0x1] =	stream.indirect.gather [hbm4b:s1+s22], $0x80, s21, s22, $0xb8;
	[tilespmem:$0x1FE20] =	vst v63  }
0x5a: {  	_ =	swait.ge [sflag:s2], $0x2800  }
0x5b: {  	[sflag:s2] =	ssyncset.done $0x0  }
0x5c: {  	s5 =	simm.s32 $0x2760;
	[sflag:s2] =	ssyncadd.s32 $0xFFFFD800  }
0x5d: {  	[spmem:s3] =	stream.indirect.scatter.add.f32 [tilespmem:s26], [sflag:$0x3], $0x80, s5, s25, $0xb8;
	[tilespmem:$0x1FE20] =	vst v63  }
0x5e: {  	_ =	swait.ge [sflag:s20], $0x2800  }
0x5f: {  	[sflag:s20] =	ssyncset.done $0x0  }
0x60: {  	s21 =	simm.s32 $0xF0;
	[sflag:s20] =	ssyncadd.s32 $0xFFFFD800  }
0x61: {  	[tilespmem:s26], [sflag:$0x2] =	stream.indirect.gather [hbm4b:s1+s22], $0x80, s21, s22, $0xb8;
	[tilespmem:$0x1FE20] =	vst v63  }
0x62: {  	s0 =	simm.s32 $0x280;
	s21 =	simm.s32 $0x118  }
.LBB2_2:
0x63: {  	[tilespmem:s29], [sflag:$0x2] =	stream.indirect.gather [hbm4b:s1+s22], $0x80, s21, s22, $0xb8;
	[tilespmem:$0x1FE20] =	vst v63  }
0x64: {  	s21 =	smov.u32 s0  }
0x65: {  	p0 =	sne.s32 s0, $0x9600;
	s0 =	sadd.s32 $0x280, s0;
	_ =	swait.ge [sflag:s31], $0x2800  }
0x66: {  	s21 =	sshra.s32 s21, $0x2;
	[sflag:s31] =	ssyncset.done $0x0  }
0x67: {  	s5 =	sadd.s32 $0x2710, s21;
	[sflag:s31] =	ssyncadd.s32 $0xFFFFD800  }
0x68: {  	[spmem:s3] =	stream.indirect.scatter.add.f32 [tilespmem:s23], [sflag:$0x3], $0x80, s5, s25, $0xb8;
	[tilespmem:$0x1FE20] =	vst v63  }
0x69: {  	_ =	swait.ge [sflag:s20], $0x2800  }
0x6a: {  	[sflag:s20] =	ssyncset.done $0x0  }
0x6b: {  	s5 =	sadd.s32 $0xA0, s21;
	[sflag:s20] =	ssyncadd.s32 $0xFFFFD800  }
0x6c: {  	[tilespmem:s23], [sflag:$0x1] =	stream.indirect.gather [hbm4b:s1+s22], $0x80, s5, s22, $0xb8;
	[tilespmem:$0x1FE20] =	vst v63  }
0x6d: {  	s5 =	sadd.s32 $0xC8, s21  }
0x6e: {  	[tilespmem:s24], [sflag:$0x1] =	stream.indirect.gather [hbm4b:s1+s22], $0x80, s5, s22, $0xb8;
	[tilespmem:$0x1FE20] =	vst v63  }
0x6f: {  	_ =	swait.ge [sflag:s2], $0x2800  }
0x70: {  	[sflag:s2] =	ssyncset.done $0x0  }
0x71: {  	s5 =	sadd.s32 $0x2760, s21;
	[sflag:s2] =	ssyncadd.s32 $0xFFFFD800  }
0x72: {  	[spmem:s3] =	stream.indirect.scatter.add.f32 [tilespmem:s26], [sflag:$0x3], $0x80, s5, s25, $0xb8;
	[tilespmem:$0x1FE20] =	vst v63  }
.Ltmp0:
0x73: {  	_ =	swait.ge [sflag:s20], $0x2800;
	(pc) =	sbr.rel @p0 .LBB2_2-.Ltmp0, $4  }
0x74: {  	[sflag:s20] =	ssyncset.done $0x0  }
0x75: {  	s5 =	sadd.s32 $0xF0, s21;
	[sflag:s20] =	ssyncadd.s32 $0xFFFFD800  }
0x76: {  	[tilespmem:s26], [sflag:$0x2] =	stream.indirect.gather [hbm4b:s1+s22], $0x80, s5, s22, $0xb8;
	[tilespmem:$0x1FE20] =	vst v63  }
0x77: {  	s21 =	sadd.s32 $0x118, s21  }
0x78: {  	[tilespmem:s29], [sflag:$0x2] =	stream.indirect.gather [hbm4b:s1+s22], $0x80, s21, s22, $0xb8;
	[tilespmem:$0x1FE20] =	vst v63  }
0x79: {  	_ =	swait.ge [sflag:s31], $0x2800  }
0x7a: {  	[sflag:s31] =	ssyncset.done $0x0  }
0x7b: {  	s0 =	simm.s32 $0x4D30;
	[sflag:s31] =	ssyncadd.s32 $0xFFFFD800  }
0x7c: {  	[spmem:s3] =	stream.indirect.scatter.add.f32 [tilespmem:s23], [sflag:$0x3], $0x80, s0, s25, $0xb8;
	[tilespmem:$0x1FE20] =	vst v63  }
0x7d: {  	_ =	swait.ge [sflag:s20], $0x2800  }
0x7e: {  	[sflag:s20] =	ssyncset.done $0x0  }
0x7f: {  	s21 =	simm.s32 $0x26C0;
	[sflag:s20] =	ssyncadd.s32 $0xFFFFD800  }
0x80: {  	[tilespmem:s23], [sflag:$0x1] =	stream.indirect.gather [hbm4b:s1+s22], $0x80, s21, s22, $0xb8;
	[tilespmem:$0x1FE20] =	vst v63  }
0x81: {  	s5 =	simm.s32 $0x26E8  }
0x82: {  	[tilespmem:s24], [sflag:$0x1] =	stream.indirect.gather [hbm4b:s1+s22], $0x80, s5, s22, $0xb8;
	[tilespmem:$0x1FE20] =	vst v63  }
0x83: {  	_ =	swait.ge [sflag:s2], $0x2800  }
0x84: {  	[sflag:s2] =	ssyncset.done $0x0  }
0x85: {  	s21 =	simm.s32 $0x4D80;
	[sflag:s2] =	ssyncadd.s32 $0xFFFFD800  }
0x86: {  	[spmem:s3] =	stream.indirect.scatter.add.f32 [tilespmem:s26], [sflag:$0x3], $0x80, s21, s25, $0xb8;
	[tilespmem:$0x1FE20] =	vst v63  }
0x87: {  	_ =	swait.ge [sflag:s20], $0x2800  }
0x88: {  	[sflag:s20] =	ssyncset.done $0x0  }
0x89: {  	[sflag:s20] =	ssyncadd.s32 $0xFFFFD800  }
0x8a: {  	_ =	swait.ge [sflag:s31], $0x2800  }
0x8b: {  	[sflag:s31] =	ssyncset.done $0x0  }
0x8c: {  	s5 =	simm.s32 $0x4DD0;
	[sflag:s31] =	ssyncadd.s32 $0xFFFFD800  }
0x8d: {  	[spmem:s3] =	stream.indirect.scatter.add.f32 [tilespmem:s23], [sflag:$0x3], $0x80, s5, s25, $0xb8;
	[tilespmem:$0x1FE20] =	vst v63  }
0x8e: {  	s21 =	stileid.u32;
	_ =	swait.ge [sflag:s20], $0x2800  }
0x8f: {  	s28 =	sadd.s32 $0x1, s28;
	s0 =	sshll.u32 s21, $0x6;
	[sflag:s20] =	ssyncset.done $0x0  }
0x90: {  	p0 =	sne.s32 s28, s19;
	s0 =	sor.u32 $0x1C03, s0;
	[sflag:s20] =	ssyncadd.s32 $0xFFFFD800  }
.Ltmp1:
0x91: {  	s5 =	sshrl.u32 s8, $0x3;
	[bflag:$0x0] =	sbarrier.arrive $0xFFFF;
	(pc) =	sbr.rel @p0 .LBB2_1-.Ltmp1, $4  }
0x92: {  	[hbm:s18], [sflag:s0] =	dma.local [spmem:s5], $0x2800  }
0x93: {  	_ =	swait.ge [sflag:s20], $0x2800  }
0x94: {  	[sflag:s20] =	ssyncset.done $0x0  }
0x95: {  	[sflag:s20] =	ssyncadd.s32 $0xFFFFD800  }
0x96: {  	_ =	sfence.sel $0x180000  }
0x97: {  	[bflag:$0x0] =	sbarrier.arrive $0xFFFF  }
0x98: {  	_ =	strace $0x9000004D  }
0x99: {  	s0 =	stileid.u32;
	[bflag:$0x2] =	sbarrier.arrive $0xFFFF  }
0x9a: {  	p0 =	sne.s32 s0, $0x0;
	s0 =	rddreg [dreg:$0x3]  }
0x9b: {  	s0 =	sadd.s32 @!p0 $0x100000, s0  }
0x9c: {  	[sflag:s0] =	ssyncadd.tile.s32 @!p0 $0x1;
	_ =	shalt  }
.Lfunc_end2:
_tile_overlayer_lowered:
.L_overlay_start_2:
0x9d: {  	(tag) =	ssettag $0x2  }
0x9e: {  	s0 =	rddreg [dreg:$0x0];
	s2 =	stileid.u32  }
0x9f: {  	s1 =	rddreg [dreg:$0x1];
	p0 =	sne.s32 s2, $0x0  }
0xa0: {  	s3 =	rddreg [dreg:$0x2];
	[bflag:$0x3] =	sbarrier.arrive $0xFFFF;
	s2 =	simm.s32 @!p0 $0x1C03  }
0xa1: {  	[timem:s3], [sflag:s2] =	dma.local @!p0 [hbm:s0], s1  }
0xa2: {  	s0 =	simm.s32 @!p0 $0x3  }
0xa3: {  	_ =	swait.ge @!p0 [sflag:s0], s1  }
0xa4: {  	s1 =	ssub.s32 @!p0 $0x0, s1;
	[sflag:s0] =	ssyncset.done @!p0 $0x0  }
0xa5: {  	[sflag:s0] =	ssyncadd.s32 @!p0 s1  }
0xa6: {  	[bflag:$0x3] =	sbarrier.arrive $0xFFFF  }
0xa7: {  	_ =	shalt  }

// kernel: kernel.18.cloned.1.call-start
scs
__scs_entry_jumppad:
0x0: {  	(pc) =	sbr.rel $0x88, $3  }
0x1: {  	(tag) =	ssettag $0x0;
	lr =	simm.s32 $0x1  }
0x2: {  	[smem:$0x3F96] =	sst lr;
	_ =	strace $0xD0000000  }
0x3: {  	_ = 	snop  }
0x4: {  	_ = 	snop  }
0x5: {  	_ = 	snop  }
0x6: {  	_ = 	snop  }
0x7: {  	_ = 	snop  }
__scs_overlays_trampoline_lowered:
0x8: {  	[smem:$0x3FA5] =	sst s0  }
0x9: {  	[smem:$0x3FA6] =	sst s1  }
0xa: {  	[smem:$0x3FA7] =	sst s2  }
0xb: {  	[smem:$0x3FA8] =	sst s3  }
0xc: {  	[smem:$0x3FA9] =	sst s4  }
0xd: {  	[smem:$0x3FAA] =	sst s5  }
0xe: {  	[smem:$0x3FAB] =	sst s6  }
0xf: {  	[smem:$0x3FAC] =	sst s7  }
0x10: {  	[smem:$0x3FAD] =	sst s8  }
0x11: {  	[smem:$0x3FAE] =	sst s9;
	s0 =	simm.s32 @!p0 $0x0  }
0x12: {  	s1 =	sld [smem:$0x3F94];
	s0 =	simm.s32 @p0 $0x1  }
0x13: {  	[smem:$0x3FAF] =	sst s0;
	s0 =	simm.s32 @!p1 $0x0  }
0x14: {  	s2 =	sld [smem:$0x3F93];
	s0 =	simm.s32 @p1 $0x1  }
0x15: {  	[smem:$0x3FB0] =	sst s0;
	s0 =	simm.s32 @!p2 $0x0  }
0x16: {  	s3 =	sld [smem:$0x3FDB];
	s0 =	simm.s32 @p2 $0x1  }
0x17: {  	s4 =	simm.s32 $0x1BF5;
	[smem:$0x3FB2] =	sst s0  }
0x18: {  	s0 =	sld [smem:$0x3F95];
	_ =	swait.ge [sflag:s4], $0x0  }
0x19: {  	s7 =	sld [smem:$0x3F96]  }
0x1a: {  	s8 =	sadd.s32 $0xFFFFE003, lr  }
0x1b: {  	s9 =	sadd.s32 $0xFFFFFEF7, lr;
	s5 =	simm.s32 $0xFFFFFFFF;
	p2 =	slt.u32 s8, $0xFFFFF086  }
0x1c: {  	p1 =	slt.u32 s9, $0xF7A;
	s5 =	simm.s32 @!p2 $0x0  }
0x1d: {  	s5 =	simm.s32 @p1 $0x1;
	p0 =	seq.s32 s7, s2  }
0x1e: {  	s7 =	smul.u32 @!p0 $0xF7A, s2;
	p2 =	seq.s32 @!p0 s5, $0x0  }
0x1f: {  	s9 =	smul.u32 $0xF7A, s1;
	s8 =	simm.s32 @!p0 $0x1BF5;
	p2 =	por !p2, p0  }
0x20: {  	[sflag:s8] =	ssyncset.s32 @!p0 $0xFFFFF086;
	s6 =	sadd.s32 @!p0 s3, s7;
	s7 =	simm.s32 @!p0 $0x108  }
0x21: {  	s3 =	sadd.s32 s3, s9;
	s6 =	sadd.s32 @!p0 $0x88, s6;
	s7 =	simm.s32 @p2 $0x1082  }
0x22: {  	[simem:s7], [sflag:s8] =	dma.local @!p0 [hbm:s6], $0xF7A  }
0x23: {  	s9 =	sor.u32 $0xD0000000, s2;
	s6 =	simm.s32 $0x108;
	_ =	swait.ge @!p0 [sflag:s8], $0x0  }
0x24: {  	s3 =	sadd.s32 $0x88, s3;
	s6 =	simm.s32 @!p1 $0x1082;
	[sflag:s4] =	ssyncset.s32 $0xFFFFF086  }
0x25: {  	[simem:s6], [sflag:s4] =	dma.local [hbm:s3], $0xF7A  }
0x26: {  	[smem:$0x3F96] =	sst s1;
	(tag) =	ssettag s2;
	_ =	strace s9  }
0x27: {  	s1 =	sld [smem:$0x3FA6]  }
0x28: {  	s2 =	sld [smem:$0x3FA7]  }
0x29: {  	s4 =	sld [smem:$0x3FA9]  }
0x2a: {  	p0 =	seq.s32 s5, $0x0;
	s5 =	sld [smem:$0x3FAA]  }
0x2b: {  	s6 =	sld [smem:$0x3FAB]  }
0x2c: {  	s7 =	sld [smem:$0x3FAC]  }
0x2d: {  	s3 =	simm.s32 $0x108;
	s8 =	sld [smem:$0x3FAD]  }
0x2e: {  	s3 =	simm.s32 @!p0 $0x1082;
	s9 =	sld [smem:$0x3FAE]  }
0x2f: {  	lr =	sadd.s32 s0, s3;
	s0 =	sld [smem:$0x3FA5]  }
0x30: {  	s3 =	sld [smem:$0x3FA8]  }
0x31: {  	[smem:$0x3FB1] =	sst s10  }
0x32: {  	s10 =	sld [smem:$0x3FAF];
	_ =	sdelay $0x3  }
0x33: {  	p0 =	seq.s32 s10, $0x1;
	s10 =	sld [smem:$0x3FB1];
	_ =	sdelay $0x3  }
0x34: {  	[smem:$0x3FB1] =	sst s10  }
0x35: {  	s10 =	sld [smem:$0x3FB0];
	_ =	sdelay $0x3  }
0x36: {  	p1 =	seq.s32 s10, $0x1;
	s10 =	sld [smem:$0x3FB1];
	_ =	sdelay $0x3  }
0x37: {  	[smem:$0x3FB1] =	sst s10  }
0x38: {  	s10 =	sld [smem:$0x3FB2]  }
0x39: {  	_ = 	snop;
	(pc) =	sbr.ind lr, $3  }
0x3a: {  	_ = 	snop  }
0x3b: {  	_ = 	snop  }
0x3c: {  	p2 =	seq.s32 s10, $0x1;
	s10 =	sld [smem:$0x3FB1]  }
0x3d: {  	_ =	shalt  }
0x3e: {  	_ =	shalt  }
0x3f: {  	_ =	shalt  }
0x40: {  	_ =	shalt  }
0x41: {  	_ =	shalt  }
0x42: {  	_ =	shalt  }
0x43: {  	_ =	shalt  }
0x44: {  	_ =	shalt  }
0x45: {  	_ =	shalt  }
0x46: {  	_ =	shalt  }
0x47: {  	_ =	shalt  }
0x48: {  	_ =	shalt  }
0x49: {  	_ =	shalt  }
0x4a: {  	_ =	shalt  }
0x4b: {  	_ =	shalt  }
0x4c: {  	_ =	shalt  }
0x4d: {  	_ =	shalt  }
0x4e: {  	_ =	shalt  }
0x4f: {  	_ =	shalt  }
0x50: {  	_ =	shalt  }
0x51: {  	_ =	shalt  }
0x52: {  	_ =	shalt  }
0x53: {  	_ =	shalt  }
0x54: {  	_ =	shalt  }
0x55: {  	_ =	shalt  }
0x56: {  	_ =	shalt  }
0x57: {  	_ =	shalt  }
0x58: {  	_ =	shalt  }
0x59: {  	_ =	shalt  }
0x5a: {  	_ =	shalt  }
0x5b: {  	_ =	shalt  }
0x5c: {  	_ =	shalt  }
0x5d: {  	_ =	shalt  }
0x5e: {  	_ =	shalt  }
0x5f: {  	_ =	shalt  }
0x60: {  	_ =	shalt  }
0x61: {  	_ =	shalt  }
0x62: {  	_ =	shalt  }
0x63: {  	_ =	shalt  }
0x64: {  	_ =	shalt  }
0x65: {  	_ =	shalt  }
0x66: {  	_ =	shalt  }
0x67: {  	_ =	shalt  }
0x68: {  	_ =	shalt  }
0x69: {  	_ =	shalt  }
0x6a: {  	_ =	shalt  }
0x6b: {  	_ =	shalt  }
0x6c: {  	_ =	shalt  }
0x6d: {  	_ =	shalt  }
0x6e: {  	_ =	shalt  }
0x6f: {  	_ =	shalt  }
0x70: {  	_ =	shalt  }
0x71: {  	_ =	shalt  }
0x72: {  	_ =	shalt  }
0x73: {  	_ =	shalt  }
0x74: {  	_ =	shalt  }
0x75: {  	_ =	shalt  }
0x76: {  	_ =	shalt  }
0x77: {  	_ =	shalt  }
0x78: {  	_ =	shalt  }
0x79: {  	_ =	shalt  }
0x7a: {  	_ =	shalt  }
0x7b: {  	_ =	shalt  }
0x7c: {  	_ =	shalt  }
0x7d: {  	_ =	shalt  }
0x7e: {  	_ =	shalt  }
0x7f: {  	_ =	shalt  }
0x80: {  	_ =	shalt  }
0x81: {  	_ =	shalt  }
0x82: {  	_ =	shalt  }
0x83: {  	_ =	shalt  }
0x84: {  	_ =	shalt  }
0x85: {  	_ =	shalt  }
0x86: {  	_ =	shalt  }
0x87: {  	_ =	shalt  }
.Lfunc_end0:
.L_simem_size_0:
called_computation.3_lowered:
.L_overlay_start_0:
0x88: {  	s2 =	sld [smem:$0x3FD9]  }
0x89: {  	s3 =	sld [smem:$0x3FFE];
	_ =	sdelay $0x1  }
0x8a: {  	s1 =	srdreg.scid  }
0x8b: {  	s0 =	sand.u32 $0x1, s1  }
0x8c: {  	s17 =	sshll.u32 s0, $0xA;
	s2 =	sadd.s32 s3, s2  }
0x8d: {  	s2 =	sadd.s32 s2, s17  }
0x8e: {  	[smem:$0x3FBD] =	sst s2  }
0x8f: {  	_ = 	snop  }
0x90: {  	s2 =	sld [smem:$0x3FD0];
	(tm) =	ssettm $0x1  }
0x91: {  	s18 =	sld [smem:$0x3FFB];
	_ =	sdelay $0x3  }
0x92: {  	_ =	strace s18  }
0x93: {  	s3 =	sld [smem:$0x3FFC];
	_ =	sdelay $0x3  }
0x94: {  	_ =	strace s3  }
0x95: {  	s3 =	sld [smem:$0x3FFD];
	_ =	sdelay $0x3  }
0x96: {  	_ =	strace s3  }
0x97: {  	_ =	strace $0x8FFFFFFF  }
0x98: {  	s19 =	sld [smem:$0x3FDB];
	_ =	sdelay $0x1  }
0x99: {  	s4 =	simm.s32 $_scs_section_size  }
0x9a: {  	s5 =	simm.s32 $_size__tile_overlayer_lowered;
	s6 =	simm.s32 $_tile_overlayer_lowered  }
0x9b: {  	s22 =	simm.s32 $0x1BFF;
	s21 =	sshll.u32 s6, $0x1;
	s3 =	sadd.s32 s4, s19  }
0x9c: {  	s7 =	simm.s32 $0x0;
	s20 =	sshll.u32 s5, $0x1;
	s5 =	sadd.s32 s21, s3  }
0x9d: {  	[timem:s7], [sflag:s22] =	dma.local [hbm:s5], s20  }
0x9e: {  	_ =	swait.ge [sflag:s22], s20  }
0x9f: {  	s4 =	ssub.s32 $0x0, s20;
	[sflag:s22] =	ssyncset.done $0x0  }
0xa0: {  	[sflag:s22] =	ssyncadd.s32 s4;
	_ =	sdelay $0x1  }
0xa1: {  	s23 =	simm.s32 $0x1B8B  }
0xa2: {  	_ =	swait.ge [sflag:s23], $0x1  }
0xa3: {  	[sflag:s23] =	ssyncset.done $0x0  }
0xa4: {  	s25 =	simm.s32 $0x1B8E;
	s24 =	sld [smem:$0x3FFE];
	[sflag:s23] =	ssyncadd.s32 $0xFFFFFFFF  }
0xa5: {  	s26 =	simm.s32 $execute0_lowered;
	[smem:$0x3FD2] =	sst s25  }
0xa6: {  	s5 =	sshll.u32 s26, $0x1;
	_ =	strace $0x8000004F;
	[dreg:$0x1] =	wrdreg $0xFFFFFFFF  }
0xa7: {  	s28 =	simm.s32 $_size_execute0_lowered;
	s3 =	sadd.s32 s3, s5;
	[dreg:$0x0] =	wrdreg $0x0  }
0xa8: {  	s5 =	sshll.u32 s28, $0x1;
	[dreg:$0x2] =	wrdreg s3  }
0xa9: {  	[dreg:$0x3] =	wrdreg s5  }
0xaa: {  	[dreg:$0x4] =	wrdreg $0xC0  }
0xab: {  	_ =	task [dreg:s7], $0x5FFFF  }
0xac: {  	[dreg:$0x1] =	wrdreg $0xFFFFFFFF  }
0xad: {  	[dreg:$0x0] =	wrdreg $0x60  }
0xae: {  	[dreg:$0x2] =	wrdreg s2  }
0xaf: {  	[dreg:$0x3] =	wrdreg s24  }
0xb0: {  	[dreg:$0x4] =	wrdreg $0x76200  }
0xb1: {  	[dreg:$0x5] =	wrdreg $0x9  }
0xb2: {  	_ =	task.clear_ibuf [dreg:s7], $0x6FFFF;
	_ =	strace $0x9000004F  }
0xb3: {  	s29 =	simm.s32 $0x9;
	_ =	strace $0x80000051  }
0xb4: {  	_ =	swait.ge [sflag:s29], $0x1  }
0xb5: {  	[sflag:s29] =	ssyncadd.s32 $0xFFFFFFFF  }
0xb6: {  	_ =	strace $0x90000051  }
0xb7: {  	_ =	sfence  }
0xb8: {  	s30 =	sld [smem:$0x0];
	_ =	sdelay $0x2  }
0xb9: {  	s31 =	sshll.u32 s1, $0xD;
	s1 =	sshrl.u32 s1, $0x2  }
0xba: {  	s3 =	sand.u32 $0x4000, s31;
	s1 =	sadd.s32 s1, s30  }
0xbb: {  	s0 =	sor.u32 s3, s0;
	s1 =	sshll.u32 s1, $0x11  }
0xbc: {  	s0 =	sor.u32 s1, s0  }
0xbd: {  	s0 =	sadd.s32 $0x8F2B, s0  }
0xbe: {  	[sflag:s0] =	ssyncadd.remote.s32 $0x1  }
0xbf: {  	_ =	sfence.sel $0xFFFF  }
0xc0: {  	[dreg:$0x0] =	wrdreg $0xFFFFFFFF;
	(pc) =	sbr.abs _section_cstart, $3  }
0xc1: {  	[dreg:$0x1] =	wrdreg $0xFFFFFFFF  }
0xc2: {  	_ =	task.clear_ibuf [dreg:s7], $0x2FFFF;
	_ =	strace $0x9FFFFFFF  }
0xc3: {  	(tm) =	ssettm $0x7FFFFFFF  }
tec
execute0_lowered:
.L_overlay_start_1:
0x0: {  	(tag) =	ssettag $0x1  }
0x1: {  	s1 =	rddreg [dreg:$0x0]  }
0x2: {  	s0 =	srdreg.scid;
	s6 =	rddreg [dreg:$0x1]  }
0x3: {  	s9 =	stileid.u32;
	s3 =	rddreg [dreg:$0x2];
	s4 =	simm.s32 $0x0  }
0x4: {  	s20 =	simm.s32 $0x3;
	s22 =	simm.s32 $0x28;
	s23 =	simm.s32 $0x4E20  }
0x5: {  	s24 =	simm.s32 $0x6220;
	s29 =	simm.s32 $0x1CA20;
	s30 =	simm.s32 $0x1DE20  }
0x6: {  	s31 =	simm.s32 $0x1;
	s28 =	simm.s32 $0x0;
	s0 =	sand.u32 $0x1, s0  }
0x7: {  	s8 =	smul.u32 $0x14000, s9;
	[smem:$0x7FF] =	sst s4;
	s25 =	sadd.s32 $0x18000, s6  }
0x8: {  	s2 =	sshll.u32 s0, $0x4;
	s5 =	smul.u32 $0x140000, s0;
	_ =	strace $0x80000050  }
0x9: {  	s0 =	ssub.s32 $0x2, s0;
	[dreg:$0x4] =	wrdreg s25;
	s25 =	simm.s32 $0x50  }
0xa: {  	s2 =	sor.u32 s9, s2;
	s9 =	smul.u32 $0x50000, s9;
	s10 =	sshrl.u32 s0, $0x1  }
0xb: {  	s2 =	smul.u32 $0x4E2, s2;
	s7 =	sadd.s32 s8, s5;
	s0 =	ssub.s32 s0, s10  }
0xc: {  	s8 =	sadd.s32 s8, s3;
	s7 =	sshrl.u32 s7, $0x3;
	s9 =	sshrl.u32 s9, $0x2  }
0xd: {  	s19 =	smax.u32 s0, $0x1;
	s2 =	sadd.s32 s2, s6;
	s18 =	sadd.s32 s7, s6  }
0xe: {  	s26 =	sadd.s32 s9, s3;
	s6 =	sadd.s32 $0xDA00, s2;
	s7 =	sadd.s32 $0x3C00, s2  }
0xf: {  	s9 =	sadd.s32 $0x2000, s26;
	s10 =	sadd.s32 $0x4000, s26;
	s11 =	sadd.s32 $0x6000, s26  }
0x10: {  	s12 =	sadd.s32 $0x8000, s26;
	s13 =	sadd.s32 $0xA000, s26;
	s14 =	sadd.s32 $0xC000, s26  }
0x11: {  	s15 =	sadd.s32 $0xE000, s26;
	s16 =	sadd.s32 $0x10000, s26;
	s17 =	sadd.s32 $0x12000, s26  }
0x12: {  	s18 =	sadd.s32 $0x18400, s18;
	s26 =	simm.s32 $0x1B620;
	s2 =	simm.s32 $0x2  }
.LBB2_1:
0x13: {  	[tilespmem:s4], [sflag:$0x3] =	stream.linear.gather [hbm4b:s6+s4], $0x2710, $0x38;
	[tilespmem:$0x1FE20] =	vst v63  }
0x14: {  	_ =	swait.ge [sflag:s20], $0x2710  }
0x15: {  	[sflag:s20] =	ssyncset.done $0x0  }
0x16: {  	s0 =	simm.s32 $0x2710;
	[sflag:s20] =	ssyncadd.s32 $0xFFFFD8F0  }
0x17: {  	[tilespmem:s0], [sflag:$0x3] =	stream.linear.gather [hbm4b:s7+s4], $0x2710, $0x38;
	[tilespmem:$0x1FE20] =	vst v63  }
0x18: {  	_ =	swait.ge [sflag:s20], $0x2710  }
0x19: {  	[sflag:s20] =	ssyncset.done $0x0  }
0x1a: {  	[sflag:s20] =	ssyncadd.s32 $0xFFFFD8F0  }
0x1b: {  	[tilespmem:s23], [sflag:$0x1] =	stream.indirect.gather [hbm4b:s1+s22], $0x80, s4, s22, $0xb8;
	[tilespmem:$0x1FE20] =	vst v63  }
0x1c: {  	_ = 	snop  }
0x1d: {  	[tilespmem:s24], [sflag:$0x1] =	stream.indirect.gather [hbm4b:s1+s22], $0x80, s22, s22, $0xb8;
	[tilespmem:$0x1FE20] =	vst v63  }
0x1e: {  	_ = 	snop  }
0x1f: {  	[tilespmem:s26], [sflag:$0x2] =	stream.indirect.gather [hbm4b:s1+s22], $0x80, s25, s22, $0xb8;
	[tilespmem:$0x1FE20] =	vst v63  }
0x20: {  	s21 =	simm.s32 $0x78  }
0x21: {  	[tilespmem:s29], [sflag:$0x2] =	stream.indirect.gather [hbm4b:s1+s22], $0x80, s21, s22, $0xb8;
	[tilespmem:$0x1FE20] =	vst v63  }
0x22: {  	s5 =	rddreg [dreg:$0x4]  }
0x23: {  	[tilespmem:s30], [sflag:$0x3] =	stream.linear.gather [hbm4b:s5+s4], $0x2000, $0x38;
	[tilespmem:$0x1FE20] =	vst v63  }
0x24: {  	_ =	swait.ge [sflag:s20], $0x2000  }
0x25: {  	[sflag:s20] =	ssyncset.done $0x0  }
0x26: {  	[sflag:s20] =	ssyncadd.s32 $0xFFFFE000  }
0x27: {  	[spmem:s8] =	stream.linear.scatter [tilespmem:s30], [sflag:$0x3], $0x2000, $0x38;
	[tilespmem:$0x1FE20] =	vst v63  }
0x28: {  	_ =	swait.ge [sflag:s20], $0x2000  }
0x29: {  	[sflag:s20] =	ssyncset.done $0x0  }
0x2a: {  	[sflag:s20] =	ssyncadd.s32 $0xFFFFE000  }
0x2b: {  	[spmem:s9] =	stream.linear.scatter [tilespmem:s30], [sflag:$0x3], $0x2000, $0x38;
	[tilespmem:$0x1FE20] =	vst v63  }
0x2c: {  	_ =	swait.ge [sflag:s20], $0x2000  }
0x2d: {  	[sflag:s20] =	ssyncset.done $0x0  }
0x2e: {  	[sflag:s20] =	ssyncadd.s32 $0xFFFFE000  }
0x2f: {  	[spmem:s10] =	stream.linear.scatter [tilespmem:s30], [sflag:$0x3], $0x2000, $0x38;
	[tilespmem:$0x1FE20] =	vst v63  }
0x30: {  	_ =	swait.ge [sflag:s20], $0x2000  }
0x31: {  	[sflag:s20] =	ssyncset.done $0x0  }
0x32: {  	[sflag:s20] =	ssyncadd.s32 $0xFFFFE000  }
0x33: {  	[spmem:s11] =	stream.linear.scatter [tilespmem:s30], [sflag:$0x3], $0x2000, $0x38;
	[tilespmem:$0x1FE20] =	vst v63  }
0x34: {  	_ =	swait.ge [sflag:s20], $0x2000  }
0x35: {  	[sflag:s20] =	ssyncset.done $0x0  }
0x36: {  	[sflag:s20] =	ssyncadd.s32 $0xFFFFE000  }
0x37: {  	[spmem:s12] =	stream.linear.scatter [tilespmem:s30], [sflag:$0x3], $0x2000, $0x38;
	[tilespmem:$0x1FE20] =	vst v63  }
0x38: {  	_ =	swait.ge [sflag:s20], $0x2000  }
0x39: {  	[sflag:s20] =	ssyncset.done $0x0  }
0x3a: {  	[sflag:s20] =	ssyncadd.s32 $0xFFFFE000  }
0x3b: {  	[spmem:s13] =	stream.linear.scatter [tilespmem:s30], [sflag:$0x3], $0x2000, $0x38;
	[tilespmem:$0x1FE20] =	vst v63  }
0x3c: {  	_ =	swait.ge [sflag:s20], $0x2000  }
0x3d: {  	[sflag:s20] =	ssyncset.done $0x0  }
0x3e: {  	[sflag:s20] =	ssyncadd.s32 $0xFFFFE000  }
0x3f: {  	[spmem:s14] =	stream.linear.scatter [tilespmem:s30], [sflag:$0x3], $0x2000, $0x38;
	[tilespmem:$0x1FE20] =	vst v63  }
0x40: {  	_ =	swait.ge [sflag:s20], $0x2000  }
0x41: {  	[sflag:s20] =	ssyncset.done $0x0  }
0x42: {  	[sflag:s20] =	ssyncadd.s32 $0xFFFFE000  }
0x43: {  	[spmem:s15] =	stream.linear.scatter [tilespmem:s30], [sflag:$0x3], $0x2000, $0x38;
	[tilespmem:$0x1FE20] =	vst v63  }
0x44: {  	_ =	swait.ge [sflag:s20], $0x2000  }
0x45: {  	[sflag:s20] =	ssyncset.done $0x0  }
0x46: {  	[sflag:s20] =	ssyncadd.s32 $0xFFFFE000  }
0x47: {  	[spmem:s16] =	stream.linear.scatter [tilespmem:s30], [sflag:$0x3], $0x2000, $0x38;
	[tilespmem:$0x1FE20] =	vst v63  }
0x48: {  	_ =	swait.ge [sflag:s20], $0x2000  }
0x49: {  	[sflag:s20] =	ssyncset.done $0x0  }
0x4a: {  	[sflag:s20] =	ssyncadd.s32 $0xFFFFE000  }
0x4b: {  	[spmem:s17] =	stream.linear.scatter [tilespmem:s30], [sflag:$0x3], $0x2000, $0x38;
	[tilespmem:$0x1FE20] =	vst v63  }
0x4c: {  	_ =	swait.ge [sflag:s20], $0x2000  }
0x4d: {  	[sflag:s20] =	ssyncset.done $0x0  }
0x4e: {  	[sflag:s20] =	ssyncadd.s32 $0xFFFFE000  }
0x4f: {  	[bflag:$0x0] =	sbarrier.arrive $0xFFFF  }
0x50: {  	_ =	swait.ge [sflag:s31], $0x2800  }
0x51: {  	[sflag:s31] =	ssyncset.done $0x0  }
0x52: {  	s21 =	simm.s32 $0x2710;
	[sflag:s31] =	ssyncadd.s32 $0xFFFFD800  }
0x53: {  	[spmem:s3] =	stream.indirect.scatter.add.f32 [tilespmem:s23], [sflag:$0x3], $0x80, s21, s25, $0xb8;
	[tilespmem:$0x1FE20] =	vst v63  }
0x54: {  	_ =	swait.ge [sflag:s20], $0x2800  }
0x55: {  	[sflag:s20] =	ssyncset.done $0x0  }
0x56: {  	s5 =	simm.s32 $0xA0;
	[sflag:s20] =	ssyncadd.s32 $0xFFFFD800  }
0x57: {  	[tilespmem:s23], [sflag:$0x1] =	stream.indirect.gather [hbm4b:s1+s22], $0x80, s5, s22, $0xb8;
	[tilespmem:$0x1FE20] =	vst v63  }
0x58: {  	s21 =	simm.s32 $0xC8  }
0x59: {  	[tilespmem:s24], [sflag:$0x1] =	stream.indirect.gather [hbm4b:s1+s22], $0x80, s21, s22, $0xb8;
	[tilespmem:$0x1FE20] =	vst v63  }
0x5a: {  	_ =	swait.ge [sflag:s2], $0x2800  }
0x5b: {  	[sflag:s2] =	ssyncset.done $0x0  }
0x5c: {  	s5 =	simm.s32 $0x2760;
	[sflag:s2] =	ssyncadd.s32 $0xFFFFD800  }
0x5d: {  	[spmem:s3] =	stream.indirect.scatter.add.f32 [tilespmem:s26], [sflag:$0x3], $0x80, s5, s25, $0xb8;
	[tilespmem:$0x1FE20] =	vst v63  }
0x5e: {  	_ =	swait.ge [sflag:s20], $0x2800  }
0x5f: {  	[sflag:s20] =	ssyncset.done $0x0  }
0x60: {  	s21 =	simm.s32 $0xF0;
	[sflag:s20] =	ssyncadd.s32 $0xFFFFD800  }
0x61: {  	[tilespmem:s26], [sflag:$0x2] =	stream.indirect.gather [hbm4b:s1+s22], $0x80, s21, s22, $0xb8;
	[tilespmem:$0x1FE20] =	vst v63  }
0x62: {  	s0 =	simm.s32 $0x280;
	s21 =	simm.s32 $0x118  }
.LBB2_2:
0x63: {  	[tilespmem:s29], [sflag:$0x2] =	stream.indirect.gather [hbm4b:s1+s22], $0x80, s21, s22, $0xb8;
	[tilespmem:$0x1FE20] =	vst v63  }
0x64: {  	s21 =	smov.u32 s0  }
0x65: {  	p0 =	sne.s32 s0, $0x9600;
	s0 =	sadd.s32 $0x280, s0;
	_ =	swait.ge [sflag:s31], $0x2800  }
0x66: {  	s21 =	sshra.s32 s21, $0x2;
	[sflag:s31] =	ssyncset.done $0x0  }
0x67: {  	s5 =	sadd.s32 $0x2710, s21;
	[sflag:s31] =	ssyncadd.s32 $0xFFFFD800  }
0x68: {  	[spmem:s3] =	stream.indirect.scatter.add.f32 [tilespmem:s23], [sflag:$0x3], $0x80, s5, s25, $0xb8;
	[tilespmem:$0x1FE20] =	vst v63  }
0x69: {  	_ =	swait.ge [sflag:s20], $0x2800  }
0x6a: {  	[sflag:s20] =	ssyncset.done $0x0  }
0x6b: {  	s5 =	sadd.s32 $0xA0, s21;
	[sflag:s20] =	ssyncadd.s32 $0xFFFFD800  }
0x6c: {  	[tilespmem:s23], [sflag:$0x1] =	stream.indirect.gather [hbm4b:s1+s22], $0x80, s5, s22, $0xb8;
	[tilespmem:$0x1FE20] =	vst v63  }
0x6d: {  	s5 =	sadd.s32 $0xC8, s21  }
0x6e: {  	[tilespmem:s24], [sflag:$0x1] =	stream.indirect.gather [hbm4b:s1+s22], $0x80, s5, s22, $0xb8;
	[tilespmem:$0x1FE20] =	vst v63  }
0x6f: {  	_ =	swait.ge [sflag:s2], $0x2800  }
0x70: {  	[sflag:s2] =	ssyncset.done $0x0  }
0x71: {  	s5 =	sadd.s32 $0x2760, s21;
	[sflag:s2] =	ssyncadd.s32 $0xFFFFD800  }
0x72: {  	[spmem:s3] =	stream.indirect.scatter.add.f32 [tilespmem:s26], [sflag:$0x3], $0x80, s5, s25, $0xb8;
	[tilespmem:$0x1FE20] =	vst v63  }
.Ltmp0:
0x73: {  	_ =	swait.ge [sflag:s20], $0x2800;
	(pc) =	sbr.rel @p0 .LBB2_2-.Ltmp0, $4  }
0x74: {  	[sflag:s20] =	ssyncset.done $0x0  }
0x75: {  	s5 =	sadd.s32 $0xF0, s21;
	[sflag:s20] =	ssyncadd.s32 $0xFFFFD800  }
0x76: {  	[tilespmem:s26], [sflag:$0x2] =	stream.indirect.gather [hbm4b:s1+s22], $0x80, s5, s22, $0xb8;
	[tilespmem:$0x1FE20] =	vst v63  }
0x77: {  	s21 =	sadd.s32 $0x118, s21  }
0x78: {  	[tilespmem:s29], [sflag:$0x2] =	stream.indirect.gather [hbm4b:s1+s22], $0x80, s21, s22, $0xb8;
	[tilespmem:$0x1FE20] =	vst v63  }
0x79: {  	_ =	swait.ge [sflag:s31], $0x2800  }
0x7a: {  	[sflag:s31] =	ssyncset.done $0x0  }
0x7b: {  	s0 =	simm.s32 $0x4D30;
	[sflag:s31] =	ssyncadd.s32 $0xFFFFD800  }
0x7c: {  	[spmem:s3] =	stream.indirect.scatter.add.f32 [tilespmem:s23], [sflag:$0x3], $0x80, s0, s25, $0xb8;
	[tilespmem:$0x1FE20] =	vst v63  }
0x7d: {  	_ =	swait.ge [sflag:s20], $0x2800  }
0x7e: {  	[sflag:s20] =	ssyncset.done $0x0  }
0x7f: {  	s21 =	simm.s32 $0x26C0;
	[sflag:s20] =	ssyncadd.s32 $0xFFFFD800  }
0x80: {  	[tilespmem:s23], [sflag:$0x1] =	stream.indirect.gather [hbm4b:s1+s22], $0x80, s21, s22, $0xb8;
	[tilespmem:$0x1FE20] =	vst v63  }
0x81: {  	s5 =	simm.s32 $0x26E8  }
0x82: {  	[tilespmem:s24], [sflag:$0x1] =	stream.indirect.gather [hbm4b:s1+s22], $0x80, s5, s22, $0xb8;
	[tilespmem:$0x1FE20] =	vst v63  }
0x83: {  	_ =	swait.ge [sflag:s2], $0x2800  }
0x84: {  	[sflag:s2] =	ssyncset.done $0x0  }
0x85: {  	s21 =	simm.s32 $0x4D80;
	[sflag:s2] =	ssyncadd.s32 $0xFFFFD800  }
0x86: {  	[spmem:s3] =	stream.indirect.scatter.add.f32 [tilespmem:s26], [sflag:$0x3], $0x80, s21, s25, $0xb8;
	[tilespmem:$0x1FE20] =	vst v63  }
0x87: {  	_ =	swait.ge [sflag:s20], $0x2800  }
0x88: {  	[sflag:s20] =	ssyncset.done $0x0  }
0x89: {  	[sflag:s20] =	ssyncadd.s32 $0xFFFFD800  }
0x8a: {  	_ =	swait.ge [sflag:s31], $0x2800  }
0x8b: {  	[sflag:s31] =	ssyncset.done $0x0  }
0x8c: {  	s5 =	simm.s32 $0x4DD0;
	[sflag:s31] =	ssyncadd.s32 $0xFFFFD800  }
0x8d: {  	[spmem:s3] =	stream.indirect.scatter.add.f32 [tilespmem:s23], [sflag:$0x3], $0x80, s5, s25, $0xb8;
	[tilespmem:$0x1FE20] =	vst v63  }
0x8e: {  	s21 =	stileid.u32;
	_ =	swait.ge [sflag:s20], $0x2800  }
0x8f: {  	s28 =	sadd.s32 $0x1, s28;
	s0 =	sshll.u32 s21, $0x6;
	[sflag:s20] =	ssyncset.done $0x0  }
0x90: {  	p0 =	sne.s32 s28, s19;
	s0 =	sor.u32 $0x1C03, s0;
	[sflag:s20] =	ssyncadd.s32 $0xFFFFD800  }
.Ltmp1:
0x91: {  	s5 =	sshrl.u32 s8, $0x3;
	[bflag:$0x0] =	sbarrier.arrive $0xFFFF;
	(pc) =	sbr.rel @p0 .LBB2_1-.Ltmp1, $4  }
0x92: {  	[hbm:s18], [sflag:s0] =	dma.local [spmem:s5], $0x2800  }
0x93: {  	_ =	swait.ge [sflag:s20], $0x2800  }
0x94: {  	[sflag:s20] =	ssyncset.done $0x0  }
0x95: {  	[sflag:s20] =	ssyncadd.s32 $0xFFFFD800  }
0x96: {  	_ =	sfence.sel $0x180000  }
0x97: {  	[bflag:$0x0] =	sbarrier.arrive $0xFFFF  }
0x98: {  	_ =	strace $0x90000050  }
0x99: {  	s0 =	stileid.u32;
	[bflag:$0x2] =	sbarrier.arrive $0xFFFF  }
0x9a: {  	p0 =	sne.s32 s0, $0x0;
	s0 =	rddreg [dreg:$0x3]  }
0x9b: {  	s0 =	sadd.s32 @!p0 $0x100000, s0  }
0x9c: {  	[sflag:s0] =	ssyncadd.tile.s32 @!p0 $0x1;
	_ =	shalt  }
.Lfunc_end2:
_tile_overlayer_lowered:
.L_overlay_start_2:
0x9d: {  	(tag) =	ssettag $0x2  }
0x9e: {  	s0 =	rddreg [dreg:$0x0];
	s2 =	stileid.u32  }
0x9f: {  	s1 =	rddreg [dreg:$0x1];
	p0 =	sne.s32 s2, $0x0  }
0xa0: {  	s3 =	rddreg [dreg:$0x2];
	[bflag:$0x3] =	sbarrier.arrive $0xFFFF;
	s2 =	simm.s32 @!p0 $0x1C03  }
0xa1: {  	[timem:s3], [sflag:s2] =	dma.local @!p0 [hbm:s0], s1  }
0xa2: {  	s0 =	simm.s32 @!p0 $0x3  }
0xa3: {  	_ =	swait.ge @!p0 [sflag:s0], s1  }
0xa4: {  	s1 =	ssub.s32 @!p0 $0x0, s1;
	[sflag:s0] =	ssyncset.done @!p0 $0x0  }
0xa5: {  	[sflag:s0] =	ssyncadd.s32 @!p0 s1  }
0xa6: {  	[bflag:$0x3] =	sbarrier.arrive $0xFFFF  }
0xa7: {  	_ =	shalt  }

// kernel: kernel.9.cloned.1.call-start
scs
__scs_entry_jumppad:
0x0: {  	(pc) =	sbr.rel $0x88, $3  }
0x1: {  	(tag) =	ssettag $0x0;
	lr =	simm.s32 $0x1  }
0x2: {  	[smem:$0x3F96] =	sst lr;
	_ =	strace $0xD0000000  }
0x3: {  	_ = 	snop  }
0x4: {  	_ = 	snop  }
0x5: {  	_ = 	snop  }
0x6: {  	_ = 	snop  }
0x7: {  	_ = 	snop  }
__scs_overlays_trampoline_lowered:
0x8: {  	[smem:$0x3FA5] =	sst s0  }
0x9: {  	[smem:$0x3FA6] =	sst s1  }
0xa: {  	[smem:$0x3FA7] =	sst s2  }
0xb: {  	[smem:$0x3FA8] =	sst s3  }
0xc: {  	[smem:$0x3FA9] =	sst s4  }
0xd: {  	[smem:$0x3FAA] =	sst s5  }
0xe: {  	[smem:$0x3FAB] =	sst s6  }
0xf: {  	[smem:$0x3FAC] =	sst s7  }
0x10: {  	[smem:$0x3FAD] =	sst s8  }
0x11: {  	[smem:$0x3FAE] =	sst s9;
	s0 =	simm.s32 @!p0 $0x0  }
0x12: {  	s1 =	sld [smem:$0x3F94];
	s0 =	simm.s32 @p0 $0x1  }
0x13: {  	[smem:$0x3FAF] =	sst s0;
	s0 =	simm.s32 @!p1 $0x0  }
0x14: {  	s2 =	sld [smem:$0x3F93];
	s0 =	simm.s32 @p1 $0x1  }
0x15: {  	[smem:$0x3FB0] =	sst s0;
	s0 =	simm.s32 @!p2 $0x0  }
0x16: {  	s3 =	sld [smem:$0x3FDB];
	s0 =	simm.s32 @p2 $0x1  }
0x17: {  	s4 =	simm.s32 $0x1BF5;
	[smem:$0x3FB2] =	sst s0  }
0x18: {  	s0 =	sld [smem:$0x3F95];
	_ =	swait.ge [sflag:s4], $0x0  }
0x19: {  	s7 =	sld [smem:$0x3F96]  }
0x1a: {  	s8 =	sadd.s32 $0xFFFFE003, lr  }
0x1b: {  	s9 =	sadd.s32 $0xFFFFFEF7, lr;
	s5 =	simm.s32 $0xFFFFFFFF;
	p2 =	slt.u32 s8, $0xFFFFF086  }
0x1c: {  	p1 =	slt.u32 s9, $0xF7A;
	s5 =	simm.s32 @!p2 $0x0  }
0x1d: {  	s5 =	simm.s32 @p1 $0x1;
	p0 =	seq.s32 s7, s2  }
0x1e: {  	s7 =	smul.u32 @!p0 $0xF7A, s2;
	p2 =	seq.s32 @!p0 s5, $0x0  }
0x1f: {  	s9 =	smul.u32 $0xF7A, s1;
	s8 =	simm.s32 @!p0 $0x1BF5;
	p2 =	por !p2, p0  }
0x20: {  	[sflag:s8] =	ssyncset.s32 @!p0 $0xFFFFF086;
	s6 =	sadd.s32 @!p0 s3, s7;
	s7 =	simm.s32 @!p0 $0x108  }
0x21: {  	s3 =	sadd.s32 s3, s9;
	s6 =	sadd.s32 @!p0 $0x88, s6;
	s7 =	simm.s32 @p2 $0x1082  }
0x22: {  	[simem:s7], [sflag:s8] =	dma.local @!p0 [hbm:s6], $0xF7A  }
0x23: {  	s9 =	sor.u32 $0xD0000000, s2;
	s6 =	simm.s32 $0x108;
	_ =	swait.ge @!p0 [sflag:s8], $0x0  }
0x24: {  	s3 =	sadd.s32 $0x88, s3;
	s6 =	simm.s32 @!p1 $0x1082;
	[sflag:s4] =	ssyncset.s32 $0xFFFFF086  }
0x25: {  	[simem:s6], [sflag:s4] =	dma.local [hbm:s3], $0xF7A  }
0x26: {  	[smem:$0x3F96] =	sst s1;
	(tag) =	ssettag s2;
	_ =	strace s9  }
0x27: {  	s1 =	sld [smem:$0x3FA6]  }
0x28: {  	s2 =	sld [smem:$0x3FA7]  }
0x29: {  	s4 =	sld [smem:$0x3FA9]  }
0x2a: {  	p0 =	seq.s32 s5, $0x0;
	s5 =	sld [smem:$0x3FAA]  }
0x2b: {  	s6 =	sld [smem:$0x3FAB]  }
0x2c: {  	s7 =	sld [smem:$0x3FAC]  }
0x2d: {  	s3 =	simm.s32 $0x108;
	s8 =	sld [smem:$0x3FAD]  }
0x2e: {  	s3 =	simm.s32 @!p0 $0x1082;
	s9 =	sld [smem:$0x3FAE]  }
0x2f: {  	lr =	sadd.s32 s0, s3;
	s0 =	sld [smem:$0x3FA5]  }
0x30: {  	s3 =	sld [smem:$0x3FA8]  }
0x31: {  	[smem:$0x3FB1] =	sst s10  }
0x32: {  	s10 =	sld [smem:$0x3FAF];
	_ =	sdelay $0x3  }
0x33: {  	p0 =	seq.s32 s10, $0x1;
	s10 =	sld [smem:$0x3FB1];
	_ =	sdelay $0x3  }
0x34: {  	[smem:$0x3FB1] =	sst s10  }
0x35: {  	s10 =	sld [smem:$0x3FB0];
	_ =	sdelay $0x3  }
0x36: {  	p1 =	seq.s32 s10, $0x1;
	s10 =	sld [smem:$0x3FB1];
	_ =	sdelay $0x3  }
0x37: {  	[smem:$0x3FB1] =	sst s10  }
0x38: {  	s10 =	sld [smem:$0x3FB2]  }
0x39: {  	_ = 	snop;
	(pc) =	sbr.ind lr, $3  }
0x3a: {  	_ = 	snop  }
0x3b: {  	_ = 	snop  }
0x3c: {  	p2 =	seq.s32 s10, $0x1;
	s10 =	sld [smem:$0x3FB1]  }
0x3d: {  	_ =	shalt  }
0x3e: {  	_ =	shalt  }
0x3f: {  	_ =	shalt  }
0x40: {  	_ =	shalt  }
0x41: {  	_ =	shalt  }
0x42: {  	_ =	shalt  }
0x43: {  	_ =	shalt  }
0x44: {  	_ =	shalt  }
0x45: {  	_ =	shalt  }
0x46: {  	_ =	shalt  }
0x47: {  	_ =	shalt  }
0x48: {  	_ =	shalt  }
0x49: {  	_ =	shalt  }
0x4a: {  	_ =	shalt  }
0x4b: {  	_ =	shalt  }
0x4c: {  	_ =	shalt  }
0x4d: {  	_ =	shalt  }
0x4e: {  	_ =	shalt  }
0x4f: {  	_ =	shalt  }
0x50: {  	_ =	shalt  }
0x51: {  	_ =	shalt  }
0x52: {  	_ =	shalt  }
0x53: {  	_ =	shalt  }
0x54: {  	_ =	shalt  }
0x55: {  	_ =	shalt  }
0x56: {  	_ =	shalt  }
0x57: {  	_ =	shalt  }
0x58: {  	_ =	shalt  }
0x59: {  	_ =	shalt  }
0x5a: {  	_ =	shalt  }
0x5b: {  	_ =	shalt  }
0x5c: {  	_ =	shalt  }
0x5d: {  	_ =	shalt  }
0x5e: {  	_ =	shalt  }
0x5f: {  	_ =	shalt  }
0x60: {  	_ =	shalt  }
0x61: {  	_ =	shalt  }
0x62: {  	_ =	shalt  }
0x63: {  	_ =	shalt  }
0x64: {  	_ =	shalt  }
0x65: {  	_ =	shalt  }
0x66: {  	_ =	shalt  }
0x67: {  	_ =	shalt  }
0x68: {  	_ =	shalt  }
0x69: {  	_ =	shalt  }
0x6a: {  	_ =	shalt  }
0x6b: {  	_ =	shalt  }
0x6c: {  	_ =	shalt  }
0x6d: {  	_ =	shalt  }
0x6e: {  	_ =	shalt  }
0x6f: {  	_ =	shalt  }
0x70: {  	_ =	shalt  }
0x71: {  	_ =	shalt  }
0x72: {  	_ =	shalt  }
0x73: {  	_ =	shalt  }
0x74: {  	_ =	shalt  }
0x75: {  	_ =	shalt  }
0x76: {  	_ =	shalt  }
0x77: {  	_ =	shalt  }
0x78: {  	_ =	shalt  }
0x79: {  	_ =	shalt  }
0x7a: {  	_ =	shalt  }
0x7b: {  	_ =	shalt  }
0x7c: {  	_ =	shalt  }
0x7d: {  	_ =	shalt  }
0x7e: {  	_ =	shalt  }
0x7f: {  	_ =	shalt  }
0x80: {  	_ =	shalt  }
0x81: {  	_ =	shalt  }
0x82: {  	_ =	shalt  }
0x83: {  	_ =	shalt  }
0x84: {  	_ =	shalt  }
0x85: {  	_ =	shalt  }
0x86: {  	_ =	shalt  }
0x87: {  	_ =	shalt  }
.Lfunc_end0:
.L_simem_size_0:
called_computation_lowered:
.L_overlay_start_0:
0x88: {  	s2 =	sld [smem:$0x3FD9]  }
0x89: {  	s3 =	sld [smem:$0x3FFE];
	_ =	sdelay $0x1  }
0x8a: {  	s1 =	srdreg.scid  }
0x8b: {  	s0 =	sand.u32 $0x1, s1  }
0x8c: {  	s17 =	sshll.u32 s0, $0xA;
	s2 =	sadd.s32 s3, s2  }
0x8d: {  	s2 =	sadd.s32 s2, s17  }
0x8e: {  	[smem:$0x3FBD] =	sst s2  }
0x8f: {  	_ = 	snop  }
0x90: {  	s2 =	sld [smem:$0x3FD0];
	(tm) =	ssettm $0x1  }
0x91: {  	s18 =	sld [smem:$0x3FFB];
	_ =	sdelay $0x3  }
0x92: {  	_ =	strace s18  }
0x93: {  	s3 =	sld [smem:$0x3FFC];
	_ =	sdelay $0x3  }
0x94: {  	_ =	strace s3  }
0x95: {  	s3 =	sld [smem:$0x3FFD];
	_ =	sdelay $0x3  }
0x96: {  	_ =	strace s3  }
0x97: {  	_ =	strace $0x8FFFFFFF  }
0x98: {  	s19 =	sld [smem:$0x3FDB];
	_ =	sdelay $0x1  }
0x99: {  	s4 =	simm.s32 $_scs_section_size  }
0x9a: {  	s5 =	simm.s32 $_size__tile_overlayer_lowered;
	s6 =	simm.s32 $_tile_overlayer_lowered  }
0x9b: {  	s22 =	simm.s32 $0x1BFF;
	s21 =	sshll.u32 s6, $0x1;
	s3 =	sadd.s32 s4, s19  }
0x9c: {  	s7 =	simm.s32 $0x0;
	s20 =	sshll.u32 s5, $0x1;
	s5 =	sadd.s32 s21, s3  }
0x9d: {  	[timem:s7], [sflag:s22] =	dma.local [hbm:s5], s20  }
0x9e: {  	_ =	swait.ge [sflag:s22], s20  }
0x9f: {  	s4 =	ssub.s32 $0x0, s20;
	[sflag:s22] =	ssyncset.done $0x0  }
0xa0: {  	[sflag:s22] =	ssyncadd.s32 s4;
	_ =	sdelay $0x1  }
0xa1: {  	s23 =	simm.s32 $0x1B8B  }
0xa2: {  	_ =	swait.ge [sflag:s23], $0x1  }
0xa3: {  	[sflag:s23] =	ssyncset.done $0x0  }
0xa4: {  	s25 =	simm.s32 $0x1B8E;
	s24 =	sld [smem:$0x3FFE];
	[sflag:s23] =	ssyncadd.s32 $0xFFFFFFFF  }
0xa5: {  	s26 =	simm.s32 $execute0_lowered;
	[smem:$0x3FD2] =	sst s25  }
0xa6: {  	s5 =	sshll.u32 s26, $0x1;
	_ =	strace $0x80000046;
	[dreg:$0x1] =	wrdreg $0xFFFFFFFF  }
0xa7: {  	s28 =	simm.s32 $_size_execute0_lowered;
	s3 =	sadd.s32 s3, s5;
	[dreg:$0x0] =	wrdreg $0x0  }
0xa8: {  	s5 =	sshll.u32 s28, $0x1;
	[dreg:$0x2] =	wrdreg s3  }
0xa9: {  	[dreg:$0x3] =	wrdreg s5  }
0xaa: {  	[dreg:$0x4] =	wrdreg $0xC0  }
0xab: {  	_ =	task [dreg:s7], $0x5FFFF  }
0xac: {  	[dreg:$0x1] =	wrdreg $0xFFFFFFFF  }
0xad: {  	[dreg:$0x0] =	wrdreg $0x60  }
0xae: {  	[dreg:$0x2] =	wrdreg s24  }
0xaf: {  	[dreg:$0x3] =	wrdreg s2  }
0xb0: {  	[dreg:$0x4] =	wrdreg $0x2C100  }
0xb1: {  	[dreg:$0x5] =	wrdreg $0x9  }
0xb2: {  	_ =	task.clear_ibuf [dreg:s7], $0x6FFFF;
	_ =	strace $0x90000046  }
0xb3: {  	s29 =	simm.s32 $0x9;
	_ =	strace $0x80000048  }
0xb4: {  	_ =	swait.ge [sflag:s29], $0x1  }
0xb5: {  	[sflag:s29] =	ssyncadd.s32 $0xFFFFFFFF  }
0xb6: {  	_ =	strace $0x90000048  }
0xb7: {  	_ =	sfence  }
0xb8: {  	s30 =	sld [smem:$0x0];
	_ =	sdelay $0x2  }
0xb9: {  	s31 =	sshll.u32 s1, $0xD;
	s1 =	sshrl.u32 s1, $0x2  }
0xba: {  	s3 =	sand.u32 $0x4000, s31;
	s1 =	sadd.s32 s1, s30  }
0xbb: {  	s0 =	sor.u32 s3, s0;
	s1 =	sshll.u32 s1, $0x11  }
0xbc: {  	s0 =	sor.u32 s1, s0  }
0xbd: {  	s0 =	sadd.s32 $0x8F2B, s0  }
0xbe: {  	[sflag:s0] =	ssyncadd.remote.s32 $0x1  }
0xbf: {  	_ =	sfence.sel $0xFFFF  }
0xc0: {  	[dreg:$0x0] =	wrdreg $0xFFFFFFFF;
	(pc) =	sbr.abs _section_cstart, $3  }
0xc1: {  	[dreg:$0x1] =	wrdreg $0xFFFFFFFF  }
0xc2: {  	_ =	task.clear_ibuf [dreg:s7], $0x2FFFF;
	_ =	strace $0x9FFFFFFF  }
0xc3: {  	(tm) =	ssettm $0x7FFFFFFF  }
tec
execute0_lowered:
.L_overlay_start_1:
0x0: {  	(tag) =	ssettag $0x1  }
0x1: {  	s5 =	rddreg [dreg:$0x0]  }
0x2: {  	s7 =	rddreg [dreg:$0x1]  }
0x3: {  	s0 =	srdreg.scid;
	s2 =	rddreg [dreg:$0x2]  }
0x4: {  	s3 =	simm.s32 $0x0;
	s13 =	simm.s32 $0x50;
	s14 =	simm.s32 $0x0  }
0x5: {  	s4 =	sand.u32 $0x1, s0;
	s0 =	stileid.u32;
	[smem:$0x7FF] =	sst s3  }
0x6: {  	s1 =	sshll.u32 s4, $0x4;
	s8 =	smul.u32 $0x2800, s0;
	s9 =	ssub.s32 $0x2, s4  }
0x7: {  	s10 =	smul.u32 $0x28000, s4;
	s4 =	sadd.s32 $0x17A00, s5;
	s31 =	sshll.u32 s0, $0x6  }
0x8: {  	s6 =	sor.u32 s0, s1;
	s1 =	rddreg [dreg:$0x3];
	s11 =	sshrl.u32 s9, $0x1  }
0x9: {  	_ =	strace $0x80000047;
	s6 =	smul.u32 $0x4E2, s6;
	s9 =	ssub.s32 s9, s11  }
0xa: {  	s10 =	sadd.s32 s8, s10;
	s12 =	sadd.s32 s8, s2;
	s11 =	sor.u32 $0x1C01, s31  }
0xb: {  	s30 =	sshrl.u32 s10, $0x3;
	s8 =	smax.u32 s9, $0x1;
	s9 =	simm.s32 $0x2710  }
0xc: {  	s10 =	simm.s32 $0x1;
	s12 =	sshrl.u32 s12, $0x3;
	s6 =	sadd.s32 s6, s5  }
0xd: {  	s5 =	sadd.s32 $0x17800, s5;
	s7 =	sadd.s32 s7, s30;
	s6 =	sadd.s32 $0x3C00, s6  }
.LBB2_1:
0xe: {  	[tilespmem:s9], [sflag:$0x1] =	stream.linear.gather [hbm4b:s5+s3], $0x500, $0x38;
	[tilespmem:$0x5410] =	vst v63  }
0xf: {  	_ =	swait.ge [sflag:s10], $0x500  }
0x10: {  	[sflag:s10] =	ssyncset.done $0x0  }
0x11: {  	[sflag:s10] =	ssyncadd.s32 $0xFFFFFB00  }
0x12: {  	[spmem:s12], [sflag:s11] =	dma.local [hbm:s4], $0x500  }
0x13: {  	_ =	swait.ge [sflag:s10], $0x500  }
0x14: {  	[sflag:s10] =	ssyncset.done $0x0  }
0x15: {  	[sflag:s10] =	ssyncadd.s32 $0xFFFFFB00  }
0x16: {  	[bflag:$0x0] =	sbarrier.arrive $0xFFFF  }
0x17: {  	[tilespmem:s3], [sflag:$0x1] =	stream.linear.gather [hbm4b:s6+s3], $0x2710, $0x38;
	[tilespmem:$0x5410] =	vst v63  }
0x18: {  	_ =	swait.ge [sflag:s10], $0x2710  }
0x19: {  	[sflag:s10] =	ssyncset.done $0x0  }
0x1a: {  	s15 =	simm.s32 $0x0;
	[sflag:s10] =	ssyncadd.s32 $0xFFFFD8F0  }
0x1b: {  	[spmem:s2] =	stream.indirect.scatter.add.f32 [tilespmem:s9], [sflag:$0x1], $0x10, s15, s13, $0xb8;
	[tilespmem:$0x5410] =	vst v63  }
0x1c: {  	_ =	swait.ge [sflag:s10], $0x500  }
0x1d: {  	s15 =	simm.s32 $0x140;
	[sflag:s10] =	ssyncset.done $0x0  }
.LBB2_2:
0x1e: {  	s16 =	sshra.s32 s15, $0x2;
	[sflag:s10] =	ssyncadd.s32 $0xFFFFFB00;
	p0 =	sne.s32 s15, $0x9B00  }
0x1f: {  	[spmem:s2] =	stream.indirect.scatter.add.f32 [tilespmem:s9], [sflag:$0x1], $0x10, s16, s13, $0xb8;
	[tilespmem:$0x5410] =	vst v63  }
.Ltmp0:
0x20: {  	_ = 	snop;
	(pc) =	sbr.rel @p0 .LBB2_2-.Ltmp0, $4  }
0x21: {  	_ = 	snop  }
0x22: {  	s15 =	sadd.s32 $0x140, s15  }
0x23: {  	_ =	swait.ge [sflag:s10], $0x500  }
0x24: {  	[sflag:s10] =	ssyncset.done $0x0  }
0x25: {  	s14 =	sadd.s32 $0x1, s14  }
0x26: {  	[sflag:s10] =	ssyncadd.s32 $0xFFFFFB00;
	p0 =	sne.s32 s14, s8  }
.Ltmp1:
0x27: {  	[bflag:$0x0] =	sbarrier.arrive $0xFFFF;
	(pc) =	sbr.rel @p0 .LBB2_1-.Ltmp1, $4  }
0x28: {  	[hbm:s7], [sflag:s11] =	dma.local [spmem:s12], $0x500  }
0x29: {  	_ =	swait.ge [sflag:s10], $0x500  }
0x2a: {  	[sflag:s10] =	ssyncset.done $0x0  }
0x2b: {  	[sflag:s10] =	ssyncadd.s32 $0xFFFFFB00  }
0x2c: {  	_ =	sfence.sel $0x180000  }
0x2d: {  	[bflag:$0x0] =	sbarrier.arrive $0xFFFF  }
0x2e: {  	p0 =	sne.s32 s0, $0x0;
	_ =	strace $0x90000047  }
0x2f: {  	s0 =	sadd.s32 @!p0 $0x100000, s1;
	[bflag:$0x2] =	sbarrier.arrive $0xFFFF  }
0x30: {  	[sflag:s0] =	ssyncadd.tile.s32 @!p0 $0x1;
	_ =	shalt  }
.Lfunc_end2:
_tile_overlayer_lowered:
.L_overlay_start_2:
0x31: {  	(tag) =	ssettag $0x2  }
0x32: {  	s0 =	rddreg [dreg:$0x0];
	s2 =	stileid.u32  }
0x33: {  	s1 =	rddreg [dreg:$0x1];
	p0 =	sne.s32 s2, $0x0  }
0x34: {  	s3 =	rddreg [dreg:$0x2];
	[bflag:$0x3] =	sbarrier.arrive $0xFFFF;
	s2 =	simm.s32 @!p0 $0x1C01  }
0x35: {  	[timem:s3], [sflag:s2] =	dma.local @!p0 [hbm:s0], s1  }
0x36: {  	s0 =	simm.s32 @!p0 $0x1  }
0x37: {  	_ =	swait.ge @!p0 [sflag:s0], s1  }
0x38: {  	s1 =	ssub.s32 @!p0 $0x0, s1;
	[sflag:s0] =	ssyncset.done @!p0 $0x0  }
0x39: {  	[sflag:s0] =	ssyncadd.s32 @!p0 s1  }
0x3a: {  	[bflag:$0x3] =	sbarrier.arrive $0xFFFF  }
0x3b: {  	_ =	shalt  }

</sc_bundles>
